<compile_context>
chip_gen: v7x
topology: tpu7x:2x2x1
jax: 0.10.2.dev20260603
libtpu: 0.0.44.dev20260713+nightly
codegen_flags: <defaults>
</compile_context>

<pallas_src>
import functools

import jax
import jax.numpy as jnp
from jax import lax
from jax.experimental import pallas as pl
from jax.experimental.pallas import tpu as pltpu
from jax.experimental.pallas import tpu_sc as plsc

NY, NX, C = 496, 432, 64
M = NY * NX
N_VOX = 120000
BLK = 128
NBPW_MAX = 54
RPW_MAX = NBPW_MAX * BLK
NZ = 1024
IDX_PAD = 120320
ROWS_PER_CHUNK = 47
NCHUNK = IDX_PAD // (ROWS_PER_CHUNK * 128)
OOR = 1 << 21
QUAD_MAX = 216 * BLK


def _sc_body(idx_hbm, feat_hbm, out_hbm, owner, partner, shared,
             idxb0, idxb1, rows0, rows1,
             trans, si0, si1, sg0, sg1, sw0, sw1):
    idxb = (idxb0, idxb1)
    rows = (rows0, rows1)
    sems_g = (sg0, sg1)
    sems_w = (sw0, sw1)
    sid = lax.axis_index("s")
    wid = lax.axis_index("c") * 16 + sid
    lane = lax.iota(jnp.int32, 16)
    start_block = 52 * wid + 2 * jnp.minimum(wid, 5)
    nb = jnp.where(wid < 5, 54, 52)
    wbase = wid & ~3
    grp = wid & 3

    def _nb(w):
        return jnp.where(w < 5, 54, 52)

    def _sb(w):
        return 52 * w + 2 * jnp.minimum(w, 5)

    nb_quad = _nb(wbase) + _nb(wbase + 1) + _nb(wbase + 2) + _nb(wbase + 3)
    lo = _sb(wbase) * BLK
    myoff = (start_block - _sb(wbase)) * BLK
    rpw_u = (nb_quad * BLK).astype(jnp.uint32)

    @plsc.parallel_loop(0, QUAD_MAX // 16, unroll=8)
    def initb(t):
        owner[pl.ds(t * 16, 16)] = jnp.full((16,), -1, jnp.int32)

    sems_i = (si0, si1)
    kgrp = grp * ROWS_PER_CHUNK
    hs = [pltpu.async_copy(idx_hbm.at[pl.ds(kgrp, ROWS_PER_CHUNK)], idxb[0],
                           si0), None]
    for k in range(NCHUNK // 4):
        p = k & 1
        if k + 1 < NCHUNK // 4:
            hs[1 - p] = pltpu.async_copy(
                idx_hbm.at[pl.ds(kgrp + (k + 1) * 4 * ROWS_PER_CHUNK,
                                 ROWS_PER_CHUNK)],
                idxb[1 - p], sems_i[1 - p])
        hs[p].wait()

        def scan_t(t, carry, p=p, kbase=k * 4 * ROWS_PER_CHUNK * 128):
            rowb = kbase + kgrp * 128 + t * 128
            for j in range(8):
                idx16 = idxb[p][t, pl.ds(j * 16, 16)]
                loc = idx16 - lo
                inr = plsc.bitcast(loc, jnp.uint32) < rpw_u
                ivec = rowb + j * 16 + lane
                _, lastm = plsc.scan_count(loc, mask=inr)
                plsc.store_scatter(owner, [loc], ivec, mask=lastm & inr)
            return carry
        lax.fori_loop(0, ROWS_PER_CHUNK, scan_t, 0)

    pltpu.sync_copy(owner, shared.at[sid])
    plsc.subcore_barrier()
    sbase = sid & ~3
    for q in range(3):
        psid = sbase + jnp.where(grp <= q, q + 1, q)
        pltpu.sync_copy(shared.at[psid, pl.ds(myoff, RPW_MAX)], partner)

        if q < 2:
            @plsc.parallel_loop(0, RPW_MAX // 16, unroll=8)
            def mergeb(t):
                a = owner[pl.ds(myoff + t * 16, 16)]
                b = partner[pl.ds(t * 16, 16)]
                owner[pl.ds(myoff + t * 16, 16)] = jnp.maximum(a, b)
        else:
            @plsc.parallel_loop(0, RPW_MAX // 16, unroll=8)
            def mergeb(t):
                a = owner[pl.ds(myoff + t * 16, 16)]
                b = partner[pl.ds(t * 16, 16)]
                m = jnp.maximum(a, b)
                sent = N_VOX + ((t * 16 + lane) & (NZ - 1))
                owner[pl.ds(myoff + t * 16, 16)] = jnp.where(m < 0, sent, m)

    cols = [cg * 16 + lane for cg in range(4)]
    zero16 = jnp.zeros((16,), jnp.int32)

    def gather_blk(b, p):
        pltpu.async_copy(
            feat_hbm.at[owner.at[pl.ds(myoff + b * BLK, BLK)]],
            rows[p], sems_g[p])

    def wait_gather(p):
        pltpu.make_async_copy(
            feat_hbm.at[owner.at[pl.ds(0, BLK)]], rows[p], sems_g[p]).wait()

    gather_blk(0, 0)
    gather_blk(1, 1)

    def pair(j, carry):
        for p in range(2):
            b = 2 * j + p
            wait_gather(p)

            @pl.when(j > 0)
            def _(p=p):
                pltpu.make_async_copy(
                    trans.at[:, pl.ds(p * BLK, BLK)],
                    out_hbm.at[:, pl.ds(0, BLK)], sems_w[p]).wait()

            @plsc.parallel_loop(0, BLK, unroll=8)
            def transp(r, p=p):
                rs = zero16 + (p * BLK + r)
                for cg in range(4):
                    v = rows[p][r, pl.ds(cg * 16, 16)]
                    plsc.store_scatter(trans, [cols[cg], rs], v)

            pltpu.async_copy(
                trans.at[:, pl.ds(p * BLK, BLK)],
                out_hbm.at[:, pl.ds((start_block + b) * BLK, BLK)], sems_w[p])

            @pl.when(b + 2 < nb)
            def _(b=b, p=p):
                gather_blk(b + 2, p)
        return carry
    lax.fori_loop(0, nb // 2, pair, 0)

    for p in range(2):
        pltpu.make_async_copy(
            trans.at[:, pl.ds(p * BLK, BLK)],
            out_hbm.at[:, pl.ds(0, BLK)], sems_w[p]).wait()


_sc_scatter = functools.partial(
    pl.kernel,
    out_type=jax.ShapeDtypeStruct((C, M), jnp.float32),
    mesh=plsc.VectorSubcoreMesh(core_axis_name="c", subcore_axis_name="s"),
    compiler_params=pltpu.CompilerParams(
        needs_layout_passes=False, use_tc_tiling_on_sc=False),
    scratch_types=[
        pltpu.VMEM((QUAD_MAX,), jnp.int32),
        pltpu.VMEM((RPW_MAX,), jnp.int32),
        pltpu.VMEM_SHARED((16, QUAD_MAX), jnp.int32),
        pltpu.VMEM((ROWS_PER_CHUNK, 128), jnp.int32),
        pltpu.VMEM((ROWS_PER_CHUNK, 128), jnp.int32),
        pltpu.VMEM((BLK, C), jnp.float32),
        pltpu.VMEM((BLK, C), jnp.float32),
        pltpu.VMEM((C, 2 * BLK + 1), jnp.float32),
        pltpu.SemaphoreType.DMA,
        pltpu.SemaphoreType.DMA,
        pltpu.SemaphoreType.DMA,
        pltpu.SemaphoreType.DMA,
        pltpu.SemaphoreType.DMA,
        pltpu.SemaphoreType.DMA,
    ],
)(_sc_body)


def kernel(voxel_features, coors):
    idx = coors[:, 1] * NX + coors[:, 2]
    idx_pad = jnp.concatenate(
        [idx, jnp.full((IDX_PAD - N_VOX,), OOR, jnp.int32)]).reshape(-1, 128)
    feat_ext = jnp.concatenate(
        [voxel_features, jnp.zeros((NZ, C), jnp.float32)], axis=0)
    canvas = _sc_scatter(idx_pad, feat_ext)
    return (jnp.reshape(canvas, (1, C, NY, NX)),)

# --- scband reference (transcript-rebuilt; emitter-appended) ---
"""Pipeline reference for scband-point-pillars-scatter-48911087567669 (READ-ONLY COPY).

The authoritative reference and input builder live on the scoring server;
editing this copy changes nothing except your own understanding.
"""

import jax, jax.numpy as jnp
import numpy as np

NY = 496
NX = 432
C = 64
N_VOXELS = 120000


def setup_inputs(seed: int = 0) -> dict:
    key = jax.random.key(seed)
    k1, k2 = jax.random.split(key)
    voxel_features = jax.random.normal(k1, (N_VOXELS, C), dtype=jnp.float32)
    # coors columns: (sample_id, y, x). Values in [0, 432) are valid for both y (<496) and x (<432).
    coors = jax.random.randint(k2, (N_VOXELS, 3), 0, 432, dtype=jnp.int32)
    return {"voxel_features": voxel_features, "coors": coors}


def reference(voxel_features, coors):
    # forward_single of PointPillarsScatter: scatter pillar features into a dense BEV canvas.
    canvas = jnp.zeros((C, NX * NY), dtype=voxel_features.dtype)
    indices = coors[:, 1] * NX + coors[:, 2]
    voxels = jnp.transpose(voxel_features)  # (C, N)
    canvas = canvas.at[:, indices].set(voxels)  # scatter-overwrite
    canvas = jnp.reshape(canvas, (1, C, NY, NX))
    return (canvas,)

if __name__ == "__main__":
    import jax
    _d = setup_inputs()
    print(jax.jit(kernel)(*tuple(_d.values())))

</pallas_src>

<mosaic_0001>
#map = affine_map<(d0, d1) -> (0, 0)>
module attributes {stable_mosaic.version = 14 : i64} {
  func.func @_sc_body(%arg0: i32, %arg1: i32, %arg2: memref<940x128xi32, #tpu.memory_space<hbm>>, %arg3: memref<121024x64xf32, #tpu.memory_space<hbm>>, %arg4: memref<64x214272xf32, #tpu.memory_space<hbm>>, %arg5: memref<27648xi32, #tpu.memory_space<vmem>>, %arg6: memref<6912xi32, #tpu.memory_space<vmem>>, %arg7: memref<16x27648xi32, #tpu.memory_space<vmem_shared>>, %arg8: memref<47x128xi32, #tpu.memory_space<vmem>>, %arg9: memref<47x128xi32, #tpu.memory_space<vmem>>, %arg10: memref<128x64xf32, #tpu.memory_space<vmem>>, %arg11: memref<128x64xf32, #tpu.memory_space<vmem>>, %arg12: memref<64x257xf32, #tpu.memory_space<vmem>>, %arg13: memref<!tpu.dma_semaphore, #tpu.memory_space<semaphore_mem>>, %arg14: memref<!tpu.dma_semaphore, #tpu.memory_space<semaphore_mem>>, %arg15: memref<!tpu.dma_semaphore, #tpu.memory_space<semaphore_mem>>, %arg16: memref<!tpu.dma_semaphore, #tpu.memory_space<semaphore_mem>>, %arg17: memref<!tpu.dma_semaphore, #tpu.memory_space<semaphore_mem>>, %arg18: memref<!tpu.dma_semaphore, #tpu.memory_space<semaphore_mem>>) attributes {dimension_semantics = [#tpu.dimension_semantics<core_parallel>, #tpu.dimension_semantics<subcore_parallel>], iteration_bounds = array<i64: 2, 16>, scalar_prefetch = 0 : i64, scratch_operands = 14 : i64, tpu.core_type = #tpu.core_type<sc_vector_subcore>, window_params = [{transform_indices = #map}, {transform_indices = #map}, {transform_indices = #map}]} {
    %mul3A = arith.constant 16 : i32
    %mul3A_0 = arith.muli %arg0, %mul3A : i32
    %add3A = arith.addi %mul3A_0, %arg1 : i32
    %iota3A = tpu.iota {dimensions = array<i32: 0>} : vector<16xi32>
    %mul3A_1 = arith.constant 52 : i32
    %mul3A_2 = arith.muli %mul3A_1, %add3A : i32
    %min3A = arith.constant 5 : i32
    %min3A_3 = arith.minsi %add3A, %min3A : i32
    %mul3A_4 = arith.constant 2 : i32
    %mul3A_5 = arith.muli %mul3A_4, %min3A_3 : i32
    %add3A_6 = arith.addi %mul3A_2, %mul3A_5 : i32
    %lt3A = arith.constant 5 : i32
    %lt3A_7 = arith.cmpi slt, %add3A, %lt3A : i32
    %jit3A = arith.constant 54 : i32
    %jit3A_8 = arith.constant 52 : i32
    %select_n3A = arith.select %lt3A_7, %jit3A, %jit3A_8 : i32
    %and3A = arith.constant -4 : i32
    %and3A_9 = arith.andi %add3A, %and3A : i32
    %and3A_10 = arith.constant 3 : i32
    %and3A_11 = arith.andi %add3A, %and3A_10 : i32
    %lt3A_12 = arith.constant 5 : i32
    %lt3A_13 = arith.cmpi slt, %and3A_9, %lt3A_12 : i32
    %jit3A_14 = arith.constant 54 : i32
    %jit3A_15 = arith.constant 52 : i32
    %select_n3A_16 = arith.select %lt3A_13, %jit3A_14, %jit3A_15 : i32
    %add3A_17 = arith.constant 1 : i32
    %add3A_18 = arith.addi %and3A_9, %add3A_17 : i32
    %lt3A_19 = arith.constant 5 : i32
    %lt3A_20 = arith.cmpi slt, %add3A_18, %lt3A_19 : i32
    %jit3A_21 = arith.constant 54 : i32
    %jit3A_22 = arith.constant 52 : i32
    %select_n3A_23 = arith.select %lt3A_20, %jit3A_21, %jit3A_22 : i32
    %add3A_24 = arith.addi %select_n3A_16, %select_n3A_23 : i32
    %add3A_25 = arith.constant 2 : i32
    %add3A_26 = arith.addi %and3A_9, %add3A_25 : i32
    %lt3A_27 = arith.constant 5 : i32
    %lt3A_28 = arith.cmpi slt, %add3A_26, %lt3A_27 : i32
    %jit3A_29 = arith.constant 54 : i32
    %jit3A_30 = arith.constant 52 : i32
    %select_n3A_31 = arith.select %lt3A_28, %jit3A_29, %jit3A_30 : i32
    %add3A_32 = arith.addi %add3A_24, %select_n3A_31 : i32
    %add3A_33 = arith.constant 3 : i32
    %add3A_34 = arith.addi %and3A_9, %add3A_33 : i32
    %lt3A_35 = arith.constant 5 : i32
    %lt3A_36 = arith.cmpi slt, %add3A_34, %lt3A_35 : i32
    %jit3A_37 = arith.constant 54 : i32
    %jit3A_38 = arith.constant 52 : i32
    %select_n3A_39 = arith.select %lt3A_36, %jit3A_37, %jit3A_38 : i32
    %add3A_40 = arith.addi %add3A_32, %select_n3A_39 : i32
    %mul3A_41 = arith.constant 52 : i32
    %mul3A_42 = arith.muli %mul3A_41, %and3A_9 : i32
    %min3A_43 = arith.constant 5 : i32
    %min3A_44 = arith.minsi %and3A_9, %min3A_43 : i32
    %mul3A_45 = arith.constant 2 : i32
    %mul3A_46 = arith.muli %mul3A_45, %min3A_44 : i32
    %add3A_47 = arith.addi %mul3A_42, %mul3A_46 : i32
    %mul3A_48 = arith.constant 128 : i32
    %mul3A_49 = arith.muli %add3A_47, %mul3A_48 : i32
    %mul3A_50 = arith.constant 52 : i32
    %mul3A_51 = arith.muli %mul3A_50, %and3A_9 : i32
    %min3A_52 = arith.constant 5 : i32
    %min3A_53 = arith.minsi %and3A_9, %min3A_52 : i32
    %mul3A_54 = arith.constant 2 : i32
    %mul3A_55 = arith.muli %mul3A_54, %min3A_53 : i32
    %add3A_56 = arith.addi %mul3A_51, %mul3A_55 : i32
    %sub3A = arith.subi %add3A_6, %add3A_56 : i32
    %mul3A_57 = arith.constant 128 : i32
    %mul3A_58 = arith.muli %sub3A, %mul3A_57 : i32
    %mul3A_59 = arith.constant 128 : i32
    %mul3A_60 = arith.muli %add3A_40, %mul3A_59 : i32
    %parallel_loop3A = arith.constant 0 : i32
    %parallel_loop3A_61 = arith.constant 1728 : i32
    %parallel_loop3A_62 = arith.constant 1 : i32
    scf.for %parallel_loop3A_246 = %parallel_loop3A to %parallel_loop3A_61 step %parallel_loop3A_62  : i32 {
      %parallel_loop3A_247 = arith.constant -1 : i32
      %parallel_loop3A_248 = vector.broadcast %parallel_loop3A_247 : i32 to vector<16xi32>
      %parallel_loop3A_249 = arith.constant 16 : i32
      %parallel_loop3A_250 = arith.muli %parallel_loop3A_246, %parallel_loop3A_249 : i32
      %parallel_loop3A_251 = arith.index_cast %parallel_loop3A_250 : i32 to index
      %parallel_loop3A_252 = tpu.vector_load %arg5[%parallel_loop3A_251] {strides = array<i32>} : memref<27648xi32, #tpu.memory_space<vmem>>, vector<16xi32>,
      tpu.vector_store %arg5[%parallel_loop3A_251], %parallel_loop3A_248 {strides = array<i32>} : memref<27648xi32, #tpu.memory_space<vmem>>, vector<16xi32>,
    } {sc.loop_unroll_factor = 8 : i64, sc.parallel_access}
    %mul3A_63 = arith.constant 47 : i32
    %mul3A_64 = arith.muli %and3A_11, %mul3A_63 : i32
    %dma_start3A = arith.constant 0 : i32
    %dma_start3A_65 = tpu.memref_slice %arg2[%mul3A_64, %dma_start3A] : memref<940x128xi32, #tpu.memory_space<hbm>> -> memref<47x128xi32, #tpu.memory_space<hbm>>
    %dma_start3A_66 = arith.constant 0 : i32
    %dma_start3A_67 = tpu.memref_slice %arg2[%mul3A_64, %dma_start3A_66] : memref<940x128xi32, #tpu.memory_space<hbm>> -> memref<47x128xi32, #tpu.memory_space<hbm>>
    tpu.enqueue_dma source(%dma_start3A_67 : memref<47x128xi32, #tpu.memory_space<hbm>>) target(%arg8 : memref<47x128xi32, #tpu.memory_space<vmem>>) target_semaphore(%arg13 : memref<!tpu.dma_semaphore, #tpu.memory_space<semaphore_mem>>)
    %add3A_68 = arith.constant 188 : i32
    %add3A_69 = arith.addi %mul3A_64, %add3A_68 : i32
    %dma_start3A_70 = arith.constant 0 : i32
    %dma_start3A_71 = tpu.memref_slice %arg2[%add3A_69, %dma_start3A_70] : memref<940x128xi32, #tpu.memory_space<hbm>> -> memref<47x128xi32, #tpu.memory_space<hbm>>
    %dma_start3A_72 = arith.constant 0 : i32
    %dma_start3A_73 = tpu.memref_slice %arg2[%add3A_69, %dma_start3A_72] : memref<940x128xi32, #tpu.memory_space<hbm>> -> memref<47x128xi32, #tpu.memory_space<hbm>>
    tpu.enqueue_dma source(%dma_start3A_73 : memref<47x128xi32, #tpu.memory_space<hbm>>) target(%arg9 : memref<47x128xi32, #tpu.memory_space<vmem>>) target_semaphore(%arg14 : memref<!tpu.dma_semaphore, #tpu.memory_space<semaphore_mem>>)
    %dma_wait3A = arith.constant 0 : i32
    %dma_wait3A_74 = tpu.memref_slice %arg2[%mul3A_64, %dma_wait3A] : memref<940x128xi32, #tpu.memory_space<hbm>> -> memref<47x128xi32, #tpu.memory_space<hbm>>
    %dma_wait3A_75 = arith.constant 0 : i32
    %dma_wait3A_76 = tpu.memref_slice %arg2[%mul3A_64, %dma_wait3A_75] : memref<940x128xi32, #tpu.memory_space<hbm>> -> memref<47x128xi32, #tpu.memory_space<hbm>>
    tpu.wait_dma2 semaphore(%arg13 : memref<!tpu.dma_semaphore, #tpu.memory_space<semaphore_mem>>) src(%dma_wait3A_76 : memref<47x128xi32, #tpu.memory_space<hbm>>) dst(%arg8 : memref<47x128xi32, #tpu.memory_space<vmem>>)
    %scan3A = arith.constant 0 : i32
    %scan3A_77 = arith.constant 0 : i32
    %scan3A_78 = arith.constant 47 : i32
    %scan3A_79 = arith.addi %scan3A_77, %scan3A_78 : i32
    %scan3A_80 = arith.constant 1 : i32
    scf.for %scan3A_246 = %scan3A_77 to %scan3A_79 step %scan3A_80  : i32 {
      %mul3A_247 = arith.constant 128 : i32
      %mul3A_248 = arith.muli %mul3A_64, %mul3A_247 : i32
      %add3A_249 = arith.constant 0 : i32
      %add3A_250 = arith.addi %add3A_249, %mul3A_248 : i32
      %mul3A_251 = arith.constant 128 : i32
      %mul3A_252 = arith.muli %scan3A_246, %mul3A_251 : i32
      %add3A_253 = arith.addi %add3A_250, %mul3A_252 : i32
      %get3A = arith.index_cast %scan3A_246 : i32 to index
      %get3A_254 = arith.constant 0 : index
      %get3A_255 = tpu.vector_load %arg8[%get3A, %get3A_254] {strides = array<i32>} : memref<47x128xi32, #tpu.memory_space<vmem>>, vector<16xi32>,
      %sub3A_256 = vector.broadcast %mul3A_49 : i32 to vector<16xi32>
      %sub3A_257 = arith.subi %get3A_255, %sub3A_256 : vector<16xi32>
      %bitcast3A = vector.bitcast %sub3A_257 : vector<16xi32> to vector<16xi32>
      %lt3A_258 = vector.broadcast %mul3A_60 : i32 to vector<16xi32>
      %lt3A_259 = arith.cmpi ult, %bitcast3A, %lt3A_258 : vector<16xi32>
      %add3A_260 = arith.constant 0 : i32
      %add3A_261 = arith.addi %add3A_253, %add3A_260 : i32
      %add3A_262 = vector.broadcast %add3A_261 : i32 to vector<16xi32>
      %add3A_263 = arith.addi %add3A_262, %iota3A : vector<16xi32>
      %unique3A, %unique3A_264 = tpu.scan_count mask(%lt3A_259 : vector<16xi1>) value(%sub3A_257 : vector<16xi32>) : vector<16xi1>, vector<16xi32>
      %and3A_265 = arith.andi %unique3A, %lt3A_259 : vector<16xi1>
      tpu.vector_store_idx %arg5[%sub3A_257], %add3A_263 masked %and3A_265 : memref<27648xi32, #tpu.memory_space<vmem>>[vector<16xi32>], vector<16xi32>, vector<16xi1>
      %get3A_266 = arith.index_cast %scan3A_246 : i32 to index
      %get3A_267 = arith.constant 16 : index
      %get3A_268 = tpu.vector_load %arg8[%get3A_266, %get3A_267] {strides = array<i32>} : memref<47x128xi32, #tpu.memory_space<vmem>>, vector<16xi32>,
      %sub3A_269 = vector.broadcast %mul3A_49 : i32 to vector<16xi32>
      %sub3A_270 = arith.subi %get3A_268, %sub3A_269 : vector<16xi32>
      %bitcast3A_271 = vector.bitcast %sub3A_270 : vector<16xi32> to vector<16xi32>
      %lt3A_272 = vector.broadcast %mul3A_60 : i32 to vector<16xi32>
      %lt3A_273 = arith.cmpi ult, %bitcast3A_271, %lt3A_272 : vector<16xi32>
      %add3A_274 = arith.constant 16 : i32
      %add3A_275 = arith.addi %add3A_253, %add3A_274 : i32
      %add3A_276 = vector.broadcast %add3A_275 : i32 to vector<16xi32>
      %add3A_277 = arith.addi %add3A_276, %iota3A : vector<16xi32>
      %unique3A_278, %unique3A_279 = tpu.scan_count mask(%lt3A_273 : vector<16xi1>) value(%sub3A_270 : vector<16xi32>) : vector<16xi1>, vector<16xi32>
      %and3A_280 = arith.andi %unique3A_278, %lt3A_273 : vector<16xi1>
      tpu.vector_store_idx %arg5[%sub3A_270], %add3A_277 masked %and3A_280 : memref<27648xi32, #tpu.memory_space<vmem>>[vector<16xi32>], vector<16xi32>, vector<16xi1>
      %get3A_281 = arith.index_cast %scan3A_246 : i32 to index
      %get3A_282 = arith.constant 32 : index
      %get3A_283 = tpu.vector_load %arg8[%get3A_281, %get3A_282] {strides = array<i32>} : memref<47x128xi32, #tpu.memory_space<vmem>>, vector<16xi32>,
      %sub3A_284 = vector.broadcast %mul3A_49 : i32 to vector<16xi32>
      %sub3A_285 = arith.subi %get3A_283, %sub3A_284 : vector<16xi32>
      %bitcast3A_286 = vector.bitcast %sub3A_285 : vector<16xi32> to vector<16xi32>
      %lt3A_287 = vector.broadcast %mul3A_60 : i32 to vector<16xi32>
      %lt3A_288 = arith.cmpi ult, %bitcast3A_286, %lt3A_287 : vector<16xi32>
      %add3A_289 = arith.constant 32 : i32
      %add3A_290 = arith.addi %add3A_253, %add3A_289 : i32
      %add3A_291 = vector.broadcast %add3A_290 : i32 to vector<16xi32>
      %add3A_292 = arith.addi %add3A_291, %iota3A : vector<16xi32>
      %unique3A_293, %unique3A_294 = tpu.scan_count mask(%lt3A_288 : vector<16xi1>) value(%sub3A_285 : vector<16xi32>) : vector<16xi1>, vector<16xi32>
      %and3A_295 = arith.andi %unique3A_293, %lt3A_288 : vector<16xi1>
      tpu.vector_store_idx %arg5[%sub3A_285], %add3A_292 masked %and3A_295 : memref<27648xi32, #tpu.memory_space<vmem>>[vector<16xi32>], vector<16xi32>, vector<16xi1>
      %get3A_296 = arith.index_cast %scan3A_246 : i32 to index
      %get3A_297 = arith.constant 48 : index
      %get3A_298 = tpu.vector_load %arg8[%get3A_296, %get3A_297] {strides = array<i32>} : memref<47x128xi32, #tpu.memory_space<vmem>>, vector<16xi32>,
      %sub3A_299 = vector.broadcast %mul3A_49 : i32 to vector<16xi32>
      %sub3A_300 = arith.subi %get3A_298, %sub3A_299 : vector<16xi32>
      %bitcast3A_301 = vector.bitcast %sub3A_300 : vector<16xi32> to vector<16xi32>
      %lt3A_302 = vector.broadcast %mul3A_60 : i32 to vector<16xi32>
      %lt3A_303 = arith.cmpi ult, %bitcast3A_301, %lt3A_302 : vector<16xi32>
      %add3A_304 = arith.constant 48 : i32
      %add3A_305 = arith.addi %add3A_253, %add3A_304 : i32
      %add3A_306 = vector.broadcast %add3A_305 : i32 to vector<16xi32>
      %add3A_307 = arith.addi %add3A_306, %iota3A : vector<16xi32>
      %unique3A_308, %unique3A_309 = tpu.scan_count mask(%lt3A_303 : vector<16xi1>) value(%sub3A_300 : vector<16xi32>) : vector<16xi1>, vector<16xi32>
      %and3A_310 = arith.andi %unique3A_308, %lt3A_303 : vector<16xi1>
      tpu.vector_store_idx %arg5[%sub3A_300], %add3A_307 masked %and3A_310 : memref<27648xi32, #tpu.memory_space<vmem>>[vector<16xi32>], vector<16xi32>, vector<16xi1>
      %get3A_311 = arith.index_cast %scan3A_246 : i32 to index
      %get3A_312 = arith.constant 64 : index
      %get3A_313 = tpu.vector_load %arg8[%get3A_311, %get3A_312] {strides = array<i32>} : memref<47x128xi32, #tpu.memory_space<vmem>>, vector<16xi32>,
      %sub3A_314 = vector.broadcast %mul3A_49 : i32 to vector<16xi32>
      %sub3A_315 = arith.subi %get3A_313, %sub3A_314 : vector<16xi32>
      %bitcast3A_316 = vector.bitcast %sub3A_315 : vector<16xi32> to vector<16xi32>
      %lt3A_317 = vector.broadcast %mul3A_60 : i32 to vector<16xi32>
      %lt3A_318 = arith.cmpi ult, %bitcast3A_316, %lt3A_317 : vector<16xi32>
      %add3A_319 = arith.constant 64 : i32
      %add3A_320 = arith.addi %add3A_253, %add3A_319 : i32
      %add3A_321 = vector.broadcast %add3A_320 : i32 to vector<16xi32>
      %add3A_322 = arith.addi %add3A_321, %iota3A : vector<16xi32>
      %unique3A_323, %unique3A_324 = tpu.scan_count mask(%lt3A_318 : vector<16xi1>) value(%sub3A_315 : vector<16xi32>) : vector<16xi1>, vector<16xi32>
      %and3A_325 = arith.andi %unique3A_323, %lt3A_318 : vector<16xi1>
      tpu.vector_store_idx %arg5[%sub3A_315], %add3A_322 masked %and3A_325 : memref<27648xi32, #tpu.memory_space<vmem>>[vector<16xi32>], vector<16xi32>, vector<16xi1>
      %get3A_326 = arith.index_cast %scan3A_246 : i32 to index
      %get3A_327 = arith.constant 80 : index
      %get3A_328 = tpu.vector_load %arg8[%get3A_326, %get3A_327] {strides = array<i32>} : memref<47x128xi32, #tpu.memory_space<vmem>>, vector<16xi32>,
      %sub3A_329 = vector.broadcast %mul3A_49 : i32 to vector<16xi32>
      %sub3A_330 = arith.subi %get3A_328, %sub3A_329 : vector<16xi32>
      %bitcast3A_331 = vector.bitcast %sub3A_330 : vector<16xi32> to vector<16xi32>
      %lt3A_332 = vector.broadcast %mul3A_60 : i32 to vector<16xi32>
      %lt3A_333 = arith.cmpi ult, %bitcast3A_331, %lt3A_332 : vector<16xi32>
      %add3A_334 = arith.constant 80 : i32
      %add3A_335 = arith.addi %add3A_253, %add3A_334 : i32
      %add3A_336 = vector.broadcast %add3A_335 : i32 to vector<16xi32>
      %add3A_337 = arith.addi %add3A_336, %iota3A : vector<16xi32>
      %unique3A_338, %unique3A_339 = tpu.scan_count mask(%lt3A_333 : vector<16xi1>) value(%sub3A_330 : vector<16xi32>) : vector<16xi1>, vector<16xi32>
      %and3A_340 = arith.andi %unique3A_338, %lt3A_333 : vector<16xi1>
      tpu.vector_store_idx %arg5[%sub3A_330], %add3A_337 masked %and3A_340 : memref<27648xi32, #tpu.memory_space<vmem>>[vector<16xi32>], vector<16xi32>, vector<16xi1>
      %get3A_341 = arith.index_cast %scan3A_246 : i32 to index
      %get3A_342 = arith.constant 96 : index
      %get3A_343 = tpu.vector_load %arg8[%get3A_341, %get3A_342] {strides = array<i32>} : memref<47x128xi32, #tpu.memory_space<vmem>>, vector<16xi32>,
      %sub3A_344 = vector.broadcast %mul3A_49 : i32 to vector<16xi32>
      %sub3A_345 = arith.subi %get3A_343, %sub3A_344 : vector<16xi32>
      %bitcast3A_346 = vector.bitcast %sub3A_345 : vector<16xi32> to vector<16xi32>
      %lt3A_347 = vector.broadcast %mul3A_60 : i32 to vector<16xi32>
      %lt3A_348 = arith.cmpi ult, %bitcast3A_346, %lt3A_347 : vector<16xi32>
      %add3A_349 = arith.constant 96 : i32
      %add3A_350 = arith.addi %add3A_253, %add3A_349 : i32
      %add3A_351 = vector.broadcast %add3A_350 : i32 to vector<16xi32>
      %add3A_352 = arith.addi %add3A_351, %iota3A : vector<16xi32>
      %unique3A_353, %unique3A_354 = tpu.scan_count mask(%lt3A_348 : vector<16xi1>) value(%sub3A_345 : vector<16xi32>) : vector<16xi1>, vector<16xi32>
      %and3A_355 = arith.andi %unique3A_353, %lt3A_348 : vector<16xi1>
      tpu.vector_store_idx %arg5[%sub3A_345], %add3A_352 masked %and3A_355 : memref<27648xi32, #tpu.memory_space<vmem>>[vector<16xi32>], vector<16xi32>, vector<16xi1>
      %get3A_356 = arith.index_cast %scan3A_246 : i32 to index
      %get3A_357 = arith.constant 112 : index
      %get3A_358 = tpu.vector_load %arg8[%get3A_356, %get3A_357] {strides = array<i32>} : memref<47x128xi32, #tpu.memory_space<vmem>>, vector<16xi32>,
      %sub3A_359 = vector.broadcast %mul3A_49 : i32 to vector<16xi32>
      %sub3A_360 = arith.subi %get3A_358, %sub3A_359 : vector<16xi32>
      %bitcast3A_361 = vector.bitcast %sub3A_360 : vector<16xi32> to vector<16xi32>
      %lt3A_362 = vector.broadcast %mul3A_60 : i32 to vector<16xi32>
      %lt3A_363 = arith.cmpi ult, %bitcast3A_361, %lt3A_362 : vector<16xi32>
      %add3A_364 = arith.constant 112 : i32
      %add3A_365 = arith.addi %add3A_253, %add3A_364 : i32
      %add3A_366 = vector.broadcast %add3A_365 : i32 to vector<16xi32>
      %add3A_367 = arith.addi %add3A_366, %iota3A : vector<16xi32>
      %unique3A_368, %unique3A_369 = tpu.scan_count mask(%lt3A_363 : vector<16xi1>) value(%sub3A_360 : vector<16xi32>) : vector<16xi1>, vector<16xi32>
      %and3A_370 = arith.andi %unique3A_368, %lt3A_363 : vector<16xi1>
      tpu.vector_store_idx %arg5[%sub3A_360], %add3A_367 masked %and3A_370 : memref<27648xi32, #tpu.memory_space<vmem>>[vector<16xi32>], vector<16xi32>, vector<16xi1>
    }
    %scan3A_81 = arith.constant 47 : i32
    %add3A_82 = arith.constant 376 : i32
    %add3A_83 = arith.addi %mul3A_64, %add3A_82 : i32
    %dma_start3A_84 = arith.constant 0 : i32
    %dma_start3A_85 = tpu.memref_slice %arg2[%add3A_83, %dma_start3A_84] : memref<940x128xi32, #tpu.memory_space<hbm>> -> memref<47x128xi32, #tpu.memory_space<hbm>>
    %dma_start3A_86 = arith.constant 0 : i32
    %dma_start3A_87 = tpu.memref_slice %arg2[%add3A_83, %dma_start3A_86] : memref<940x128xi32, #tpu.memory_space<hbm>> -> memref<47x128xi32, #tpu.memory_space<hbm>>
    tpu.enqueue_dma source(%dma_start3A_87 : memref<47x128xi32, #tpu.memory_space<hbm>>) target(%arg8 : memref<47x128xi32, #tpu.memory_space<vmem>>) target_semaphore(%arg13 : memref<!tpu.dma_semaphore, #tpu.memory_space<semaphore_mem>>)
    %dma_wait3A_88 = arith.constant 0 : i32
    %dma_wait3A_89 = tpu.memref_slice %arg2[%add3A_69, %dma_wait3A_88] : memref<940x128xi32, #tpu.memory_space<hbm>> -> memref<47x128xi32, #tpu.memory_space<hbm>>
    %dma_wait3A_90 = arith.constant 0 : i32
    %dma_wait3A_91 = tpu.memref_slice %arg2[%add3A_69, %dma_wait3A_90] : memref<940x128xi32, #tpu.memory_space<hbm>> -> memref<47x128xi32, #tpu.memory_space<hbm>>
    tpu.wait_dma2 semaphore(%arg14 : memref<!tpu.dma_semaphore, #tpu.memory_space<semaphore_mem>>) src(%dma_wait3A_91 : memref<47x128xi32, #tpu.memory_space<hbm>>) dst(%arg9 : memref<47x128xi32, #tpu.memory_space<vmem>>)
    %scan3A_92 = arith.constant 0 : i32
    %scan3A_93 = arith.constant 0 : i32
    %scan3A_94 = arith.constant 47 : i32
    %scan3A_95 = arith.addi %scan3A_93, %scan3A_94 : i32
    %scan3A_96 = arith.constant 1 : i32
    scf.for %scan3A_246 = %scan3A_93 to %scan3A_95 step %scan3A_96  : i32 {
      %mul3A_247 = arith.constant 128 : i32
      %mul3A_248 = arith.muli %mul3A_64, %mul3A_247 : i32
      %add3A_249 = arith.constant 24064 : i32
      %add3A_250 = arith.addi %add3A_249, %mul3A_248 : i32
      %mul3A_251 = arith.constant 128 : i32
      %mul3A_252 = arith.muli %scan3A_246, %mul3A_251 : i32
      %add3A_253 = arith.addi %add3A_250, %mul3A_252 : i32
      %get3A = arith.index_cast %scan3A_246 : i32 to index
      %get3A_254 = arith.constant 0 : index
      %get3A_255 = tpu.vector_load %arg9[%get3A, %get3A_254] {strides = array<i32>} : memref<47x128xi32, #tpu.memory_space<vmem>>, vector<16xi32>,
      %sub3A_256 = vector.broadcast %mul3A_49 : i32 to vector<16xi32>
      %sub3A_257 = arith.subi %get3A_255, %sub3A_256 : vector<16xi32>
      %bitcast3A = vector.bitcast %sub3A_257 : vector<16xi32> to vector<16xi32>
      %lt3A_258 = vector.broadcast %mul3A_60 : i32 to vector<16xi32>
      %lt3A_259 = arith.cmpi ult, %bitcast3A, %lt3A_258 : vector<16xi32>
      %add3A_260 = arith.constant 0 : i32
      %add3A_261 = arith.addi %add3A_253, %add3A_260 : i32
      %add3A_262 = vector.broadcast %add3A_261 : i32 to vector<16xi32>
      %add3A_263 = arith.addi %add3A_262, %iota3A : vector<16xi32>
      %unique3A, %unique3A_264 = tpu.scan_count mask(%lt3A_259 : vector<16xi1>) value(%sub3A_257 : vector<16xi32>) : vector<16xi1>, vector<16xi32>
      %and3A_265 = arith.andi %unique3A, %lt3A_259 : vector<16xi1>
      tpu.vector_store_idx %arg5[%sub3A_257], %add3A_263 masked %and3A_265 : memref<27648xi32, #tpu.memory_space<vmem>>[vector<16xi32>], vector<16xi32>, vector<16xi1>
      %get3A_266 = arith.index_cast %scan3A_246 : i32 to index
      %get3A_267 = arith.constant 16 : index
      %get3A_268 = tpu.vector_load %arg9[%get3A_266, %get3A_267] {strides = array<i32>} : memref<47x128xi32, #tpu.memory_space<vmem>>, vector<16xi32>,
      %sub3A_269 = vector.broadcast %mul3A_49 : i32 to vector<16xi32>
      %sub3A_270 = arith.subi %get3A_268, %sub3A_269 : vector<16xi32>
      %bitcast3A_271 = vector.bitcast %sub3A_270 : vector<16xi32> to vector<16xi32>
      %lt3A_272 = vector.broadcast %mul3A_60 : i32 to vector<16xi32>
      %lt3A_273 = arith.cmpi ult, %bitcast3A_271, %lt3A_272 : vector<16xi32>
      %add3A_274 = arith.constant 16 : i32
      %add3A_275 = arith.addi %add3A_253, %add3A_274 : i32
      %add3A_276 = vector.broadcast %add3A_275 : i32 to vector<16xi32>
      %add3A_277 = arith.addi %add3A_276, %iota3A : vector<16xi32>
      %unique3A_278, %unique3A_279 = tpu.scan_count mask(%lt3A_273 : vector<16xi1>) value(%sub3A_270 : vector<16xi32>) : vector<16xi1>, vector<16xi32>
      %and3A_280 = arith.andi %unique3A_278, %lt3A_273 : vector<16xi1>
      tpu.vector_store_idx %arg5[%sub3A_270], %add3A_277 masked %and3A_280 : memref<27648xi32, #tpu.memory_space<vmem>>[vector<16xi32>], vector<16xi32>, vector<16xi1>
      %get3A_281 = arith.index_cast %scan3A_246 : i32 to index
      %get3A_282 = arith.constant 32 : index
      %get3A_283 = tpu.vector_load %arg9[%get3A_281, %get3A_282] {strides = array<i32>} : memref<47x128xi32, #tpu.memory_space<vmem>>, vector<16xi32>,
      %sub3A_284 = vector.broadcast %mul3A_49 : i32 to vector<16xi32>
      %sub3A_285 = arith.subi %get3A_283, %sub3A_284 : vector<16xi32>
      %bitcast3A_286 = vector.bitcast %sub3A_285 : vector<16xi32> to vector<16xi32>
      %lt3A_287 = vector.broadcast %mul3A_60 : i32 to vector<16xi32>
      %lt3A_288 = arith.cmpi ult, %bitcast3A_286, %lt3A_287 : vector<16xi32>
      %add3A_289 = arith.constant 32 : i32
      %add3A_290 = arith.addi %add3A_253, %add3A_289 : i32
      %add3A_291 = vector.broadcast %add3A_290 : i32 to vector<16xi32>
      %add3A_292 = arith.addi %add3A_291, %iota3A : vector<16xi32>
      %unique3A_293, %unique3A_294 = tpu.scan_count mask(%lt3A_288 : vector<16xi1>) value(%sub3A_285 : vector<16xi32>) : vector<16xi1>, vector<16xi32>
      %and3A_295 = arith.andi %unique3A_293, %lt3A_288 : vector<16xi1>
      tpu.vector_store_idx %arg5[%sub3A_285], %add3A_292 masked %and3A_295 : memref<27648xi32, #tpu.memory_space<vmem>>[vector<16xi32>], vector<16xi32>, vector<16xi1>
      %get3A_296 = arith.index_cast %scan3A_246 : i32 to index
      %get3A_297 = arith.constant 48 : index
      %get3A_298 = tpu.vector_load %arg9[%get3A_296, %get3A_297] {strides = array<i32>} : memref<47x128xi32, #tpu.memory_space<vmem>>, vector<16xi32>,
      %sub3A_299 = vector.broadcast %mul3A_49 : i32 to vector<16xi32>
      %sub3A_300 = arith.subi %get3A_298, %sub3A_299 : vector<16xi32>
      %bitcast3A_301 = vector.bitcast %sub3A_300 : vector<16xi32> to vector<16xi32>
      %lt3A_302 = vector.broadcast %mul3A_60 : i32 to vector<16xi32>
      %lt3A_303 = arith.cmpi ult, %bitcast3A_301, %lt3A_302 : vector<16xi32>
      %add3A_304 = arith.constant 48 : i32
      %add3A_305 = arith.addi %add3A_253, %add3A_304 : i32
      %add3A_306 = vector.broadcast %add3A_305 : i32 to vector<16xi32>
      %add3A_307 = arith.addi %add3A_306, %iota3A : vector<16xi32>
      %unique3A_308, %unique3A_309 = tpu.scan_count mask(%lt3A_303 : vector<16xi1>) value(%sub3A_300 : vector<16xi32>) : vector<16xi1>, vector<16xi32>
      %and3A_310 = arith.andi %unique3A_308, %lt3A_303 : vector<16xi1>
      tpu.vector_store_idx %arg5[%sub3A_300], %add3A_307 masked %and3A_310 : memref<27648xi32, #tpu.memory_space<vmem>>[vector<16xi32>], vector<16xi32>, vector<16xi1>
      %get3A_311 = arith.index_cast %scan3A_246 : i32 to index
      %get3A_312 = arith.constant 64 : index
      %get3A_313 = tpu.vector_load %arg9[%get3A_311, %get3A_312] {strides = array<i32>} : memref<47x128xi32, #tpu.memory_space<vmem>>, vector<16xi32>,
      %sub3A_314 = vector.broadcast %mul3A_49 : i32 to vector<16xi32>
      %sub3A_315 = arith.subi %get3A_313, %sub3A_314 : vector<16xi32>
      %bitcast3A_316 = vector.bitcast %sub3A_315 : vector<16xi32> to vector<16xi32>
      %lt3A_317 = vector.broadcast %mul3A_60 : i32 to vector<16xi32>
      %lt3A_318 = arith.cmpi ult, %bitcast3A_316, %lt3A_317 : vector<16xi32>
      %add3A_319 = arith.constant 64 : i32
      %add3A_320 = arith.addi %add3A_253, %add3A_319 : i32
      %add3A_321 = vector.broadcast %add3A_320 : i32 to vector<16xi32>
      %add3A_322 = arith.addi %add3A_321, %iota3A : vector<16xi32>
      %unique3A_323, %unique3A_324 = tpu.scan_count mask(%lt3A_318 : vector<16xi1>) value(%sub3A_315 : vector<16xi32>) : vector<16xi1>, vector<16xi32>
      %and3A_325 = arith.andi %unique3A_323, %lt3A_318 : vector<16xi1>
      tpu.vector_store_idx %arg5[%sub3A_315], %add3A_322 masked %and3A_325 : memref<27648xi32, #tpu.memory_space<vmem>>[vector<16xi32>], vector<16xi32>, vector<16xi1>
      %get3A_326 = arith.index_cast %scan3A_246 : i32 to index
      %get3A_327 = arith.constant 80 : index
      %get3A_328 = tpu.vector_load %arg9[%get3A_326, %get3A_327] {strides = array<i32>} : memref<47x128xi32, #tpu.memory_space<vmem>>, vector<16xi32>,
      %sub3A_329 = vector.broadcast %mul3A_49 : i32 to vector<16xi32>
      %sub3A_330 = arith.subi %get3A_328, %sub3A_329 : vector<16xi32>
      %bitcast3A_331 = vector.bitcast %sub3A_330 : vector<16xi32> to vector<16xi32>
      %lt3A_332 = vector.broadcast %mul3A_60 : i32 to vector<16xi32>
      %lt3A_333 = arith.cmpi ult, %bitcast3A_331, %lt3A_332 : vector<16xi32>
      %add3A_334 = arith.constant 80 : i32
      %add3A_335 = arith.addi %add3A_253, %add3A_334 : i32
      %add3A_336 = vector.broadcast %add3A_335 : i32 to vector<16xi32>
      %add3A_337 = arith.addi %add3A_336, %iota3A : vector<16xi32>
      %unique3A_338, %unique3A_339 = tpu.scan_count mask(%lt3A_333 : vector<16xi1>) value(%sub3A_330 : vector<16xi32>) : vector<16xi1>, vector<16xi32>
      %and3A_340 = arith.andi %unique3A_338, %lt3A_333 : vector<16xi1>
      tpu.vector_store_idx %arg5[%sub3A_330], %add3A_337 masked %and3A_340 : memref<27648xi32, #tpu.memory_space<vmem>>[vector<16xi32>], vector<16xi32>, vector<16xi1>
      %get3A_341 = arith.index_cast %scan3A_246 : i32 to index
      %get3A_342 = arith.constant 96 : index
      %get3A_343 = tpu.vector_load %arg9[%get3A_341, %get3A_342] {strides = array<i32>} : memref<47x128xi32, #tpu.memory_space<vmem>>, vector<16xi32>,
      %sub3A_344 = vector.broadcast %mul3A_49 : i32 to vector<16xi32>
      %sub3A_345 = arith.subi %get3A_343, %sub3A_344 : vector<16xi32>
      %bitcast3A_346 = vector.bitcast %sub3A_345 : vector<16xi32> to vector<16xi32>
      %lt3A_347 = vector.broadcast %mul3A_60 : i32 to vector<16xi32>
      %lt3A_348 = arith.cmpi ult, %bitcast3A_346, %lt3A_347 : vector<16xi32>
      %add3A_349 = arith.constant 96 : i32
      %add3A_350 = arith.addi %add3A_253, %add3A_349 : i32
      %add3A_351 = vector.broadcast %add3A_350 : i32 to vector<16xi32>
      %add3A_352 = arith.addi %add3A_351, %iota3A : vector<16xi32>
      %unique3A_353, %unique3A_354 = tpu.scan_count mask(%lt3A_348 : vector<16xi1>) value(%sub3A_345 : vector<16xi32>) : vector<16xi1>, vector<16xi32>
      %and3A_355 = arith.andi %unique3A_353, %lt3A_348 : vector<16xi1>
      tpu.vector_store_idx %arg5[%sub3A_345], %add3A_352 masked %and3A_355 : memref<27648xi32, #tpu.memory_space<vmem>>[vector<16xi32>], vector<16xi32>, vector<16xi1>
      %get3A_356 = arith.index_cast %scan3A_246 : i32 to index
      %get3A_357 = arith.constant 112 : index
      %get3A_358 = tpu.vector_load %arg9[%get3A_356, %get3A_357] {strides = array<i32>} : memref<47x128xi32, #tpu.memory_space<vmem>>, vector<16xi32>,
      %sub3A_359 = vector.broadcast %mul3A_49 : i32 to vector<16xi32>
      %sub3A_360 = arith.subi %get3A_358, %sub3A_359 : vector<16xi32>
      %bitcast3A_361 = vector.bitcast %sub3A_360 : vector<16xi32> to vector<16xi32>
      %lt3A_362 = vector.broadcast %mul3A_60 : i32 to vector<16xi32>
      %lt3A_363 = arith.cmpi ult, %bitcast3A_361, %lt3A_362 : vector<16xi32>
      %add3A_364 = arith.constant 112 : i32
      %add3A_365 = arith.addi %add3A_253, %add3A_364 : i32
      %add3A_366 = vector.broadcast %add3A_365 : i32 to vector<16xi32>
      %add3A_367 = arith.addi %add3A_366, %iota3A : vector<16xi32>
      %unique3A_368, %unique3A_369 = tpu.scan_count mask(%lt3A_363 : vector<16xi1>) value(%sub3A_360 : vector<16xi32>) : vector<16xi1>, vector<16xi32>
      %and3A_370 = arith.andi %unique3A_368, %lt3A_363 : vector<16xi1>
      tpu.vector_store_idx %arg5[%sub3A_360], %add3A_367 masked %and3A_370 : memref<27648xi32, #tpu.memory_space<vmem>>[vector<16xi32>], vector<16xi32>, vector<16xi1>
    }
    %scan3A_97 = arith.constant 47 : i32
    %add3A_98 = arith.constant 564 : i32
    %add3A_99 = arith.addi %mul3A_64, %add3A_98 : i32
    %dma_start3A_100 = arith.constant 0 : i32
    %dma_start3A_101 = tpu.memref_slice %arg2[%add3A_99, %dma_start3A_100] : memref<940x128xi32, #tpu.memory_space<hbm>> -> memref<47x128xi32, #tpu.memory_space<hbm>>
    %dma_start3A_102 = arith.constant 0 : i32
    %dma_start3A_103 = tpu.memref_slice %arg2[%add3A_99, %dma_start3A_102] : memref<940x128xi32, #tpu.memory_space<hbm>> -> memref<47x128xi32, #tpu.memory_space<hbm>>
    tpu.enqueue_dma source(%dma_start3A_103 : memref<47x128xi32, #tpu.memory_space<hbm>>) target(%arg9 : memref<47x128xi32, #tpu.memory_space<vmem>>) target_semaphore(%arg14 : memref<!tpu.dma_semaphore, #tpu.memory_space<semaphore_mem>>)
    %dma_wait3A_104 = arith.constant 0 : i32
    %dma_wait3A_105 = tpu.memref_slice %arg2[%add3A_83, %dma_wait3A_104] : memref<940x128xi32, #tpu.memory_space<hbm>> -> memref<47x128xi32, #tpu.memory_space<hbm>>
    %dma_wait3A_106 = arith.constant 0 : i32
    %dma_wait3A_107 = tpu.memref_slice %arg2[%add3A_83, %dma_wait3A_106] : memref<940x128xi32, #tpu.memory_space<hbm>> -> memref<47x128xi32, #tpu.memory_space<hbm>>
    tpu.wait_dma2 semaphore(%arg13 : memref<!tpu.dma_semaphore, #tpu.memory_space<semaphore_mem>>) src(%dma_wait3A_107 : memref<47x128xi32, #tpu.memory_space<hbm>>) dst(%arg8 : memref<47x128xi32, #tpu.memory_space<vmem>>)
    %scan3A_108 = arith.constant 0 : i32
    %scan3A_109 = arith.constant 0 : i32
    %scan3A_110 = arith.constant 47 : i32
    %scan3A_111 = arith.addi %scan3A_109, %scan3A_110 : i32
    %scan3A_112 = arith.constant 1 : i32
    scf.for %scan3A_246 = %scan3A_109 to %scan3A_111 step %scan3A_112  : i32 {
      %mul3A_247 = arith.constant 128 : i32
      %mul3A_248 = arith.muli %mul3A_64, %mul3A_247 : i32
      %add3A_249 = arith.constant 48128 : i32
      %add3A_250 = arith.addi %add3A_249, %mul3A_248 : i32
      %mul3A_251 = arith.constant 128 : i32
      %mul3A_252 = arith.muli %scan3A_246, %mul3A_251 : i32
      %add3A_253 = arith.addi %add3A_250, %mul3A_252 : i32
      %get3A = arith.index_cast %scan3A_246 : i32 to index
      %get3A_254 = arith.constant 0 : index
      %get3A_255 = tpu.vector_load %arg8[%get3A, %get3A_254] {strides = array<i32>} : memref<47x128xi32, #tpu.memory_space<vmem>>, vector<16xi32>,
      %sub3A_256 = vector.broadcast %mul3A_49 : i32 to vector<16xi32>
      %sub3A_257 = arith.subi %get3A_255, %sub3A_256 : vector<16xi32>
      %bitcast3A = vector.bitcast %sub3A_257 : vector<16xi32> to vector<16xi32>
      %lt3A_258 = vector.broadcast %mul3A_60 : i32 to vector<16xi32>
      %lt3A_259 = arith.cmpi ult, %bitcast3A, %lt3A_258 : vector<16xi32>
      %add3A_260 = arith.constant 0 : i32
      %add3A_261 = arith.addi %add3A_253, %add3A_260 : i32
      %add3A_262 = vector.broadcast %add3A_261 : i32 to vector<16xi32>
      %add3A_263 = arith.addi %add3A_262, %iota3A : vector<16xi32>
      %unique3A, %unique3A_264 = tpu.scan_count mask(%lt3A_259 : vector<16xi1>) value(%sub3A_257 : vector<16xi32>) : vector<16xi1>, vector<16xi32>
      %and3A_265 = arith.andi %unique3A, %lt3A_259 : vector<16xi1>
      tpu.vector_store_idx %arg5[%sub3A_257], %add3A_263 masked %and3A_265 : memref<27648xi32, #tpu.memory_space<vmem>>[vector<16xi32>], vector<16xi32>, vector<16xi1>
      %get3A_266 = arith.index_cast %scan3A_246 : i32 to index
      %get3A_267 = arith.constant 16 : index
      %get3A_268 = tpu.vector_load %arg8[%get3A_266, %get3A_267] {strides = array<i32>} : memref<47x128xi32, #tpu.memory_space<vmem>>, vector<16xi32>,
      %sub3A_269 = vector.broadcast %mul3A_49 : i32 to vector<16xi32>
      %sub3A_270 = arith.subi %get3A_268, %sub3A_269 : vector<16xi32>
      %bitcast3A_271 = vector.bitcast %sub3A_270 : vector<16xi32> to vector<16xi32>
      %lt3A_272 = vector.broadcast %mul3A_60 : i32 to vector<16xi32>
      %lt3A_273 = arith.cmpi ult, %bitcast3A_271, %lt3A_272 : vector<16xi32>
      %add3A_274 = arith.constant 16 : i32
      %add3A_275 = arith.addi %add3A_253, %add3A_274 : i32
      %add3A_276 = vector.broadcast %add3A_275 : i32 to vector<16xi32>
      %add3A_277 = arith.addi %add3A_276, %iota3A : vector<16xi32>
      %unique3A_278, %unique3A_279 = tpu.scan_count mask(%lt3A_273 : vector<16xi1>) value(%sub3A_270 : vector<16xi32>) : vector<16xi1>, vector<16xi32>
      %and3A_280 = arith.andi %unique3A_278, %lt3A_273 : vector<16xi1>
      tpu.vector_store_idx %arg5[%sub3A_270], %add3A_277 masked %and3A_280 : memref<27648xi32, #tpu.memory_space<vmem>>[vector<16xi32>], vector<16xi32>, vector<16xi1>
      %get3A_281 = arith.index_cast %scan3A_246 : i32 to index
      %get3A_282 = arith.constant 32 : index
      %get3A_283 = tpu.vector_load %arg8[%get3A_281, %get3A_282] {strides = array<i32>} : memref<47x128xi32, #tpu.memory_space<vmem>>, vector<16xi32>,
      %sub3A_284 = vector.broadcast %mul3A_49 : i32 to vector<16xi32>
      %sub3A_285 = arith.subi %get3A_283, %sub3A_284 : vector<16xi32>
      %bitcast3A_286 = vector.bitcast %sub3A_285 : vector<16xi32> to vector<16xi32>
      %lt3A_287 = vector.broadcast %mul3A_60 : i32 to vector<16xi32>
      %lt3A_288 = arith.cmpi ult, %bitcast3A_286, %lt3A_287 : vector<16xi32>
      %add3A_289 = arith.constant 32 : i32
      %add3A_290 = arith.addi %add3A_253, %add3A_289 : i32
      %add3A_291 = vector.broadcast %add3A_290 : i32 to vector<16xi32>
      %add3A_292 = arith.addi %add3A_291, %iota3A : vector<16xi32>
      %unique3A_293, %unique3A_294 = tpu.scan_count mask(%lt3A_288 : vector<16xi1>) value(%sub3A_285 : vector<16xi32>) : vector<16xi1>, vector<16xi32>
      %and3A_295 = arith.andi %unique3A_293, %lt3A_288 : vector<16xi1>
      tpu.vector_store_idx %arg5[%sub3A_285], %add3A_292 masked %and3A_295 : memref<27648xi32, #tpu.memory_space<vmem>>[vector<16xi32>], vector<16xi32>, vector<16xi1>
      %get3A_296 = arith.index_cast %scan3A_246 : i32 to index
      %get3A_297 = arith.constant 48 : index
      %get3A_298 = tpu.vector_load %arg8[%get3A_296, %get3A_297] {strides = array<i32>} : memref<47x128xi32, #tpu.memory_space<vmem>>, vector<16xi32>,
      %sub3A_299 = vector.broadcast %mul3A_49 : i32 to vector<16xi32>
      %sub3A_300 = arith.subi %get3A_298, %sub3A_299 : vector<16xi32>
      %bitcast3A_301 = vector.bitcast %sub3A_300 : vector<16xi32> to vector<16xi32>
      %lt3A_302 = vector.broadcast %mul3A_60 : i32 to vector<16xi32>
      %lt3A_303 = arith.cmpi ult, %bitcast3A_301, %lt3A_302 : vector<16xi32>
      %add3A_304 = arith.constant 48 : i32
      %add3A_305 = arith.addi %add3A_253, %add3A_304 : i32
      %add3A_306 = vector.broadcast %add3A_305 : i32 to vector<16xi32>
      %add3A_307 = arith.addi %add3A_306, %iota3A : vector<16xi32>
      %unique3A_308, %unique3A_309 = tpu.scan_count mask(%lt3A_303 : vector<16xi1>) value(%sub3A_300 : vector<16xi32>) : vector<16xi1>, vector<16xi32>
      %and3A_310 = arith.andi %unique3A_308, %lt3A_303 : vector<16xi1>
      tpu.vector_store_idx %arg5[%sub3A_300], %add3A_307 masked %and3A_310 : memref<27648xi32, #tpu.memory_space<vmem>>[vector<16xi32>], vector<16xi32>, vector<16xi1>
      %get3A_311 = arith.index_cast %scan3A_246 : i32 to index
      %get3A_312 = arith.constant 64 : index
      %get3A_313 = tpu.vector_load %arg8[%get3A_311, %get3A_312] {strides = array<i32>} : memref<47x128xi32, #tpu.memory_space<vmem>>, vector<16xi32>,
      %sub3A_314 = vector.broadcast %mul3A_49 : i32 to vector<16xi32>
      %sub3A_315 = arith.subi %get3A_313, %sub3A_314 : vector<16xi32>
      %bitcast3A_316 = vector.bitcast %sub3A_315 : vector<16xi32> to vector<16xi32>
      %lt3A_317 = vector.broadcast %mul3A_60 : i32 to vector<16xi32>
      %lt3A_318 = arith.cmpi ult, %bitcast3A_316, %lt3A_317 : vector<16xi32>
      %add3A_319 = arith.constant 64 : i32
      %add3A_320 = arith.addi %add3A_253, %add3A_319 : i32
      %add3A_321 = vector.broadcast %add3A_320 : i32 to vector<16xi32>
      %add3A_322 = arith.addi %add3A_321, %iota3A : vector<16xi32>
      %unique3A_323, %unique3A_324 = tpu.scan_count mask(%lt3A_318 : vector<16xi1>) value(%sub3A_315 : vector<16xi32>) : vector<16xi1>, vector<16xi32>
      %and3A_325 = arith.andi %unique3A_323, %lt3A_318 : vector<16xi1>
      tpu.vector_store_idx %arg5[%sub3A_315], %add3A_322 masked %and3A_325 : memref<27648xi32, #tpu.memory_space<vmem>>[vector<16xi32>], vector<16xi32>, vector<16xi1>
      %get3A_326 = arith.index_cast %scan3A_246 : i32 to index
      %get3A_327 = arith.constant 80 : index
      %get3A_328 = tpu.vector_load %arg8[%get3A_326, %get3A_327] {strides = array<i32>} : memref<47x128xi32, #tpu.memory_space<vmem>>, vector<16xi32>,
      %sub3A_329 = vector.broadcast %mul3A_49 : i32 to vector<16xi32>
      %sub3A_330 = arith.subi %get3A_328, %sub3A_329 : vector<16xi32>
      %bitcast3A_331 = vector.bitcast %sub3A_330 : vector<16xi32> to vector<16xi32>
      %lt3A_332 = vector.broadcast %mul3A_60 : i32 to vector<16xi32>
      %lt3A_333 = arith.cmpi ult, %bitcast3A_331, %lt3A_332 : vector<16xi32>
      %add3A_334 = arith.constant 80 : i32
      %add3A_335 = arith.addi %add3A_253, %add3A_334 : i32
      %add3A_336 = vector.broadcast %add3A_335 : i32 to vector<16xi32>
      %add3A_337 = arith.addi %add3A_336, %iota3A : vector<16xi32>
      %unique3A_338, %unique3A_339 = tpu.scan_count mask(%lt3A_333 : vector<16xi1>) value(%sub3A_330 : vector<16xi32>) : vector<16xi1>, vector<16xi32>
      %and3A_340 = arith.andi %unique3A_338, %lt3A_333 : vector<16xi1>
      tpu.vector_store_idx %arg5[%sub3A_330], %add3A_337 masked %and3A_340 : memref<27648xi32, #tpu.memory_space<vmem>>[vector<16xi32>], vector<16xi32>, vector<16xi1>
      %get3A_341 = arith.index_cast %scan3A_246 : i32 to index
      %get3A_342 = arith.constant 96 : index
      %get3A_343 = tpu.vector_load %arg8[%get3A_341, %get3A_342] {strides = array<i32>} : memref<47x128xi32, #tpu.memory_space<vmem>>, vector<16xi32>,
      %sub3A_344 = vector.broadcast %mul3A_49 : i32 to vector<16xi32>
      %sub3A_345 = arith.subi %get3A_343, %sub3A_344 : vector<16xi32>
      %bitcast3A_346 = vector.bitcast %sub3A_345 : vector<16xi32> to vector<16xi32>
      %lt3A_347 = vector.broadcast %mul3A_60 : i32 to vector<16xi32>
      %lt3A_348 = arith.cmpi ult, %bitcast3A_346, %lt3A_347 : vector<16xi32>
      %add3A_349 = arith.constant 96 : i32
      %add3A_350 = arith.addi %add3A_253, %add3A_349 : i32
      %add3A_351 = vector.broadcast %add3A_350 : i32 to vector<16xi32>
      %add3A_352 = arith.addi %add3A_351, %iota3A : vector<16xi32>
      %unique3A_353, %unique3A_354 = tpu.scan_count mask(%lt3A_348 : vector<16xi1>) value(%sub3A_345 : vector<16xi32>) : vector<16xi1>, vector<16xi32>
      %and3A_355 = arith.andi %unique3A_353, %lt3A_348 : vector<16xi1>
      tpu.vector_store_idx %arg5[%sub3A_345], %add3A_352 masked %and3A_355 : memref<27648xi32, #tpu.memory_space<vmem>>[vector<16xi32>], vector<16xi32>, vector<16xi1>
      %get3A_356 = arith.index_cast %scan3A_246 : i32 to index
      %get3A_357 = arith.constant 112 : index
      %get3A_358 = tpu.vector_load %arg8[%get3A_356, %get3A_357] {strides = array<i32>} : memref<47x128xi32, #tpu.memory_space<vmem>>, vector<16xi32>,
      %sub3A_359 = vector.broadcast %mul3A_49 : i32 to vector<16xi32>
      %sub3A_360 = arith.subi %get3A_358, %sub3A_359 : vector<16xi32>
      %bitcast3A_361 = vector.bitcast %sub3A_360 : vector<16xi32> to vector<16xi32>
      %lt3A_362 = vector.broadcast %mul3A_60 : i32 to vector<16xi32>
      %lt3A_363 = arith.cmpi ult, %bitcast3A_361, %lt3A_362 : vector<16xi32>
      %add3A_364 = arith.constant 112 : i32
      %add3A_365 = arith.addi %add3A_253, %add3A_364 : i32
      %add3A_366 = vector.broadcast %add3A_365 : i32 to vector<16xi32>
      %add3A_367 = arith.addi %add3A_366, %iota3A : vector<16xi32>
      %unique3A_368, %unique3A_369 = tpu.scan_count mask(%lt3A_363 : vector<16xi1>) value(%sub3A_360 : vector<16xi32>) : vector<16xi1>, vector<16xi32>
      %and3A_370 = arith.andi %unique3A_368, %lt3A_363 : vector<16xi1>
      tpu.vector_store_idx %arg5[%sub3A_360], %add3A_367 masked %and3A_370 : memref<27648xi32, #tpu.memory_space<vmem>>[vector<16xi32>], vector<16xi32>, vector<16xi1>
    }
    %scan3A_113 = arith.constant 47 : i32
    %add3A_114 = arith.constant 752 : i32
    %add3A_115 = arith.addi %mul3A_64, %add3A_114 : i32
    %dma_start3A_116 = arith.constant 0 : i32
    %dma_start3A_117 = tpu.memref_slice %arg2[%add3A_115, %dma_start3A_116] : memref<940x128xi32, #tpu.memory_space<hbm>> -> memref<47x128xi32, #tpu.memory_space<hbm>>
    %dma_start3A_118 = arith.constant 0 : i32
    %dma_start3A_119 = tpu.memref_slice %arg2[%add3A_115, %dma_start3A_118] : memref<940x128xi32, #tpu.memory_space<hbm>> -> memref<47x128xi32, #tpu.memory_space<hbm>>
    tpu.enqueue_dma source(%dma_start3A_119 : memref<47x128xi32, #tpu.memory_space<hbm>>) target(%arg8 : memref<47x128xi32, #tpu.memory_space<vmem>>) target_semaphore(%arg13 : memref<!tpu.dma_semaphore, #tpu.memory_space<semaphore_mem>>)
    %dma_wait3A_120 = arith.constant 0 : i32
    %dma_wait3A_121 = tpu.memref_slice %arg2[%add3A_99, %dma_wait3A_120] : memref<940x128xi32, #tpu.memory_space<hbm>> -> memref<47x128xi32, #tpu.memory_space<hbm>>
    %dma_wait3A_122 = arith.constant 0 : i32
    %dma_wait3A_123 = tpu.memref_slice %arg2[%add3A_99, %dma_wait3A_122] : memref<940x128xi32, #tpu.memory_space<hbm>> -> memref<47x128xi32, #tpu.memory_space<hbm>>
    tpu.wait_dma2 semaphore(%arg14 : memref<!tpu.dma_semaphore, #tpu.memory_space<semaphore_mem>>) src(%dma_wait3A_123 : memref<47x128xi32, #tpu.memory_space<hbm>>) dst(%arg9 : memref<47x128xi32, #tpu.memory_space<vmem>>)
    %scan3A_124 = arith.constant 0 : i32
    %scan3A_125 = arith.constant 0 : i32
    %scan3A_126 = arith.constant 47 : i32
    %scan3A_127 = arith.addi %scan3A_125, %scan3A_126 : i32
    %scan3A_128 = arith.constant 1 : i32
    scf.for %scan3A_246 = %scan3A_125 to %scan3A_127 step %scan3A_128  : i32 {
      %mul3A_247 = arith.constant 128 : i32
      %mul3A_248 = arith.muli %mul3A_64, %mul3A_247 : i32
      %add3A_249 = arith.constant 72192 : i32
      %add3A_250 = arith.addi %add3A_249, %mul3A_248 : i32
      %mul3A_251 = arith.constant 128 : i32
      %mul3A_252 = arith.muli %scan3A_246, %mul3A_251 : i32
      %add3A_253 = arith.addi %add3A_250, %mul3A_252 : i32
      %get3A = arith.index_cast %scan3A_246 : i32 to index
      %get3A_254 = arith.constant 0 : index
      %get3A_255 = tpu.vector_load %arg9[%get3A, %get3A_254] {strides = array<i32>} : memref<47x128xi32, #tpu.memory_space<vmem>>, vector<16xi32>,
      %sub3A_256 = vector.broadcast %mul3A_49 : i32 to vector<16xi32>
      %sub3A_257 = arith.subi %get3A_255, %sub3A_256 : vector<16xi32>
      %bitcast3A = vector.bitcast %sub3A_257 : vector<16xi32> to vector<16xi32>
      %lt3A_258 = vector.broadcast %mul3A_60 : i32 to vector<16xi32>
      %lt3A_259 = arith.cmpi ult, %bitcast3A, %lt3A_258 : vector<16xi32>
      %add3A_260 = arith.constant 0 : i32
      %add3A_261 = arith.addi %add3A_253, %add3A_260 : i32
      %add3A_262 = vector.broadcast %add3A_261 : i32 to vector<16xi32>
      %add3A_263 = arith.addi %add3A_262, %iota3A : vector<16xi32>
      %unique3A, %unique3A_264 = tpu.scan_count mask(%lt3A_259 : vector<16xi1>) value(%sub3A_257 : vector<16xi32>) : vector<16xi1>, vector<16xi32>
      %and3A_265 = arith.andi %unique3A, %lt3A_259 : vector<16xi1>
      tpu.vector_store_idx %arg5[%sub3A_257], %add3A_263 masked %and3A_265 : memref<27648xi32, #tpu.memory_space<vmem>>[vector<16xi32>], vector<16xi32>, vector<16xi1>
      %get3A_266 = arith.index_cast %scan3A_246 : i32 to index
      %get3A_267 = arith.constant 16 : index
      %get3A_268 = tpu.vector_load %arg9[%get3A_266, %get3A_267] {strides = array<i32>} : memref<47x128xi32, #tpu.memory_space<vmem>>, vector<16xi32>,
      %sub3A_269 = vector.broadcast %mul3A_49 : i32 to vector<16xi32>
      %sub3A_270 = arith.subi %get3A_268, %sub3A_269 : vector<16xi32>
      %bitcast3A_271 = vector.bitcast %sub3A_270 : vector<16xi32> to vector<16xi32>
      %lt3A_272 = vector.broadcast %mul3A_60 : i32 to vector<16xi32>
      %lt3A_273 = arith.cmpi ult, %bitcast3A_271, %lt3A_272 : vector<16xi32>
      %add3A_274 = arith.constant 16 : i32
      %add3A_275 = arith.addi %add3A_253, %add3A_274 : i32
      %add3A_276 = vector.broadcast %add3A_275 : i32 to vector<16xi32>
      %add3A_277 = arith.addi %add3A_276, %iota3A : vector<16xi32>
      %unique3A_278, %unique3A_279 = tpu.scan_count mask(%lt3A_273 : vector<16xi1>) value(%sub3A_270 : vector<16xi32>) : vector<16xi1>, vector<16xi32>
      %and3A_280 = arith.andi %unique3A_278, %lt3A_273 : vector<16xi1>
      tpu.vector_store_idx %arg5[%sub3A_270], %add3A_277 masked %and3A_280 : memref<27648xi32, #tpu.memory_space<vmem>>[vector<16xi32>], vector<16xi32>, vector<16xi1>
      %get3A_281 = arith.index_cast %scan3A_246 : i32 to index
      %get3A_282 = arith.constant 32 : index
      %get3A_283 = tpu.vector_load %arg9[%get3A_281, %get3A_282] {strides = array<i32>} : memref<47x128xi32, #tpu.memory_space<vmem>>, vector<16xi32>,
      %sub3A_284 = vector.broadcast %mul3A_49 : i32 to vector<16xi32>
      %sub3A_285 = arith.subi %get3A_283, %sub3A_284 : vector<16xi32>
      %bitcast3A_286 = vector.bitcast %sub3A_285 : vector<16xi32> to vector<16xi32>
      %lt3A_287 = vector.broadcast %mul3A_60 : i32 to vector<16xi32>
      %lt3A_288 = arith.cmpi ult, %bitcast3A_286, %lt3A_287 : vector<16xi32>
      %add3A_289 = arith.constant 32 : i32
      %add3A_290 = arith.addi %add3A_253, %add3A_289 : i32
      %add3A_291 = vector.broadcast %add3A_290 : i32 to vector<16xi32>
      %add3A_292 = arith.addi %add3A_291, %iota3A : vector<16xi32>
      %unique3A_293, %unique3A_294 = tpu.scan_count mask(%lt3A_288 : vector<16xi1>) value(%sub3A_285 : vector<16xi32>) : vector<16xi1>, vector<16xi32>
      %and3A_295 = arith.andi %unique3A_293, %lt3A_288 : vector<16xi1>
      tpu.vector_store_idx %arg5[%sub3A_285], %add3A_292 masked %and3A_295 : memref<27648xi32, #tpu.memory_space<vmem>>[vector<16xi32>], vector<16xi32>, vector<16xi1>
      %get3A_296 = arith.index_cast %scan3A_246 : i32 to index
      %get3A_297 = arith.constant 48 : index
      %get3A_298 = tpu.vector_load %arg9[%get3A_296, %get3A_297] {strides = array<i32>} : memref<47x128xi32, #tpu.memory_space<vmem>>, vector<16xi32>,
      %sub3A_299 = vector.broadcast %mul3A_49 : i32 to vector<16xi32>
      %sub3A_300 = arith.subi %get3A_298, %sub3A_299 : vector<16xi32>
      %bitcast3A_301 = vector.bitcast %sub3A_300 : vector<16xi32> to vector<16xi32>
      %lt3A_302 = vector.broadcast %mul3A_60 : i32 to vector<16xi32>
      %lt3A_303 = arith.cmpi ult, %bitcast3A_301, %lt3A_302 : vector<16xi32>
      %add3A_304 = arith.constant 48 : i32
      %add3A_305 = arith.addi %add3A_253, %add3A_304 : i32
      %add3A_306 = vector.broadcast %add3A_305 : i32 to vector<16xi32>
      %add3A_307 = arith.addi %add3A_306, %iota3A : vector<16xi32>
      %unique3A_308, %unique3A_309 = tpu.scan_count mask(%lt3A_303 : vector<16xi1>) value(%sub3A_300 : vector<16xi32>) : vector<16xi1>, vector<16xi32>
      %and3A_310 = arith.andi %unique3A_308, %lt3A_303 : vector<16xi1>
      tpu.vector_store_idx %arg5[%sub3A_300], %add3A_307 masked %and3A_310 : memref<27648xi32, #tpu.memory_space<vmem>>[vector<16xi32>], vector<16xi32>, vector<16xi1>
      %get3A_311 = arith.index_cast %scan3A_246 : i32 to index
      %get3A_312 = arith.constant 64 : index
      %get3A_313 = tpu.vector_load %arg9[%get3A_311, %get3A_312] {strides = array<i32>} : memref<47x128xi32, #tpu.memory_space<vmem>>, vector<16xi32>,
      %sub3A_314 = vector.broadcast %mul3A_49 : i32 to vector<16xi32>
      %sub3A_315 = arith.subi %get3A_313, %sub3A_314 : vector<16xi32>
      %bitcast3A_316 = vector.bitcast %sub3A_315 : vector<16xi32> to vector<16xi32>
      %lt3A_317 = vector.broadcast %mul3A_60 : i32 to vector<16xi32>
      %lt3A_318 = arith.cmpi ult, %bitcast3A_316, %lt3A_317 : vector<16xi32>
      %add3A_319 = arith.constant 64 : i32
      %add3A_320 = arith.addi %add3A_253, %add3A_319 : i32
      %add3A_321 = vector.broadcast %add3A_320 : i32 to vector<16xi32>
      %add3A_322 = arith.addi %add3A_321, %iota3A : vector<16xi32>
      %unique3A_323, %unique3A_324 = tpu.scan_count mask(%lt3A_318 : vector<16xi1>) value(%sub3A_315 : vector<16xi32>) : vector<16xi1>, vector<16xi32>
      %and3A_325 = arith.andi %unique3A_323, %lt3A_318 : vector<16xi1>
      tpu.vector_store_idx %arg5[%sub3A_315], %add3A_322 masked %and3A_325 : memref<27648xi32, #tpu.memory_space<vmem>>[vector<16xi32>], vector<16xi32>, vector<16xi1>
      %get3A_326 = arith.index_cast %scan3A_246 : i32 to index
      %get3A_327 = arith.constant 80 : index
      %get3A_328 = tpu.vector_load %arg9[%get3A_326, %get3A_327] {strides = array<i32>} : memref<47x128xi32, #tpu.memory_space<vmem>>, vector<16xi32>,
      %sub3A_329 = vector.broadcast %mul3A_49 : i32 to vector<16xi32>
      %sub3A_330 = arith.subi %get3A_328, %sub3A_329 : vector<16xi32>
      %bitcast3A_331 = vector.bitcast %sub3A_330 : vector<16xi32> to vector<16xi32>
      %lt3A_332 = vector.broadcast %mul3A_60 : i32 to vector<16xi32>
      %lt3A_333 = arith.cmpi ult, %bitcast3A_331, %lt3A_332 : vector<16xi32>
      %add3A_334 = arith.constant 80 : i32
      %add3A_335 = arith.addi %add3A_253, %add3A_334 : i32
      %add3A_336 = vector.broadcast %add3A_335 : i32 to vector<16xi32>
      %add3A_337 = arith.addi %add3A_336, %iota3A : vector<16xi32>
      %unique3A_338, %unique3A_339 = tpu.scan_count mask(%lt3A_333 : vector<16xi1>) value(%sub3A_330 : vector<16xi32>) : vector<16xi1>, vector<16xi32>
      %and3A_340 = arith.andi %unique3A_338, %lt3A_333 : vector<16xi1>
      tpu.vector_store_idx %arg5[%sub3A_330], %add3A_337 masked %and3A_340 : memref<27648xi32, #tpu.memory_space<vmem>>[vector<16xi32>], vector<16xi32>, vector<16xi1>
      %get3A_341 = arith.index_cast %scan3A_246 : i32 to index
      %get3A_342 = arith.constant 96 : index
      %get3A_343 = tpu.vector_load %arg9[%get3A_341, %get3A_342] {strides = array<i32>} : memref<47x128xi32, #tpu.memory_space<vmem>>, vector<16xi32>,
      %sub3A_344 = vector.broadcast %mul3A_49 : i32 to vector<16xi32>
      %sub3A_345 = arith.subi %get3A_343, %sub3A_344 : vector<16xi32>
      %bitcast3A_346 = vector.bitcast %sub3A_345 : vector<16xi32> to vector<16xi32>
      %lt3A_347 = vector.broadcast %mul3A_60 : i32 to vector<16xi32>
      %lt3A_348 = arith.cmpi ult, %bitcast3A_346, %lt3A_347 : vector<16xi32>
      %add3A_349 = arith.constant 96 : i32
      %add3A_350 = arith.addi %add3A_253, %add3A_349 : i32
      %add3A_351 = vector.broadcast %add3A_350 : i32 to vector<16xi32>
      %add3A_352 = arith.addi %add3A_351, %iota3A : vector<16xi32>
      %unique3A_353, %unique3A_354 = tpu.scan_count mask(%lt3A_348 : vector<16xi1>) value(%sub3A_345 : vector<16xi32>) : vector<16xi1>, vector<16xi32>
      %and3A_355 = arith.andi %unique3A_353, %lt3A_348 : vector<16xi1>
      tpu.vector_store_idx %arg5[%sub3A_345], %add3A_352 masked %and3A_355 : memref<27648xi32, #tpu.memory_space<vmem>>[vector<16xi32>], vector<16xi32>, vector<16xi1>
      %get3A_356 = arith.index_cast %scan3A_246 : i32 to index
      %get3A_357 = arith.constant 112 : index
      %get3A_358 = tpu.vector_load %arg9[%get3A_356, %get3A_357] {strides = array<i32>} : memref<47x128xi32, #tpu.memory_space<vmem>>, vector<16xi32>,
      %sub3A_359 = vector.broadcast %mul3A_49 : i32 to vector<16xi32>
      %sub3A_360 = arith.subi %get3A_358, %sub3A_359 : vector<16xi32>
      %bitcast3A_361 = vector.bitcast %sub3A_360 : vector<16xi32> to vector<16xi32>
      %lt3A_362 = vector.broadcast %mul3A_60 : i32 to vector<16xi32>
      %lt3A_363 = arith.cmpi ult, %bitcast3A_361, %lt3A_362 : vector<16xi32>
      %add3A_364 = arith.constant 112 : i32
      %add3A_365 = arith.addi %add3A_253, %add3A_364 : i32
      %add3A_366 = vector.broadcast %add3A_365 : i32 to vector<16xi32>
      %add3A_367 = arith.addi %add3A_366, %iota3A : vector<16xi32>
      %unique3A_368, %unique3A_369 = tpu.scan_count mask(%lt3A_363 : vector<16xi1>) value(%sub3A_360 : vector<16xi32>) : vector<16xi1>, vector<16xi32>
      %and3A_370 = arith.andi %unique3A_368, %lt3A_363 : vector<16xi1>
      tpu.vector_store_idx %arg5[%sub3A_360], %add3A_367 masked %and3A_370 : memref<27648xi32, #tpu.memory_space<vmem>>[vector<16xi32>], vector<16xi32>, vector<16xi1>
    }
    %scan3A_129 = arith.constant 47 : i32
    %dma_wait3A_130 = arith.constant 0 : i32
    %dma_wait3A_131 = tpu.memref_slice %arg2[%add3A_115, %dma_wait3A_130] : memref<940x128xi32, #tpu.memory_space<hbm>> -> memref<47x128xi32, #tpu.memory_space<hbm>>
    %dma_wait3A_132 = arith.constant 0 : i32
    %dma_wait3A_133 = tpu.memref_slice %arg2[%add3A_115, %dma_wait3A_132] : memref<940x128xi32, #tpu.memory_space<hbm>> -> memref<47x128xi32, #tpu.memory_space<hbm>>
    tpu.wait_dma2 semaphore(%arg13 : memref<!tpu.dma_semaphore, #tpu.memory_space<semaphore_mem>>) src(%dma_wait3A_133 : memref<47x128xi32, #tpu.memory_space<hbm>>) dst(%arg8 : memref<47x128xi32, #tpu.memory_space<vmem>>)
    %scan3A_134 = arith.constant 0 : i32
    %scan3A_135 = arith.constant 0 : i32
    %scan3A_136 = arith.constant 47 : i32
    %scan3A_137 = arith.addi %scan3A_135, %scan3A_136 : i32
    %scan3A_138 = arith.constant 1 : i32
    scf.for %scan3A_246 = %scan3A_135 to %scan3A_137 step %scan3A_138  : i32 {
      %mul3A_247 = arith.constant 128 : i32
      %mul3A_248 = arith.muli %mul3A_64, %mul3A_247 : i32
      %add3A_249 = arith.constant 96256 : i32
      %add3A_250 = arith.addi %add3A_249, %mul3A_248 : i32
      %mul3A_251 = arith.constant 128 : i32
      %mul3A_252 = arith.muli %scan3A_246, %mul3A_251 : i32
      %add3A_253 = arith.addi %add3A_250, %mul3A_252 : i32
      %get3A = arith.index_cast %scan3A_246 : i32 to index
      %get3A_254 = arith.constant 0 : index
      %get3A_255 = tpu.vector_load %arg8[%get3A, %get3A_254] {strides = array<i32>} : memref<47x128xi32, #tpu.memory_space<vmem>>, vector<16xi32>,
      %sub3A_256 = vector.broadcast %mul3A_49 : i32 to vector<16xi32>
      %sub3A_257 = arith.subi %get3A_255, %sub3A_256 : vector<16xi32>
      %bitcast3A = vector.bitcast %sub3A_257 : vector<16xi32> to vector<16xi32>
      %lt3A_258 = vector.broadcast %mul3A_60 : i32 to vector<16xi32>
      %lt3A_259 = arith.cmpi ult, %bitcast3A, %lt3A_258 : vector<16xi32>
      %add3A_260 = arith.constant 0 : i32
      %add3A_261 = arith.addi %add3A_253, %add3A_260 : i32
      %add3A_262 = vector.broadcast %add3A_261 : i32 to vector<16xi32>
      %add3A_263 = arith.addi %add3A_262, %iota3A : vector<16xi32>
      %unique3A, %unique3A_264 = tpu.scan_count mask(%lt3A_259 : vector<16xi1>) value(%sub3A_257 : vector<16xi32>) : vector<16xi1>, vector<16xi32>
      %and3A_265 = arith.andi %unique3A, %lt3A_259 : vector<16xi1>
      tpu.vector_store_idx %arg5[%sub3A_257], %add3A_263 masked %and3A_265 : memref<27648xi32, #tpu.memory_space<vmem>>[vector<16xi32>], vector<16xi32>, vector<16xi1>
      %get3A_266 = arith.index_cast %scan3A_246 : i32 to index
      %get3A_267 = arith.constant 16 : index
      %get3A_268 = tpu.vector_load %arg8[%get3A_266, %get3A_267] {strides = array<i32>} : memref<47x128xi32, #tpu.memory_space<vmem>>, vector<16xi32>,
      %sub3A_269 = vector.broadcast %mul3A_49 : i32 to vector<16xi32>
      %sub3A_270 = arith.subi %get3A_268, %sub3A_269 : vector<16xi32>
      %bitcast3A_271 = vector.bitcast %sub3A_270 : vector<16xi32> to vector<16xi32>
      %lt3A_272 = vector.broadcast %mul3A_60 : i32 to vector<16xi32>
      %lt3A_273 = arith.cmpi ult, %bitcast3A_271, %lt3A_272 : vector<16xi32>
      %add3A_274 = arith.constant 16 : i32
      %add3A_275 = arith.addi %add3A_253, %add3A_274 : i32
      %add3A_276 = vector.broadcast %add3A_275 : i32 to vector<16xi32>
      %add3A_277 = arith.addi %add3A_276, %iota3A : vector<16xi32>
      %unique3A_278, %unique3A_279 = tpu.scan_count mask(%lt3A_273 : vector<16xi1>) value(%sub3A_270 : vector<16xi32>) : vector<16xi1>, vector<16xi32>
      %and3A_280 = arith.andi %unique3A_278, %lt3A_273 : vector<16xi1>
      tpu.vector_store_idx %arg5[%sub3A_270], %add3A_277 masked %and3A_280 : memref<27648xi32, #tpu.memory_space<vmem>>[vector<16xi32>], vector<16xi32>, vector<16xi1>
      %get3A_281 = arith.index_cast %scan3A_246 : i32 to index
      %get3A_282 = arith.constant 32 : index
      %get3A_283 = tpu.vector_load %arg8[%get3A_281, %get3A_282] {strides = array<i32>} : memref<47x128xi32, #tpu.memory_space<vmem>>, vector<16xi32>,
      %sub3A_284 = vector.broadcast %mul3A_49 : i32 to vector<16xi32>
      %sub3A_285 = arith.subi %get3A_283, %sub3A_284 : vector<16xi32>
      %bitcast3A_286 = vector.bitcast %sub3A_285 : vector<16xi32> to vector<16xi32>
      %lt3A_287 = vector.broadcast %mul3A_60 : i32 to vector<16xi32>
      %lt3A_288 = arith.cmpi ult, %bitcast3A_286, %lt3A_287 : vector<16xi32>
      %add3A_289 = arith.constant 32 : i32
      %add3A_290 = arith.addi %add3A_253, %add3A_289 : i32
      %add3A_291 = vector.broadcast %add3A_290 : i32 to vector<16xi32>
      %add3A_292 = arith.addi %add3A_291, %iota3A : vector<16xi32>
      %unique3A_293, %unique3A_294 = tpu.scan_count mask(%lt3A_288 : vector<16xi1>) value(%sub3A_285 : vector<16xi32>) : vector<16xi1>, vector<16xi32>
      %and3A_295 = arith.andi %unique3A_293, %lt3A_288 : vector<16xi1>
      tpu.vector_store_idx %arg5[%sub3A_285], %add3A_292 masked %and3A_295 : memref<27648xi32, #tpu.memory_space<vmem>>[vector<16xi32>], vector<16xi32>, vector<16xi1>
      %get3A_296 = arith.index_cast %scan3A_246 : i32 to index
      %get3A_297 = arith.constant 48 : index
      %get3A_298 = tpu.vector_load %arg8[%get3A_296, %get3A_297] {strides = array<i32>} : memref<47x128xi32, #tpu.memory_space<vmem>>, vector<16xi32>,
      %sub3A_299 = vector.broadcast %mul3A_49 : i32 to vector<16xi32>
      %sub3A_300 = arith.subi %get3A_298, %sub3A_299 : vector<16xi32>
      %bitcast3A_301 = vector.bitcast %sub3A_300 : vector<16xi32> to vector<16xi32>
      %lt3A_302 = vector.broadcast %mul3A_60 : i32 to vector<16xi32>
      %lt3A_303 = arith.cmpi ult, %bitcast3A_301, %lt3A_302 : vector<16xi32>
      %add3A_304 = arith.constant 48 : i32
      %add3A_305 = arith.addi %add3A_253, %add3A_304 : i32
      %add3A_306 = vector.broadcast %add3A_305 : i32 to vector<16xi32>
      %add3A_307 = arith.addi %add3A_306, %iota3A : vector<16xi32>
      %unique3A_308, %unique3A_309 = tpu.scan_count mask(%lt3A_303 : vector<16xi1>) value(%sub3A_300 : vector<16xi32>) : vector<16xi1>, vector<16xi32>
      %and3A_310 = arith.andi %unique3A_308, %lt3A_303 : vector<16xi1>
      tpu.vector_store_idx %arg5[%sub3A_300], %add3A_307 masked %and3A_310 : memref<27648xi32, #tpu.memory_space<vmem>>[vector<16xi32>], vector<16xi32>, vector<16xi1>
      %get3A_311 = arith.index_cast %scan3A_246 : i32 to index
      %get3A_312 = arith.constant 64 : index
      %get3A_313 = tpu.vector_load %arg8[%get3A_311, %get3A_312] {strides = array<i32>} : memref<47x128xi32, #tpu.memory_space<vmem>>, vector<16xi32>,
      %sub3A_314 = vector.broadcast %mul3A_49 : i32 to vector<16xi32>
      %sub3A_315 = arith.subi %get3A_313, %sub3A_314 : vector<16xi32>
      %bitcast3A_316 = vector.bitcast %sub3A_315 : vector<16xi32> to vector<16xi32>
      %lt3A_317 = vector.broadcast %mul3A_60 : i32 to vector<16xi32>
      %lt3A_318 = arith.cmpi ult, %bitcast3A_316, %lt3A_317 : vector<16xi32>
      %add3A_319 = arith.constant 64 : i32
      %add3A_320 = arith.addi %add3A_253, %add3A_319 : i32
      %add3A_321 = vector.broadcast %add3A_320 : i32 to vector<16xi32>
      %add3A_322 = arith.addi %add3A_321, %iota3A : vector<16xi32>
      %unique3A_323, %unique3A_324 = tpu.scan_count mask(%lt3A_318 : vector<16xi1>) value(%sub3A_315 : vector<16xi32>) : vector<16xi1>, vector<16xi32>
      %and3A_325 = arith.andi %unique3A_323, %lt3A_318 : vector<16xi1>
      tpu.vector_store_idx %arg5[%sub3A_315], %add3A_322 masked %and3A_325 : memref<27648xi32, #tpu.memory_space<vmem>>[vector<16xi32>], vector<16xi32>, vector<16xi1>
      %get3A_326 = arith.index_cast %scan3A_246 : i32 to index
      %get3A_327 = arith.constant 80 : index
      %get3A_328 = tpu.vector_load %arg8[%get3A_326, %get3A_327] {strides = array<i32>} : memref<47x128xi32, #tpu.memory_space<vmem>>, vector<16xi32>,
      %sub3A_329 = vector.broadcast %mul3A_49 : i32 to vector<16xi32>
      %sub3A_330 = arith.subi %get3A_328, %sub3A_329 : vector<16xi32>
      %bitcast3A_331 = vector.bitcast %sub3A_330 : vector<16xi32> to vector<16xi32>
      %lt3A_332 = vector.broadcast %mul3A_60 : i32 to vector<16xi32>
      %lt3A_333 = arith.cmpi ult, %bitcast3A_331, %lt3A_332 : vector<16xi32>
      %add3A_334 = arith.constant 80 : i32
      %add3A_335 = arith.addi %add3A_253, %add3A_334 : i32
      %add3A_336 = vector.broadcast %add3A_335 : i32 to vector<16xi32>
      %add3A_337 = arith.addi %add3A_336, %iota3A : vector<16xi32>
      %unique3A_338, %unique3A_339 = tpu.scan_count mask(%lt3A_333 : vector<16xi1>) value(%sub3A_330 : vector<16xi32>) : vector<16xi1>, vector<16xi32>
      %and3A_340 = arith.andi %unique3A_338, %lt3A_333 : vector<16xi1>
      tpu.vector_store_idx %arg5[%sub3A_330], %add3A_337 masked %and3A_340 : memref<27648xi32, #tpu.memory_space<vmem>>[vector<16xi32>], vector<16xi32>, vector<16xi1>
      %get3A_341 = arith.index_cast %scan3A_246 : i32 to index
      %get3A_342 = arith.constant 96 : index
      %get3A_343 = tpu.vector_load %arg8[%get3A_341, %get3A_342] {strides = array<i32>} : memref<47x128xi32, #tpu.memory_space<vmem>>, vector<16xi32>,
      %sub3A_344 = vector.broadcast %mul3A_49 : i32 to vector<16xi32>
      %sub3A_345 = arith.subi %get3A_343, %sub3A_344 : vector<16xi32>
      %bitcast3A_346 = vector.bitcast %sub3A_345 : vector<16xi32> to vector<16xi32>
      %lt3A_347 = vector.broadcast %mul3A_60 : i32 to vector<16xi32>
      %lt3A_348 = arith.cmpi ult, %bitcast3A_346, %lt3A_347 : vector<16xi32>
      %add3A_349 = arith.constant 96 : i32
      %add3A_350 = arith.addi %add3A_253, %add3A_349 : i32
      %add3A_351 = vector.broadcast %add3A_350 : i32 to vector<16xi32>
      %add3A_352 = arith.addi %add3A_351, %iota3A : vector<16xi32>
      %unique3A_353, %unique3A_354 = tpu.scan_count mask(%lt3A_348 : vector<16xi1>) value(%sub3A_345 : vector<16xi32>) : vector<16xi1>, vector<16xi32>
      %and3A_355 = arith.andi %unique3A_353, %lt3A_348 : vector<16xi1>
      tpu.vector_store_idx %arg5[%sub3A_345], %add3A_352 masked %and3A_355 : memref<27648xi32, #tpu.memory_space<vmem>>[vector<16xi32>], vector<16xi32>, vector<16xi1>
      %get3A_356 = arith.index_cast %scan3A_246 : i32 to index
      %get3A_357 = arith.constant 112 : index
      %get3A_358 = tpu.vector_load %arg8[%get3A_356, %get3A_357] {strides = array<i32>} : memref<47x128xi32, #tpu.memory_space<vmem>>, vector<16xi32>,
      %sub3A_359 = vector.broadcast %mul3A_49 : i32 to vector<16xi32>
      %sub3A_360 = arith.subi %get3A_358, %sub3A_359 : vector<16xi32>
      %bitcast3A_361 = vector.bitcast %sub3A_360 : vector<16xi32> to vector<16xi32>
      %lt3A_362 = vector.broadcast %mul3A_60 : i32 to vector<16xi32>
      %lt3A_363 = arith.cmpi ult, %bitcast3A_361, %lt3A_362 : vector<16xi32>
      %add3A_364 = arith.constant 112 : i32
      %add3A_365 = arith.addi %add3A_253, %add3A_364 : i32
      %add3A_366 = vector.broadcast %add3A_365 : i32 to vector<16xi32>
      %add3A_367 = arith.addi %add3A_366, %iota3A : vector<16xi32>
      %unique3A_368, %unique3A_369 = tpu.scan_count mask(%lt3A_363 : vector<16xi1>) value(%sub3A_360 : vector<16xi32>) : vector<16xi1>, vector<16xi32>
      %and3A_370 = arith.andi %unique3A_368, %lt3A_363 : vector<16xi1>
      tpu.vector_store_idx %arg5[%sub3A_360], %add3A_367 masked %and3A_370 : memref<27648xi32, #tpu.memory_space<vmem>>[vector<16xi32>], vector<16xi32>, vector<16xi1>
    }
    %scan3A_139 = arith.constant 47 : i32
    "tpu.region"() ({
      %run_scoped3A = tpu.sem_alloc : memref<!tpu.dma_semaphore, #tpu.memory_space<semaphore_mem>>
      %dma_start3A_246 = arith.constant 0 : i32
      %dma_start3A_247 = tpu.memref_slice %arg7[%arg1, %dma_start3A_246] : memref<16x27648xi32, #tpu.memory_space<vmem_shared>> -> memref<1x27648xi32, #tpu.memory_space<vmem_shared>>
      %dma_start3A_248 = tpu.memref_squeeze %dma_start3A_247 : memref<1x27648xi32, #tpu.memory_space<vmem_shared>> -> memref<27648xi32, #tpu.memory_space<vmem_shared>>
      %dma_start3A_249 = arith.constant 0 : i32
      %dma_start3A_250 = tpu.memref_slice %arg7[%arg1, %dma_start3A_249] : memref<16x27648xi32, #tpu.memory_space<vmem_shared>> -> memref<1x27648xi32, #tpu.memory_space<vmem_shared>>
      %dma_start3A_251 = tpu.memref_squeeze %dma_start3A_250 : memref<1x27648xi32, #tpu.memory_space<vmem_shared>> -> memref<27648xi32, #tpu.memory_space<vmem_shared>>
      tpu.enqueue_dma source(%arg5 : memref<27648xi32, #tpu.memory_space<vmem>>) target(%dma_start3A_251 : memref<27648xi32, #tpu.memory_space<vmem_shared>>) target_semaphore(%run_scoped3A : memref<!tpu.dma_semaphore, #tpu.memory_space<semaphore_mem>>)
      %dma_wait3A_252 = arith.constant 0 : i32
      %dma_wait3A_253 = tpu.memref_slice %arg7[%arg1, %dma_wait3A_252] : memref<16x27648xi32, #tpu.memory_space<vmem_shared>> -> memref<1x27648xi32, #tpu.memory_space<vmem_shared>>
      %dma_wait3A_254 = tpu.memref_squeeze %dma_wait3A_253 : memref<1x27648xi32, #tpu.memory_space<vmem_shared>> -> memref<27648xi32, #tpu.memory_space<vmem_shared>>
      %dma_wait3A_255 = arith.constant 0 : i32
      %dma_wait3A_256 = tpu.memref_slice %arg7[%arg1, %dma_wait3A_255] : memref<16x27648xi32, #tpu.memory_space<vmem_shared>> -> memref<1x27648xi32, #tpu.memory_space<vmem_shared>>
      %dma_wait3A_257 = tpu.memref_squeeze %dma_wait3A_256 : memref<1x27648xi32, #tpu.memory_space<vmem_shared>> -> memref<27648xi32, #tpu.memory_space<vmem_shared>>
      tpu.wait_dma2 semaphore(%run_scoped3A : memref<!tpu.dma_semaphore, #tpu.memory_space<semaphore_mem>>) src(%arg5 : memref<27648xi32, #tpu.memory_space<vmem>>) dst(%dma_wait3A_257 : memref<27648xi32, #tpu.memory_space<vmem_shared>>)
      tpu.yield
    }) : () -> ()
    %barrier3A = arith.constant 0 : index
    tpu.barrier barrier_id(%barrier3A)
    %and3A_140 = arith.constant -4 : i32
    %and3A_141 = arith.andi %arg1, %and3A_140 : i32
    %le3A = arith.constant 0 : i32
    %le3A_142 = arith.cmpi sle, %and3A_11, %le3A : i32
    %jit3A_143 = arith.constant 1 : i32
    %jit3A_144 = arith.constant 0 : i32
    %select_n3A_145 = arith.select %le3A_142, %jit3A_143, %jit3A_144 : i32
    %add3A_146 = arith.addi %and3A_141, %select_n3A_145 : i32
    "tpu.region"() ({
      %run_scoped3A = tpu.sem_alloc : memref<!tpu.dma_semaphore, #tpu.memory_space<semaphore_mem>>
      %dma_start3A_246 = tpu.memref_slice %arg7[%add3A_146, %mul3A_58] : memref<16x27648xi32, #tpu.memory_space<vmem_shared>> -> memref<1x6912xi32, #tpu.memory_space<vmem_shared>>
      %dma_start3A_247 = tpu.memref_squeeze %dma_start3A_246 : memref<1x6912xi32, #tpu.memory_space<vmem_shared>> -> memref<6912xi32, #tpu.memory_space<vmem_shared>>
      %dma_start3A_248 = tpu.memref_slice %arg7[%add3A_146, %mul3A_58] : memref<16x27648xi32, #tpu.memory_space<vmem_shared>> -> memref<1x6912xi32, #tpu.memory_space<vmem_shared>>
      %dma_start3A_249 = tpu.memref_squeeze %dma_start3A_248 : memref<1x6912xi32, #tpu.memory_space<vmem_shared>> -> memref<6912xi32, #tpu.memory_space<vmem_shared>>
      tpu.enqueue_dma source(%dma_start3A_249 : memref<6912xi32, #tpu.memory_space<vmem_shared>>) target(%arg6 : memref<6912xi32, #tpu.memory_space<vmem>>) target_semaphore(%run_scoped3A : memref<!tpu.dma_semaphore, #tpu.memory_space<semaphore_mem>>)
      %dma_wait3A_250 = tpu.memref_slice %arg7[%add3A_146, %mul3A_58] : memref<16x27648xi32, #tpu.memory_space<vmem_shared>> -> memref<1x6912xi32, #tpu.memory_space<vmem_shared>>
      %dma_wait3A_251 = tpu.memref_squeeze %dma_wait3A_250 : memref<1x6912xi32, #tpu.memory_space<vmem_shared>> -> memref<6912xi32, #tpu.memory_space<vmem_shared>>
      %dma_wait3A_252 = tpu.memref_slice %arg7[%add3A_146, %mul3A_58] : memref<16x27648xi32, #tpu.memory_space<vmem_shared>> -> memref<1x6912xi32, #tpu.memory_space<vmem_shared>>
      %dma_wait3A_253 = tpu.memref_squeeze %dma_wait3A_252 : memref<1x6912xi32, #tpu.memory_space<vmem_shared>> -> memref<6912xi32, #tpu.memory_space<vmem_shared>>
      tpu.wait_dma2 semaphore(%run_scoped3A : memref<!tpu.dma_semaphore, #tpu.memory_space<semaphore_mem>>) src(%dma_wait3A_253 : memref<6912xi32, #tpu.memory_space<vmem_shared>>) dst(%arg6 : memref<6912xi32, #tpu.memory_space<vmem>>)
      tpu.yield
    }) : () -> ()
    %parallel_loop3A_147 = arith.constant 0 : i32
    %parallel_loop3A_148 = arith.constant 432 : i32
    %parallel_loop3A_149 = arith.constant 1 : i32
    scf.for %parallel_loop3A_246 = %parallel_loop3A_147 to %parallel_loop3A_148 step %parallel_loop3A_149  : i32 {
      %parallel_loop3A_247 = arith.constant 16 : i32
      %parallel_loop3A_248 = arith.muli %parallel_loop3A_246, %parallel_loop3A_247 : i32
      %parallel_loop3A_249 = arith.addi %mul3A_58, %parallel_loop3A_248 : i32
      %parallel_loop3A_250 = arith.index_cast %parallel_loop3A_249 : i32 to index
      %parallel_loop3A_251 = tpu.vector_load %arg5[%parallel_loop3A_250] {strides = array<i32>} : memref<27648xi32, #tpu.memory_space<vmem>>, vector<16xi32>,
      %parallel_loop3A_252 = arith.constant 16 : i32
      %parallel_loop3A_253 = arith.muli %parallel_loop3A_246, %parallel_loop3A_252 : i32
      %parallel_loop3A_254 = arith.index_cast %parallel_loop3A_253 : i32 to index
      %parallel_loop3A_255 = tpu.vector_load %arg6[%parallel_loop3A_254] {strides = array<i32>} : memref<6912xi32, #tpu.memory_space<vmem>>, vector<16xi32>,
      %parallel_loop3A_256 = arith.maxsi %parallel_loop3A_251, %parallel_loop3A_255 : vector<16xi32>
      %parallel_loop3A_257 = arith.constant 16 : i32
      %parallel_loop3A_258 = arith.muli %parallel_loop3A_246, %parallel_loop3A_257 : i32
      %parallel_loop3A_259 = arith.addi %mul3A_58, %parallel_loop3A_258 : i32
      %parallel_loop3A_260 = arith.index_cast %parallel_loop3A_259 : i32 to index
      %parallel_loop3A_261 = tpu.vector_load %arg5[%parallel_loop3A_260] {strides = array<i32>} : memref<27648xi32, #tpu.memory_space<vmem>>, vector<16xi32>,
      tpu.vector_store %arg5[%parallel_loop3A_260], %parallel_loop3A_256 {strides = array<i32>} : memref<27648xi32, #tpu.memory_space<vmem>>, vector<16xi32>,
    } {sc.loop_unroll_factor = 8 : i64, sc.parallel_access}
    %le3A_150 = arith.constant 1 : i32
    %le3A_151 = arith.cmpi sle, %and3A_11, %le3A_150 : i32
    %jit3A_152 = arith.constant 2 : i32
    %jit3A_153 = arith.constant 1 : i32
    %select_n3A_154 = arith.select %le3A_151, %jit3A_152, %jit3A_153 : i32
    %add3A_155 = arith.addi %and3A_141, %select_n3A_154 : i32
    "tpu.region"() ({
      %run_scoped3A = tpu.sem_alloc : memref<!tpu.dma_semaphore, #tpu.memory_space<semaphore_mem>>
      %dma_start3A_246 = tpu.memref_slice %arg7[%add3A_155, %mul3A_58] : memref<16x27648xi32, #tpu.memory_space<vmem_shared>> -> memref<1x6912xi32, #tpu.memory_space<vmem_shared>>
      %dma_start3A_247 = tpu.memref_squeeze %dma_start3A_246 : memref<1x6912xi32, #tpu.memory_space<vmem_shared>> -> memref<6912xi32, #tpu.memory_space<vmem_shared>>
      %dma_start3A_248 = tpu.memref_slice %arg7[%add3A_155, %mul3A_58] : memref<16x27648xi32, #tpu.memory_space<vmem_shared>> -> memref<1x6912xi32, #tpu.memory_space<vmem_shared>>
      %dma_start3A_249 = tpu.memref_squeeze %dma_start3A_248 : memref<1x6912xi32, #tpu.memory_space<vmem_shared>> -> memref<6912xi32, #tpu.memory_space<vmem_shared>>
      tpu.enqueue_dma source(%dma_start3A_249 : memref<6912xi32, #tpu.memory_space<vmem_shared>>) target(%arg6 : memref<6912xi32, #tpu.memory_space<vmem>>) target_semaphore(%run_scoped3A : memref<!tpu.dma_semaphore, #tpu.memory_space<semaphore_mem>>)
      %dma_wait3A_250 = tpu.memref_slice %arg7[%add3A_155, %mul3A_58] : memref<16x27648xi32, #tpu.memory_space<vmem_shared>> -> memref<1x6912xi32, #tpu.memory_space<vmem_shared>>
      %dma_wait3A_251 = tpu.memref_squeeze %dma_wait3A_250 : memref<1x6912xi32, #tpu.memory_space<vmem_shared>> -> memref<6912xi32, #tpu.memory_space<vmem_shared>>
      %dma_wait3A_252 = tpu.memref_slice %arg7[%add3A_155, %mul3A_58] : memref<16x27648xi32, #tpu.memory_space<vmem_shared>> -> memref<1x6912xi32, #tpu.memory_space<vmem_shared>>
      %dma_wait3A_253 = tpu.memref_squeeze %dma_wait3A_252 : memref<1x6912xi32, #tpu.memory_space<vmem_shared>> -> memref<6912xi32, #tpu.memory_space<vmem_shared>>
      tpu.wait_dma2 semaphore(%run_scoped3A : memref<!tpu.dma_semaphore, #tpu.memory_space<semaphore_mem>>) src(%dma_wait3A_253 : memref<6912xi32, #tpu.memory_space<vmem_shared>>) dst(%arg6 : memref<6912xi32, #tpu.memory_space<vmem>>)
      tpu.yield
    }) : () -> ()
    %parallel_loop3A_156 = arith.constant 0 : i32
    %parallel_loop3A_157 = arith.constant 432 : i32
    %parallel_loop3A_158 = arith.constant 1 : i32
    scf.for %parallel_loop3A_246 = %parallel_loop3A_156 to %parallel_loop3A_157 step %parallel_loop3A_158  : i32 {
      %parallel_loop3A_247 = arith.constant 16 : i32
      %parallel_loop3A_248 = arith.muli %parallel_loop3A_246, %parallel_loop3A_247 : i32
      %parallel_loop3A_249 = arith.addi %mul3A_58, %parallel_loop3A_248 : i32
      %parallel_loop3A_250 = arith.index_cast %parallel_loop3A_249 : i32 to index
      %parallel_loop3A_251 = tpu.vector_load %arg5[%parallel_loop3A_250] {strides = array<i32>} : memref<27648xi32, #tpu.memory_space<vmem>>, vector<16xi32>,
      %parallel_loop3A_252 = arith.constant 16 : i32
      %parallel_loop3A_253 = arith.muli %parallel_loop3A_246, %parallel_loop3A_252 : i32
      %parallel_loop3A_254 = arith.index_cast %parallel_loop3A_253 : i32 to index
      %parallel_loop3A_255 = tpu.vector_load %arg6[%parallel_loop3A_254] {strides = array<i32>} : memref<6912xi32, #tpu.memory_space<vmem>>, vector<16xi32>,
      %parallel_loop3A_256 = arith.maxsi %parallel_loop3A_251, %parallel_loop3A_255 : vector<16xi32>
      %parallel_loop3A_257 = arith.constant 16 : i32
      %parallel_loop3A_258 = arith.muli %parallel_loop3A_246, %parallel_loop3A_257 : i32
      %parallel_loop3A_259 = arith.addi %mul3A_58, %parallel_loop3A_258 : i32
      %parallel_loop3A_260 = arith.index_cast %parallel_loop3A_259 : i32 to index
      %parallel_loop3A_261 = tpu.vector_load %arg5[%parallel_loop3A_260] {strides = array<i32>} : memref<27648xi32, #tpu.memory_space<vmem>>, vector<16xi32>,
      tpu.vector_store %arg5[%parallel_loop3A_260], %parallel_loop3A_256 {strides = array<i32>} : memref<27648xi32, #tpu.memory_space<vmem>>, vector<16xi32>,
    } {sc.loop_unroll_factor = 8 : i64, sc.parallel_access}
    %le3A_159 = arith.constant 2 : i32
    %le3A_160 = arith.cmpi sle, %and3A_11, %le3A_159 : i32
    %jit3A_161 = arith.constant 3 : i32
    %jit3A_162 = arith.constant 2 : i32
    %select_n3A_163 = arith.select %le3A_160, %jit3A_161, %jit3A_162 : i32
    %add3A_164 = arith.addi %and3A_141, %select_n3A_163 : i32
    "tpu.region"() ({
      %run_scoped3A = tpu.sem_alloc : memref<!tpu.dma_semaphore, #tpu.memory_space<semaphore_mem>>
      %dma_start3A_246 = tpu.memref_slice %arg7[%add3A_164, %mul3A_58] : memref<16x27648xi32, #tpu.memory_space<vmem_shared>> -> memref<1x6912xi32, #tpu.memory_space<vmem_shared>>
      %dma_start3A_247 = tpu.memref_squeeze %dma_start3A_246 : memref<1x6912xi32, #tpu.memory_space<vmem_shared>> -> memref<6912xi32, #tpu.memory_space<vmem_shared>>
      %dma_start3A_248 = tpu.memref_slice %arg7[%add3A_164, %mul3A_58] : memref<16x27648xi32, #tpu.memory_space<vmem_shared>> -> memref<1x6912xi32, #tpu.memory_space<vmem_shared>>
      %dma_start3A_249 = tpu.memref_squeeze %dma_start3A_248 : memref<1x6912xi32, #tpu.memory_space<vmem_shared>> -> memref<6912xi32, #tpu.memory_space<vmem_shared>>
      tpu.enqueue_dma source(%dma_start3A_249 : memref<6912xi32, #tpu.memory_space<vmem_shared>>) target(%arg6 : memref<6912xi32, #tpu.memory_space<vmem>>) target_semaphore(%run_scoped3A : memref<!tpu.dma_semaphore, #tpu.memory_space<semaphore_mem>>)
      %dma_wait3A_250 = tpu.memref_slice %arg7[%add3A_164, %mul3A_58] : memref<16x27648xi32, #tpu.memory_space<vmem_shared>> -> memref<1x6912xi32, #tpu.memory_space<vmem_shared>>
      %dma_wait3A_251 = tpu.memref_squeeze %dma_wait3A_250 : memref<1x6912xi32, #tpu.memory_space<vmem_shared>> -> memref<6912xi32, #tpu.memory_space<vmem_shared>>
      %dma_wait3A_252 = tpu.memref_slice %arg7[%add3A_164, %mul3A_58] : memref<16x27648xi32, #tpu.memory_space<vmem_shared>> -> memref<1x6912xi32, #tpu.memory_space<vmem_shared>>
      %dma_wait3A_253 = tpu.memref_squeeze %dma_wait3A_252 : memref<1x6912xi32, #tpu.memory_space<vmem_shared>> -> memref<6912xi32, #tpu.memory_space<vmem_shared>>
      tpu.wait_dma2 semaphore(%run_scoped3A : memref<!tpu.dma_semaphore, #tpu.memory_space<semaphore_mem>>) src(%dma_wait3A_253 : memref<6912xi32, #tpu.memory_space<vmem_shared>>) dst(%arg6 : memref<6912xi32, #tpu.memory_space<vmem>>)
      tpu.yield
    }) : () -> ()
    %parallel_loop3A_165 = arith.constant 0 : i32
    %parallel_loop3A_166 = arith.constant 432 : i32
    %parallel_loop3A_167 = arith.constant 1 : i32
    scf.for %parallel_loop3A_246 = %parallel_loop3A_165 to %parallel_loop3A_166 step %parallel_loop3A_167  : i32 {
      %parallel_loop3A_247 = arith.constant 16 : i32
      %parallel_loop3A_248 = arith.muli %parallel_loop3A_246, %parallel_loop3A_247 : i32
      %parallel_loop3A_249 = arith.addi %mul3A_58, %parallel_loop3A_248 : i32
      %parallel_loop3A_250 = arith.index_cast %parallel_loop3A_249 : i32 to index
      %parallel_loop3A_251 = tpu.vector_load %arg5[%parallel_loop3A_250] {strides = array<i32>} : memref<27648xi32, #tpu.memory_space<vmem>>, vector<16xi32>,
      %parallel_loop3A_252 = arith.constant 16 : i32
      %parallel_loop3A_253 = arith.muli %parallel_loop3A_246, %parallel_loop3A_252 : i32
      %parallel_loop3A_254 = arith.index_cast %parallel_loop3A_253 : i32 to index
      %parallel_loop3A_255 = tpu.vector_load %arg6[%parallel_loop3A_254] {strides = array<i32>} : memref<6912xi32, #tpu.memory_space<vmem>>, vector<16xi32>,
      %parallel_loop3A_256 = arith.maxsi %parallel_loop3A_251, %parallel_loop3A_255 : vector<16xi32>
      %parallel_loop3A_257 = arith.constant 16 : i32
      %parallel_loop3A_258 = arith.muli %parallel_loop3A_246, %parallel_loop3A_257 : i32
      %parallel_loop3A_259 = vector.broadcast %parallel_loop3A_258 : i32 to vector<16xi32>
      %parallel_loop3A_260 = arith.addi %parallel_loop3A_259, %iota3A : vector<16xi32>
      %parallel_loop3A_261 = arith.constant 1023 : i32
      %parallel_loop3A_262 = vector.broadcast %parallel_loop3A_261 : i32 to vector<16xi32>
      %parallel_loop3A_263 = arith.andi %parallel_loop3A_260, %parallel_loop3A_262 : vector<16xi32>
      %parallel_loop3A_264 = arith.constant 120000 : i32
      %parallel_loop3A_265 = vector.broadcast %parallel_loop3A_264 : i32 to vector<16xi32>
      %parallel_loop3A_266 = arith.addi %parallel_loop3A_265, %parallel_loop3A_263 : vector<16xi32>
      %parallel_loop3A_267 = arith.constant 0 : i32
      %parallel_loop3A_268 = vector.broadcast %parallel_loop3A_267 : i32 to vector<16xi32>
      %parallel_loop3A_269 = arith.cmpi slt, %parallel_loop3A_256, %parallel_loop3A_268 : vector<16xi32>
      %parallel_loop3A_270 = arith.select %parallel_loop3A_269, %parallel_loop3A_266, %parallel_loop3A_256 : vector<16xi1>, vector<16xi32>
      %parallel_loop3A_271 = arith.constant 16 : i32
      %parallel_loop3A_272 = arith.muli %parallel_loop3A_246, %parallel_loop3A_271 : i32
      %parallel_loop3A_273 = arith.addi %mul3A_58, %parallel_loop3A_272 : i32
      %parallel_loop3A_274 = arith.index_cast %parallel_loop3A_273 : i32 to index
      %parallel_loop3A_275 = tpu.vector_load %arg5[%parallel_loop3A_274] {strides = array<i32>} : memref<27648xi32, #tpu.memory_space<vmem>>, vector<16xi32>,
      tpu.vector_store %arg5[%parallel_loop3A_274], %parallel_loop3A_270 {strides = array<i32>} : memref<27648xi32, #tpu.memory_space<vmem>>, vector<16xi32>,
    } {sc.loop_unroll_factor = 8 : i64, sc.parallel_access}
    %add3A_168 = arith.constant 0 : i32
    %add3A_169 = vector.broadcast %add3A_168 : i32 to vector<16xi32>
    %add3A_170 = arith.addi %add3A_169, %iota3A : vector<16xi32>
    %add3A_171 = arith.constant 16 : i32
    %add3A_172 = vector.broadcast %add3A_171 : i32 to vector<16xi32>
    %add3A_173 = arith.addi %add3A_172, %iota3A : vector<16xi32>
    %add3A_174 = arith.constant 32 : i32
    %add3A_175 = vector.broadcast %add3A_174 : i32 to vector<16xi32>
    %add3A_176 = arith.addi %add3A_175, %iota3A : vector<16xi32>
    %add3A_177 = arith.constant 48 : i32
    %add3A_178 = vector.broadcast %add3A_177 : i32 to vector<16xi32>
    %add3A_179 = arith.addi %add3A_178, %iota3A : vector<16xi32>
    %broadcast_in_dim3A = arith.constant 0 : i32
    %broadcast_in_dim3A_180 = vector.broadcast %broadcast_in_dim3A : i32 to vector<16xi32>
    %add3A_181 = arith.constant 0 : i32
    %add3A_182 = arith.addi %mul3A_58, %add3A_181 : i32
    %dma_start3A_183 = tpu.memref_slice %arg5[%add3A_182] : memref<27648xi32, #tpu.memory_space<vmem>> -> memref<128xi32, #tpu.memory_space<vmem>>
    %dma_start3A_184 = arith.constant 0 : i32
    %dma_start3A_185 = arith.constant 0 : i32
    %dma_start3A_186 = tpu.memref_slice %arg3[%dma_start3A_184, %dma_start3A_185] : memref<121024x64xf32, #tpu.memory_space<hbm>> -> memref<121024x64xf32, #tpu.memory_space<hbm>>
    tpu.enqueue_indirect_dma source(%dma_start3A_186 : memref<121024x64xf32, #tpu.memory_space<hbm>>) target(%arg10 : memref<128x64xf32, #tpu.memory_space<vmem>>) offsets(%dma_start3A_183 : memref<128xi32, #tpu.memory_space<vmem>>) semaphore(%arg15 : memref<!tpu.dma_semaphore, #tpu.memory_space<semaphore_mem>>)
    %add3A_187 = arith.constant 128 : i32
    %add3A_188 = arith.addi %mul3A_58, %add3A_187 : i32
    %dma_start3A_189 = tpu.memref_slice %arg5[%add3A_188] : memref<27648xi32, #tpu.memory_space<vmem>> -> memref<128xi32, #tpu.memory_space<vmem>>
    %dma_start3A_190 = arith.constant 0 : i32
    %dma_start3A_191 = arith.constant 0 : i32
    %dma_start3A_192 = tpu.memref_slice %arg3[%dma_start3A_190, %dma_start3A_191] : memref<121024x64xf32, #tpu.memory_space<hbm>> -> memref<121024x64xf32, #tpu.memory_space<hbm>>
    tpu.enqueue_indirect_dma source(%dma_start3A_192 : memref<121024x64xf32, #tpu.memory_space<hbm>>) target(%arg11 : memref<128x64xf32, #tpu.memory_space<vmem>>) offsets(%dma_start3A_189 : memref<128xi32, #tpu.memory_space<vmem>>) semaphore(%arg16 : memref<!tpu.dma_semaphore, #tpu.memory_space<semaphore_mem>>)
    %jit3A_193 = arith.constant 2 : i32
    %div3A = arith.divsi %select_n3A, %jit3A_193 : i32
    %sign3A = arith.constant 0 : i32
    %sign3A_194 = arith.cmpi sgt, %select_n3A, %sign3A : i32
    %sign3A_195 = arith.extui %sign3A_194 : i1 to i32
    %sign3A_196 = arith.constant 0 : i32
    %sign3A_197 = arith.cmpi slt, %select_n3A, %sign3A_196 : i32
    %sign3A_198 = arith.extui %sign3A_197 : i1 to i32
    %sign3A_199 = arith.subi %sign3A_195, %sign3A_198 : i32
    %sign3A_200 = arith.constant 0 : i32
    %sign3A_201 = arith.cmpi sgt, %jit3A_193, %sign3A_200 : i32
    %sign3A_202 = arith.extui %sign3A_201 : i1 to i32
    %sign3A_203 = arith.constant 0 : i32
    %sign3A_204 = arith.cmpi slt, %jit3A_193, %sign3A_203 : i32
    %sign3A_205 = arith.extui %sign3A_204 : i1 to i32
    %sign3A_206 = arith.subi %sign3A_202, %sign3A_205 : i32
    %ne3A = arith.cmpi ne, %sign3A_199, %sign3A_206 : i32
    %rem3A = arith.remsi %select_n3A, %jit3A_193 : i32
    %ne3A_207 = arith.constant 0 : i32
    %ne3A_208 = arith.cmpi ne, %rem3A, %ne3A_207 : i32
    %and3A_209 = arith.andi %ne3A, %ne3A_208 : i1
    %sub3A_210 = arith.constant 1 : i32
    %sub3A_211 = arith.subi %div3A, %sub3A_210 : i32
    %select_n3A_212 = arith.select %and3A_209, %sub3A_211, %div3A : i32
    %while3A = arith.constant 0 : i32
    %while3A_213 = arith.constant 0 : i32
    %while3A_214 = arith.subi %select_n3A_212, %while3A_213 : i32
    %while3A_215 = arith.addi %while3A_213, %while3A_214 : i32
    %while3A_216 = arith.constant 1 : i32
    %while3A_217 = arith.divsi %while3A_214, %while3A_216 : i32
    %while3A_218 = arith.muli %while3A_217, %while3A_216 : i32
    %while3A_219 = arith.addi %while3A_213, %while3A_218 : i32
    %while3A_220 = arith.constant 1 : i32
    scf.for %while3A_246 = %while3A_213 to %while3A_219 step %while3A_220  : i32 {
      %mul3A_247 = arith.constant 2 : i32
      %mul3A_248 = arith.muli %mul3A_247, %while3A_246 : i32
      %add3A_249 = arith.constant 0 : i32
      %add3A_250 = arith.addi %mul3A_248, %add3A_249 : i32
      %dma_wait3A_251 = arith.constant 0 : i32
      %dma_wait3A_252 = tpu.memref_slice %arg5[%dma_wait3A_251] : memref<27648xi32, #tpu.memory_space<vmem>> -> memref<128xi32, #tpu.memory_space<vmem>>
      %dma_wait3A_253 = arith.constant 0 : i32
      %dma_wait3A_254 = arith.constant 0 : i32
      %dma_wait3A_255 = tpu.memref_slice %arg3[%dma_wait3A_253, %dma_wait3A_254] : memref<121024x64xf32, #tpu.memory_space<hbm>> -> memref<121024x64xf32, #tpu.memory_space<hbm>>
      tpu.wait_indirect_dma semaphore(%arg15 : memref<!tpu.dma_semaphore, #tpu.memory_space<semaphore_mem>>) src(%dma_wait3A_255 : memref<121024x64xf32, #tpu.memory_space<hbm>>) dst(%arg10 : memref<128x64xf32, #tpu.memory_space<vmem>>)
      %gt3A = arith.constant 0 : i32
      %gt3A_256 = arith.cmpi sgt, %while3A_246, %gt3A : i32
      %convert_element_type3A = arith.extui %gt3A_256 : i1 to i32
      %cond3A = arith.constant 0 : i32
      %cond3A_257 = arith.cmpi ne, %convert_element_type3A, %cond3A : i32
      scf.if %cond3A_257 {
        %dma_wait3A_316 = arith.constant 0 : i32
        %dma_wait3A_317 = arith.constant 0 : i32
        %dma_wait3A_318 = tpu.memref_slice %arg12[%dma_wait3A_316, %dma_wait3A_317] : memref<64x257xf32, #tpu.memory_space<vmem>> -> memref<64x128xf32, #tpu.memory_space<vmem>>
        %dma_wait3A_319 = arith.constant 0 : i32
        %dma_wait3A_320 = arith.constant 0 : i32
        %dma_wait3A_321 = tpu.memref_slice %arg4[%dma_wait3A_319, %dma_wait3A_320] : memref<64x214272xf32, #tpu.memory_space<hbm>> -> memref<64x128xf32, #tpu.memory_space<hbm>>
        %dma_wait3A_322 = arith.constant 0 : i32
        %dma_wait3A_323 = arith.constant 0 : i32
        %dma_wait3A_324 = tpu.memref_slice %arg4[%dma_wait3A_322, %dma_wait3A_323] : memref<64x214272xf32, #tpu.memory_space<hbm>> -> memref<64x128xf32, #tpu.memory_space<hbm>>
        %dma_wait3A_325 = arith.constant 0 : i32
        %dma_wait3A_326 = arith.constant 0 : i32
        %dma_wait3A_327 = tpu.memref_slice %arg12[%dma_wait3A_325, %dma_wait3A_326] : memref<64x257xf32, #tpu.memory_space<vmem>> -> memref<64x128xf32, #tpu.memory_space<vmem>>
        tpu.wait_dma2 semaphore(%arg17 : memref<!tpu.dma_semaphore, #tpu.memory_space<semaphore_mem>>) src(%dma_wait3A_327 : memref<64x128xf32, #tpu.memory_space<vmem>>) dst(%dma_wait3A_324 : memref<64x128xf32, #tpu.memory_space<hbm>>)
      } else {
      }
      %parallel_loop3A_258 = arith.constant 0 : i32
      %parallel_loop3A_259 = arith.constant 128 : i32
      %parallel_loop3A_260 = arith.constant 1 : i32
      scf.for %parallel_loop3A_316 = %parallel_loop3A_258 to %parallel_loop3A_259 step %parallel_loop3A_260  : i32 {
        %parallel_loop3A_317 = arith.constant 0 : i32
        %parallel_loop3A_318 = arith.addi %parallel_loop3A_317, %parallel_loop3A_316 : i32
        %parallel_loop3A_319 = vector.broadcast %parallel_loop3A_318 : i32 to vector<16xi32>
        %parallel_loop3A_320 = arith.addi %broadcast_in_dim3A_180, %parallel_loop3A_319 : vector<16xi32>
        %parallel_loop3A_321 = arith.index_cast %parallel_loop3A_316 : i32 to index
        %parallel_loop3A_322 = arith.constant 0 : index
        %parallel_loop3A_323 = tpu.vector_load %arg10[%parallel_loop3A_321, %parallel_loop3A_322] {strides = array<i32>} : memref<128x64xf32, #tpu.memory_space<vmem>>, vector<16xf32>,
        tpu.vector_store_idx %arg12[%add3A_170, %parallel_loop3A_320], %parallel_loop3A_323 : memref<64x257xf32, #tpu.memory_space<vmem>>[vector<16xi32>, vector<16xi32>], vector<16xf32>,
        %parallel_loop3A_324 = arith.index_cast %parallel_loop3A_316 : i32 to index
        %parallel_loop3A_325 = arith.constant 16 : index
        %parallel_loop3A_326 = tpu.vector_load %arg10[%parallel_loop3A_324, %parallel_loop3A_325] {strides = array<i32>} : memref<128x64xf32, #tpu.memory_space<vmem>>, vector<16xf32>,
        tpu.vector_store_idx %arg12[%add3A_173, %parallel_loop3A_320], %parallel_loop3A_326 : memref<64x257xf32, #tpu.memory_space<vmem>>[vector<16xi32>, vector<16xi32>], vector<16xf32>,
        %parallel_loop3A_327 = arith.index_cast %parallel_loop3A_316 : i32 to index
        %parallel_loop3A_328 = arith.constant 32 : index
        %parallel_loop3A_329 = tpu.vector_load %arg10[%parallel_loop3A_327, %parallel_loop3A_328] {strides = array<i32>} : memref<128x64xf32, #tpu.memory_space<vmem>>, vector<16xf32>,
        tpu.vector_store_idx %arg12[%add3A_176, %parallel_loop3A_320], %parallel_loop3A_329 : memref<64x257xf32, #tpu.memory_space<vmem>>[vector<16xi32>, vector<16xi32>], vector<16xf32>,
        %parallel_loop3A_330 = arith.index_cast %parallel_loop3A_316 : i32 to index
        %parallel_loop3A_331 = arith.constant 48 : index
        %parallel_loop3A_332 = tpu.vector_load %arg10[%parallel_loop3A_330, %parallel_loop3A_331] {strides = array<i32>} : memref<128x64xf32, #tpu.memory_space<vmem>>, vector<16xf32>,
        tpu.vector_store_idx %arg12[%add3A_179, %parallel_loop3A_320], %parallel_loop3A_332 : memref<64x257xf32, #tpu.memory_space<vmem>>[vector<16xi32>, vector<16xi32>], vector<16xf32>,
      } {sc.loop_unroll_factor = 8 : i64, sc.parallel_access}
      %add3A_261 = arith.addi %add3A_6, %add3A_250 : i32
      %mul3A_262 = arith.constant 128 : i32
      %mul3A_263 = arith.muli %add3A_261, %mul3A_262 : i32
      %dma_start3A_264 = arith.constant 0 : i32
      %dma_start3A_265 = arith.constant 0 : i32
      %dma_start3A_266 = tpu.memref_slice %arg12[%dma_start3A_264, %dma_start3A_265] : memref<64x257xf32, #tpu.memory_space<vmem>> -> memref<64x128xf32, #tpu.memory_space<vmem>>
      %dma_start3A_267 = arith.constant 0 : i32
      %dma_start3A_268 = tpu.memref_slice %arg4[%dma_start3A_267, %mul3A_263] : memref<64x214272xf32, #tpu.memory_space<hbm>> -> memref<64x128xf32, #tpu.memory_space<hbm>>
      %dma_start3A_269 = arith.constant 0 : i32
      %dma_start3A_270 = tpu.memref_slice %arg4[%dma_start3A_269, %mul3A_263] : memref<64x214272xf32, #tpu.memory_space<hbm>> -> memref<64x128xf32, #tpu.memory_space<hbm>>
      %dma_start3A_271 = arith.constant 0 : i32
      %dma_start3A_272 = arith.constant 0 : i32
      %dma_start3A_273 = tpu.memref_slice %arg12[%dma_start3A_271, %dma_start3A_272] : memref<64x257xf32, #tpu.memory_space<vmem>> -> memref<64x128xf32, #tpu.memory_space<vmem>>
      tpu.enqueue_dma source(%dma_start3A_273 : memref<64x128xf32, #tpu.memory_space<vmem>>) target(%dma_start3A_270 : memref<64x128xf32, #tpu.memory_space<hbm>>) target_semaphore(%arg17 : memref<!tpu.dma_semaphore, #tpu.memory_space<semaphore_mem>>)
      %add3A_274 = arith.constant 2 : i32
      %add3A_275 = arith.addi %add3A_250, %add3A_274 : i32
      %lt3A_276 = arith.cmpi slt, %add3A_275, %select_n3A : i32
      %convert_element_type3A_277 = arith.extui %lt3A_276 : i1 to i32
      %cond3A_278 = arith.constant 0 : i32
      %cond3A_279 = arith.cmpi ne, %convert_element_type3A_277, %cond3A_278 : i32
      scf.if %cond3A_279 {
        %add3A_316 = arith.constant 2 : i32
        %add3A_317 = arith.addi %add3A_250, %add3A_316 : i32
        %mul3A_318 = arith.constant 128 : i32
        %mul3A_319 = arith.muli %add3A_317, %mul3A_318 : i32
        %add3A_320 = arith.addi %mul3A_58, %mul3A_319 : i32
        %dma_start3A_321 = tpu.memref_slice %arg5[%add3A_320] : memref<27648xi32, #tpu.memory_space<vmem>> -> memref<128xi32, #tpu.memory_space<vmem>>
        %dma_start3A_322 = arith.constant 0 : i32
        %dma_start3A_323 = arith.constant 0 : i32
        %dma_start3A_324 = tpu.memref_slice %arg3[%dma_start3A_322, %dma_start3A_323] : memref<121024x64xf32, #tpu.memory_space<hbm>> -> memref<121024x64xf32, #tpu.memory_space<hbm>>
        tpu.enqueue_indirect_dma source(%dma_start3A_324 : memref<121024x64xf32, #tpu.memory_space<hbm>>) target(%arg10 : memref<128x64xf32, #tpu.memory_space<vmem>>) offsets(%dma_start3A_321 : memref<128xi32, #tpu.memory_space<vmem>>) semaphore(%arg15 : memref<!tpu.dma_semaphore, #tpu.memory_space<semaphore_mem>>)
      } else {
      }
      %mul3A_280 = arith.constant 2 : i32
      %mul3A_281 = arith.muli %mul3A_280, %while3A_246 : i32
      %add3A_282 = arith.constant 1 : i32
      %add3A_283 = arith.addi %mul3A_281, %add3A_282 : i32
      %dma_wait3A_284 = arith.constant 0 : i32
      %dma_wait3A_285 = tpu.memref_slice %arg5[%dma_wait3A_284] : memref<27648xi32, #tpu.memory_space<vmem>> -> memref<128xi32, #tpu.memory_space<vmem>>
      %dma_wait3A_286 = arith.constant 0 : i32
      %dma_wait3A_287 = arith.constant 0 : i32
      %dma_wait3A_288 = tpu.memref_slice %arg3[%dma_wait3A_286, %dma_wait3A_287] : memref<121024x64xf32, #tpu.memory_space<hbm>> -> memref<121024x64xf32, #tpu.memory_space<hbm>>
      tpu.wait_indirect_dma semaphore(%arg16 : memref<!tpu.dma_semaphore, #tpu.memory_space<semaphore_mem>>) src(%dma_wait3A_288 : memref<121024x64xf32, #tpu.memory_space<hbm>>) dst(%arg11 : memref<128x64xf32, #tpu.memory_space<vmem>>)
      %gt3A_289 = arith.constant 0 : i32
      %gt3A_290 = arith.cmpi sgt, %while3A_246, %gt3A_289 : i32
      %convert_element_type3A_291 = arith.extui %gt3A_290 : i1 to i32
      %cond3A_292 = arith.constant 0 : i32
      %cond3A_293 = arith.cmpi ne, %convert_element_type3A_291, %cond3A_292 : i32
      scf.if %cond3A_293 {
        %dma_wait3A_316 = arith.constant 0 : i32
        %dma_wait3A_317 = arith.constant 128 : i32
        %dma_wait3A_318 = tpu.memref_slice %arg12[%dma_wait3A_316, %dma_wait3A_317] : memref<64x257xf32, #tpu.memory_space<vmem>> -> memref<64x128xf32, #tpu.memory_space<vmem>>
        %dma_wait3A_319 = arith.constant 0 : i32
        %dma_wait3A_320 = arith.constant 0 : i32
        %dma_wait3A_321 = tpu.memref_slice %arg4[%dma_wait3A_319, %dma_wait3A_320] : memref<64x214272xf32, #tpu.memory_space<hbm>> -> memref<64x128xf32, #tpu.memory_space<hbm>>
        %dma_wait3A_322 = arith.constant 0 : i32
        %dma_wait3A_323 = arith.constant 0 : i32
        %dma_wait3A_324 = tpu.memref_slice %arg4[%dma_wait3A_322, %dma_wait3A_323] : memref<64x214272xf32, #tpu.memory_space<hbm>> -> memref<64x128xf32, #tpu.memory_space<hbm>>
        %dma_wait3A_325 = arith.constant 0 : i32
        %dma_wait3A_326 = arith.constant 128 : i32
        %dma_wait3A_327 = tpu.memref_slice %arg12[%dma_wait3A_325, %dma_wait3A_326] : memref<64x257xf32, #tpu.memory_space<vmem>> -> memref<64x128xf32, #tpu.memory_space<vmem>>
        tpu.wait_dma2 semaphore(%arg18 : memref<!tpu.dma_semaphore, #tpu.memory_space<semaphore_mem>>) src(%dma_wait3A_327 : memref<64x128xf32, #tpu.memory_space<vmem>>) dst(%dma_wait3A_324 : memref<64x128xf32, #tpu.memory_space<hbm>>)
      } else {
      }
      %parallel_loop3A_294 = arith.constant 0 : i32
      %parallel_loop3A_295 = arith.constant 128 : i32
      %parallel_loop3A_296 = arith.constant 1 : i32
      scf.for %parallel_loop3A_316 = %parallel_loop3A_294 to %parallel_loop3A_295 step %parallel_loop3A_296  : i32 {
        %parallel_loop3A_317 = arith.constant 128 : i32
        %parallel_loop3A_318 = arith.addi %parallel_loop3A_317, %parallel_loop3A_316 : i32
        %parallel_loop3A_319 = vector.broadcast %parallel_loop3A_318 : i32 to vector<16xi32>
        %parallel_loop3A_320 = arith.addi %broadcast_in_dim3A_180, %parallel_loop3A_319 : vector<16xi32>
        %parallel_loop3A_321 = arith.index_cast %parallel_loop3A_316 : i32 to index
        %parallel_loop3A_322 = arith.constant 0 : index
        %parallel_loop3A_323 = tpu.vector_load %arg11[%parallel_loop3A_321, %parallel_loop3A_322] {strides = array<i32>} : memref<128x64xf32, #tpu.memory_space<vmem>>, vector<16xf32>,
        tpu.vector_store_idx %arg12[%add3A_170, %parallel_loop3A_320], %parallel_loop3A_323 : memref<64x257xf32, #tpu.memory_space<vmem>>[vector<16xi32>, vector<16xi32>], vector<16xf32>,
        %parallel_loop3A_324 = arith.index_cast %parallel_loop3A_316 : i32 to index
        %parallel_loop3A_325 = arith.constant 16 : index
        %parallel_loop3A_326 = tpu.vector_load %arg11[%parallel_loop3A_324, %parallel_loop3A_325] {strides = array<i32>} : memref<128x64xf32, #tpu.memory_space<vmem>>, vector<16xf32>,
        tpu.vector_store_idx %arg12[%add3A_173, %parallel_loop3A_320], %parallel_loop3A_326 : memref<64x257xf32, #tpu.memory_space<vmem>>[vector<16xi32>, vector<16xi32>], vector<16xf32>,
        %parallel_loop3A_327 = arith.index_cast %parallel_loop3A_316 : i32 to index
        %parallel_loop3A_328 = arith.constant 32 : index
        %parallel_loop3A_329 = tpu.vector_load %arg11[%parallel_loop3A_327, %parallel_loop3A_328] {strides = array<i32>} : memref<128x64xf32, #tpu.memory_space<vmem>>, vector<16xf32>,
        tpu.vector_store_idx %arg12[%add3A_176, %parallel_loop3A_320], %parallel_loop3A_329 : memref<64x257xf32, #tpu.memory_space<vmem>>[vector<16xi32>, vector<16xi32>], vector<16xf32>,
        %parallel_loop3A_330 = arith.index_cast %parallel_loop3A_316 : i32 to index
        %parallel_loop3A_331 = arith.constant 48 : index
        %parallel_loop3A_332 = tpu.vector_load %arg11[%parallel_loop3A_330, %parallel_loop3A_331] {strides = array<i32>} : memref<128x64xf32, #tpu.memory_space<vmem>>, vector<16xf32>,
        tpu.vector_store_idx %arg12[%add3A_179, %parallel_loop3A_320], %parallel_loop3A_332 : memref<64x257xf32, #tpu.memory_space<vmem>>[vector<16xi32>, vector<16xi32>], vector<16xf32>,
      } {sc.loop_unroll_factor = 8 : i64, sc.parallel_access}
      %add3A_297 = arith.addi %add3A_6, %add3A_283 : i32
      %mul3A_298 = arith.constant 128 : i32
      %mul3A_299 = arith.muli %add3A_297, %mul3A_298 : i32
      %dma_start3A_300 = arith.constant 0 : i32
      %dma_start3A_301 = arith.constant 128 : i32
      %dma_start3A_302 = tpu.memref_slice %arg12[%dma_start3A_300, %dma_start3A_301] : memref<64x257xf32, #tpu.memory_space<vmem>> -> memref<64x128xf32, #tpu.memory_space<vmem>>
      %dma_start3A_303 = arith.constant 0 : i32
      %dma_start3A_304 = tpu.memref_slice %arg4[%dma_start3A_303, %mul3A_299] : memref<64x214272xf32, #tpu.memory_space<hbm>> -> memref<64x128xf32, #tpu.memory_space<hbm>>
      %dma_start3A_305 = arith.constant 0 : i32
      %dma_start3A_306 = tpu.memref_slice %arg4[%dma_start3A_305, %mul3A_299] : memref<64x214272xf32, #tpu.memory_space<hbm>> -> memref<64x128xf32, #tpu.memory_space<hbm>>
      %dma_start3A_307 = arith.constant 0 : i32
      %dma_start3A_308 = arith.constant 128 : i32
      %dma_start3A_309 = tpu.memref_slice %arg12[%dma_start3A_307, %dma_start3A_308] : memref<64x257xf32, #tpu.memory_space<vmem>> -> memref<64x128xf32, #tpu.memory_space<vmem>>
      tpu.enqueue_dma source(%dma_start3A_309 : memref<64x128xf32, #tpu.memory_space<vmem>>) target(%dma_start3A_306 : memref<64x128xf32, #tpu.memory_space<hbm>>) target_semaphore(%arg18 : memref<!tpu.dma_semaphore, #tpu.memory_space<semaphore_mem>>)
      %add3A_310 = arith.constant 2 : i32
      %add3A_311 = arith.addi %add3A_283, %add3A_310 : i32
      %lt3A_312 = arith.cmpi slt, %add3A_311, %select_n3A : i32
      %convert_element_type3A_313 = arith.extui %lt3A_312 : i1 to i32
      %cond3A_314 = arith.constant 0 : i32
      %cond3A_315 = arith.cmpi ne, %convert_element_type3A_313, %cond3A_314 : i32
      scf.if %cond3A_315 {
        %add3A_316 = arith.constant 2 : i32
        %add3A_317 = arith.addi %add3A_283, %add3A_316 : i32
        %mul3A_318 = arith.constant 128 : i32
        %mul3A_319 = arith.muli %add3A_317, %mul3A_318 : i32
        %add3A_320 = arith.addi %mul3A_58, %mul3A_319 : i32
        %dma_start3A_321 = tpu.memref_slice %arg5[%add3A_320] : memref<27648xi32, #tpu.memory_space<vmem>> -> memref<128xi32, #tpu.memory_space<vmem>>
        %dma_start3A_322 = arith.constant 0 : i32
        %dma_start3A_323 = arith.constant 0 : i32
        %dma_start3A_324 = tpu.memref_slice %arg3[%dma_start3A_322, %dma_start3A_323] : memref<121024x64xf32, #tpu.memory_space<hbm>> -> memref<121024x64xf32, #tpu.memory_space<hbm>>
        tpu.enqueue_indirect_dma source(%dma_start3A_324 : memref<121024x64xf32, #tpu.memory_space<hbm>>) target(%arg11 : memref<128x64xf32, #tpu.memory_space<vmem>>) offsets(%dma_start3A_321 : memref<128xi32, #tpu.memory_space<vmem>>) semaphore(%arg16 : memref<!tpu.dma_semaphore, #tpu.memory_space<semaphore_mem>>)
      } else {
      }
    }
    %while3A_221 = arith.constant 1 : i32
    scf.for %while3A_246 = %while3A_219 to %while3A_215 step %while3A_221  : i32 {
      %mul3A_247 = arith.constant 2 : i32
      %mul3A_248 = arith.muli %mul3A_247, %while3A_246 : i32
      %add3A_249 = arith.constant 0 : i32
      %add3A_250 = arith.addi %mul3A_248, %add3A_249 : i32
      %dma_wait3A_251 = arith.constant 0 : i32
      %dma_wait3A_252 = tpu.memref_slice %arg5[%dma_wait3A_251] : memref<27648xi32, #tpu.memory_space<vmem>> -> memref<128xi32, #tpu.memory_space<vmem>>
      %dma_wait3A_253 = arith.constant 0 : i32
      %dma_wait3A_254 = arith.constant 0 : i32
      %dma_wait3A_255 = tpu.memref_slice %arg3[%dma_wait3A_253, %dma_wait3A_254] : memref<121024x64xf32, #tpu.memory_space<hbm>> -> memref<121024x64xf32, #tpu.memory_space<hbm>>
      tpu.wait_indirect_dma semaphore(%arg15 : memref<!tpu.dma_semaphore, #tpu.memory_space<semaphore_mem>>) src(%dma_wait3A_255 : memref<121024x64xf32, #tpu.memory_space<hbm>>) dst(%arg10 : memref<128x64xf32, #tpu.memory_space<vmem>>)
      %gt3A = arith.constant 0 : i32
      %gt3A_256 = arith.cmpi sgt, %while3A_246, %gt3A : i32
      %convert_element_type3A = arith.extui %gt3A_256 : i1 to i32
      %cond3A = arith.constant 0 : i32
      %cond3A_257 = arith.cmpi ne, %convert_element_type3A, %cond3A : i32
      scf.if %cond3A_257 {
        %dma_wait3A_316 = arith.constant 0 : i32
        %dma_wait3A_317 = arith.constant 0 : i32
        %dma_wait3A_318 = tpu.memref_slice %arg12[%dma_wait3A_316, %dma_wait3A_317] : memref<64x257xf32, #tpu.memory_space<vmem>> -> memref<64x128xf32, #tpu.memory_space<vmem>>
        %dma_wait3A_319 = arith.constant 0 : i32
        %dma_wait3A_320 = arith.constant 0 : i32
        %dma_wait3A_321 = tpu.memref_slice %arg4[%dma_wait3A_319, %dma_wait3A_320] : memref<64x214272xf32, #tpu.memory_space<hbm>> -> memref<64x128xf32, #tpu.memory_space<hbm>>
        %dma_wait3A_322 = arith.constant 0 : i32
        %dma_wait3A_323 = arith.constant 0 : i32
        %dma_wait3A_324 = tpu.memref_slice %arg4[%dma_wait3A_322, %dma_wait3A_323] : memref<64x214272xf32, #tpu.memory_space<hbm>> -> memref<64x128xf32, #tpu.memory_space<hbm>>
        %dma_wait3A_325 = arith.constant 0 : i32
        %dma_wait3A_326 = arith.constant 0 : i32
        %dma_wait3A_327 = tpu.memref_slice %arg12[%dma_wait3A_325, %dma_wait3A_326] : memref<64x257xf32, #tpu.memory_space<vmem>> -> memref<64x128xf32, #tpu.memory_space<vmem>>
        tpu.wait_dma2 semaphore(%arg17 : memref<!tpu.dma_semaphore, #tpu.memory_space<semaphore_mem>>) src(%dma_wait3A_327 : memref<64x128xf32, #tpu.memory_space<vmem>>) dst(%dma_wait3A_324 : memref<64x128xf32, #tpu.memory_space<hbm>>)
      } else {
      }
      %parallel_loop3A_258 = arith.constant 0 : i32
      %parallel_loop3A_259 = arith.constant 128 : i32
      %parallel_loop3A_260 = arith.constant 1 : i32
      scf.for %parallel_loop3A_316 = %parallel_loop3A_258 to %parallel_loop3A_259 step %parallel_loop3A_260  : i32 {
        %parallel_loop3A_317 = arith.constant 0 : i32
        %parallel_loop3A_318 = arith.addi %parallel_loop3A_317, %parallel_loop3A_316 : i32
        %parallel_loop3A_319 = vector.broadcast %parallel_loop3A_318 : i32 to vector<16xi32>
        %parallel_loop3A_320 = arith.addi %broadcast_in_dim3A_180, %parallel_loop3A_319 : vector<16xi32>
        %parallel_loop3A_321 = arith.index_cast %parallel_loop3A_316 : i32 to index
        %parallel_loop3A_322 = arith.constant 0 : index
        %parallel_loop3A_323 = tpu.vector_load %arg10[%parallel_loop3A_321, %parallel_loop3A_322] {strides = array<i32>} : memref<128x64xf32, #tpu.memory_space<vmem>>, vector<16xf32>,
        tpu.vector_store_idx %arg12[%add3A_170, %parallel_loop3A_320], %parallel_loop3A_323 : memref<64x257xf32, #tpu.memory_space<vmem>>[vector<16xi32>, vector<16xi32>], vector<16xf32>,
        %parallel_loop3A_324 = arith.index_cast %parallel_loop3A_316 : i32 to index
        %parallel_loop3A_325 = arith.constant 16 : index
        %parallel_loop3A_326 = tpu.vector_load %arg10[%parallel_loop3A_324, %parallel_loop3A_325] {strides = array<i32>} : memref<128x64xf32, #tpu.memory_space<vmem>>, vector<16xf32>,
        tpu.vector_store_idx %arg12[%add3A_173, %parallel_loop3A_320], %parallel_loop3A_326 : memref<64x257xf32, #tpu.memory_space<vmem>>[vector<16xi32>, vector<16xi32>], vector<16xf32>,
        %parallel_loop3A_327 = arith.index_cast %parallel_loop3A_316 : i32 to index
        %parallel_loop3A_328 = arith.constant 32 : index
        %parallel_loop3A_329 = tpu.vector_load %arg10[%parallel_loop3A_327, %parallel_loop3A_328] {strides = array<i32>} : memref<128x64xf32, #tpu.memory_space<vmem>>, vector<16xf32>,
        tpu.vector_store_idx %arg12[%add3A_176, %parallel_loop3A_320], %parallel_loop3A_329 : memref<64x257xf32, #tpu.memory_space<vmem>>[vector<16xi32>, vector<16xi32>], vector<16xf32>,
        %parallel_loop3A_330 = arith.index_cast %parallel_loop3A_316 : i32 to index
        %parallel_loop3A_331 = arith.constant 48 : index
        %parallel_loop3A_332 = tpu.vector_load %arg10[%parallel_loop3A_330, %parallel_loop3A_331] {strides = array<i32>} : memref<128x64xf32, #tpu.memory_space<vmem>>, vector<16xf32>,
        tpu.vector_store_idx %arg12[%add3A_179, %parallel_loop3A_320], %parallel_loop3A_332 : memref<64x257xf32, #tpu.memory_space<vmem>>[vector<16xi32>, vector<16xi32>], vector<16xf32>,
      } {sc.loop_unroll_factor = 8 : i64, sc.parallel_access}
      %add3A_261 = arith.addi %add3A_6, %add3A_250 : i32
      %mul3A_262 = arith.constant 128 : i32
      %mul3A_263 = arith.muli %add3A_261, %mul3A_262 : i32
      %dma_start3A_264 = arith.constant 0 : i32
      %dma_start3A_265 = arith.constant 0 : i32
      %dma_start3A_266 = tpu.memref_slice %arg12[%dma_start3A_264, %dma_start3A_265] : memref<64x257xf32, #tpu.memory_space<vmem>> -> memref<64x128xf32, #tpu.memory_space<vmem>>
      %dma_start3A_267 = arith.constant 0 : i32
      %dma_start3A_268 = tpu.memref_slice %arg4[%dma_start3A_267, %mul3A_263] : memref<64x214272xf32, #tpu.memory_space<hbm>> -> memref<64x128xf32, #tpu.memory_space<hbm>>
      %dma_start3A_269 = arith.constant 0 : i32
      %dma_start3A_270 = tpu.memref_slice %arg4[%dma_start3A_269, %mul3A_263] : memref<64x214272xf32, #tpu.memory_space<hbm>> -> memref<64x128xf32, #tpu.memory_space<hbm>>
      %dma_start3A_271 = arith.constant 0 : i32
      %dma_start3A_272 = arith.constant 0 : i32
      %dma_start3A_273 = tpu.memref_slice %arg12[%dma_start3A_271, %dma_start3A_272] : memref<64x257xf32, #tpu.memory_space<vmem>> -> memref<64x128xf32, #tpu.memory_space<vmem>>
      tpu.enqueue_dma source(%dma_start3A_273 : memref<64x128xf32, #tpu.memory_space<vmem>>) target(%dma_start3A_270 : memref<64x128xf32, #tpu.memory_space<hbm>>) target_semaphore(%arg17 : memref<!tpu.dma_semaphore, #tpu.memory_space<semaphore_mem>>)
      %add3A_274 = arith.constant 2 : i32
      %add3A_275 = arith.addi %add3A_250, %add3A_274 : i32
      %lt3A_276 = arith.cmpi slt, %add3A_275, %select_n3A : i32
      %convert_element_type3A_277 = arith.extui %lt3A_276 : i1 to i32
      %cond3A_278 = arith.constant 0 : i32
      %cond3A_279 = arith.cmpi ne, %convert_element_type3A_277, %cond3A_278 : i32
      scf.if %cond3A_279 {
        %add3A_316 = arith.constant 2 : i32
        %add3A_317 = arith.addi %add3A_250, %add3A_316 : i32
        %mul3A_318 = arith.constant 128 : i32
        %mul3A_319 = arith.muli %add3A_317, %mul3A_318 : i32
        %add3A_320 = arith.addi %mul3A_58, %mul3A_319 : i32
        %dma_start3A_321 = tpu.memref_slice %arg5[%add3A_320] : memref<27648xi32, #tpu.memory_space<vmem>> -> memref<128xi32, #tpu.memory_space<vmem>>
        %dma_start3A_322 = arith.constant 0 : i32
        %dma_start3A_323 = arith.constant 0 : i32
        %dma_start3A_324 = tpu.memref_slice %arg3[%dma_start3A_322, %dma_start3A_323] : memref<121024x64xf32, #tpu.memory_space<hbm>> -> memref<121024x64xf32, #tpu.memory_space<hbm>>
        tpu.enqueue_indirect_dma source(%dma_start3A_324 : memref<121024x64xf32, #tpu.memory_space<hbm>>) target(%arg10 : memref<128x64xf32, #tpu.memory_space<vmem>>) offsets(%dma_start3A_321 : memref<128xi32, #tpu.memory_space<vmem>>) semaphore(%arg15 : memref<!tpu.dma_semaphore, #tpu.memory_space<semaphore_mem>>)
      } else {
      }
      %mul3A_280 = arith.constant 2 : i32
      %mul3A_281 = arith.muli %mul3A_280, %while3A_246 : i32
      %add3A_282 = arith.constant 1 : i32
      %add3A_283 = arith.addi %mul3A_281, %add3A_282 : i32
      %dma_wait3A_284 = arith.constant 0 : i32
      %dma_wait3A_285 = tpu.memref_slice %arg5[%dma_wait3A_284] : memref<27648xi32, #tpu.memory_space<vmem>> -> memref<128xi32, #tpu.memory_space<vmem>>
      %dma_wait3A_286 = arith.constant 0 : i32
      %dma_wait3A_287 = arith.constant 0 : i32
      %dma_wait3A_288 = tpu.memref_slice %arg3[%dma_wait3A_286, %dma_wait3A_287] : memref<121024x64xf32, #tpu.memory_space<hbm>> -> memref<121024x64xf32, #tpu.memory_space<hbm>>
      tpu.wait_indirect_dma semaphore(%arg16 : memref<!tpu.dma_semaphore, #tpu.memory_space<semaphore_mem>>) src(%dma_wait3A_288 : memref<121024x64xf32, #tpu.memory_space<hbm>>) dst(%arg11 : memref<128x64xf32, #tpu.memory_space<vmem>>)
      %gt3A_289 = arith.constant 0 : i32
      %gt3A_290 = arith.cmpi sgt, %while3A_246, %gt3A_289 : i32
      %convert_element_type3A_291 = arith.extui %gt3A_290 : i1 to i32
      %cond3A_292 = arith.constant 0 : i32
      %cond3A_293 = arith.cmpi ne, %convert_element_type3A_291, %cond3A_292 : i32
      scf.if %cond3A_293 {
        %dma_wait3A_316 = arith.constant 0 : i32
        %dma_wait3A_317 = arith.constant 128 : i32
        %dma_wait3A_318 = tpu.memref_slice %arg12[%dma_wait3A_316, %dma_wait3A_317] : memref<64x257xf32, #tpu.memory_space<vmem>> -> memref<64x128xf32, #tpu.memory_space<vmem>>
        %dma_wait3A_319 = arith.constant 0 : i32
        %dma_wait3A_320 = arith.constant 0 : i32
        %dma_wait3A_321 = tpu.memref_slice %arg4[%dma_wait3A_319, %dma_wait3A_320] : memref<64x214272xf32, #tpu.memory_space<hbm>> -> memref<64x128xf32, #tpu.memory_space<hbm>>
        %dma_wait3A_322 = arith.constant 0 : i32
        %dma_wait3A_323 = arith.constant 0 : i32
        %dma_wait3A_324 = tpu.memref_slice %arg4[%dma_wait3A_322, %dma_wait3A_323] : memref<64x214272xf32, #tpu.memory_space<hbm>> -> memref<64x128xf32, #tpu.memory_space<hbm>>
        %dma_wait3A_325 = arith.constant 0 : i32
        %dma_wait3A_326 = arith.constant 128 : i32
        %dma_wait3A_327 = tpu.memref_slice %arg12[%dma_wait3A_325, %dma_wait3A_326] : memref<64x257xf32, #tpu.memory_space<vmem>> -> memref<64x128xf32, #tpu.memory_space<vmem>>
        tpu.wait_dma2 semaphore(%arg18 : memref<!tpu.dma_semaphore, #tpu.memory_space<semaphore_mem>>) src(%dma_wait3A_327 : memref<64x128xf32, #tpu.memory_space<vmem>>) dst(%dma_wait3A_324 : memref<64x128xf32, #tpu.memory_space<hbm>>)
      } else {
      }
      %parallel_loop3A_294 = arith.constant 0 : i32
      %parallel_loop3A_295 = arith.constant 128 : i32
      %parallel_loop3A_296 = arith.constant 1 : i32
      scf.for %parallel_loop3A_316 = %parallel_loop3A_294 to %parallel_loop3A_295 step %parallel_loop3A_296  : i32 {
        %parallel_loop3A_317 = arith.constant 128 : i32
        %parallel_loop3A_318 = arith.addi %parallel_loop3A_317, %parallel_loop3A_316 : i32
        %parallel_loop3A_319 = vector.broadcast %parallel_loop3A_318 : i32 to vector<16xi32>
        %parallel_loop3A_320 = arith.addi %broadcast_in_dim3A_180, %parallel_loop3A_319 : vector<16xi32>
        %parallel_loop3A_321 = arith.index_cast %parallel_loop3A_316 : i32 to index
        %parallel_loop3A_322 = arith.constant 0 : index
        %parallel_loop3A_323 = tpu.vector_load %arg11[%parallel_loop3A_321, %parallel_loop3A_322] {strides = array<i32>} : memref<128x64xf32, #tpu.memory_space<vmem>>, vector<16xf32>,
        tpu.vector_store_idx %arg12[%add3A_170, %parallel_loop3A_320], %parallel_loop3A_323 : memref<64x257xf32, #tpu.memory_space<vmem>>[vector<16xi32>, vector<16xi32>], vector<16xf32>,
        %parallel_loop3A_324 = arith.index_cast %parallel_loop3A_316 : i32 to index
        %parallel_loop3A_325 = arith.constant 16 : index
        %parallel_loop3A_326 = tpu.vector_load %arg11[%parallel_loop3A_324, %parallel_loop3A_325] {strides = array<i32>} : memref<128x64xf32, #tpu.memory_space<vmem>>, vector<16xf32>,
        tpu.vector_store_idx %arg12[%add3A_173, %parallel_loop3A_320], %parallel_loop3A_326 : memref<64x257xf32, #tpu.memory_space<vmem>>[vector<16xi32>, vector<16xi32>], vector<16xf32>,
        %parallel_loop3A_327 = arith.index_cast %parallel_loop3A_316 : i32 to index
        %parallel_loop3A_328 = arith.constant 32 : index
        %parallel_loop3A_329 = tpu.vector_load %arg11[%parallel_loop3A_327, %parallel_loop3A_328] {strides = array<i32>} : memref<128x64xf32, #tpu.memory_space<vmem>>, vector<16xf32>,
        tpu.vector_store_idx %arg12[%add3A_176, %parallel_loop3A_320], %parallel_loop3A_329 : memref<64x257xf32, #tpu.memory_space<vmem>>[vector<16xi32>, vector<16xi32>], vector<16xf32>,
        %parallel_loop3A_330 = arith.index_cast %parallel_loop3A_316 : i32 to index
        %parallel_loop3A_331 = arith.constant 48 : index
        %parallel_loop3A_332 = tpu.vector_load %arg11[%parallel_loop3A_330, %parallel_loop3A_331] {strides = array<i32>} : memref<128x64xf32, #tpu.memory_space<vmem>>, vector<16xf32>,
        tpu.vector_store_idx %arg12[%add3A_179, %parallel_loop3A_320], %parallel_loop3A_332 : memref<64x257xf32, #tpu.memory_space<vmem>>[vector<16xi32>, vector<16xi32>], vector<16xf32>,
      } {sc.loop_unroll_factor = 8 : i64, sc.parallel_access}
      %add3A_297 = arith.addi %add3A_6, %add3A_283 : i32
      %mul3A_298 = arith.constant 128 : i32
      %mul3A_299 = arith.muli %add3A_297, %mul3A_298 : i32
      %dma_start3A_300 = arith.constant 0 : i32
      %dma_start3A_301 = arith.constant 128 : i32
      %dma_start3A_302 = tpu.memref_slice %arg12[%dma_start3A_300, %dma_start3A_301] : memref<64x257xf32, #tpu.memory_space<vmem>> -> memref<64x128xf32, #tpu.memory_space<vmem>>
      %dma_start3A_303 = arith.constant 0 : i32
      %dma_start3A_304 = tpu.memref_slice %arg4[%dma_start3A_303, %mul3A_299] : memref<64x214272xf32, #tpu.memory_space<hbm>> -> memref<64x128xf32, #tpu.memory_space<hbm>>
      %dma_start3A_305 = arith.constant 0 : i32
      %dma_start3A_306 = tpu.memref_slice %arg4[%dma_start3A_305, %mul3A_299] : memref<64x214272xf32, #tpu.memory_space<hbm>> -> memref<64x128xf32, #tpu.memory_space<hbm>>
      %dma_start3A_307 = arith.constant 0 : i32
      %dma_start3A_308 = arith.constant 128 : i32
      %dma_start3A_309 = tpu.memref_slice %arg12[%dma_start3A_307, %dma_start3A_308] : memref<64x257xf32, #tpu.memory_space<vmem>> -> memref<64x128xf32, #tpu.memory_space<vmem>>
      tpu.enqueue_dma source(%dma_start3A_309 : memref<64x128xf32, #tpu.memory_space<vmem>>) target(%dma_start3A_306 : memref<64x128xf32, #tpu.memory_space<hbm>>) target_semaphore(%arg18 : memref<!tpu.dma_semaphore, #tpu.memory_space<semaphore_mem>>)
      %add3A_310 = arith.constant 2 : i32
      %add3A_311 = arith.addi %add3A_283, %add3A_310 : i32
      %lt3A_312 = arith.cmpi slt, %add3A_311, %select_n3A : i32
      %convert_element_type3A_313 = arith.extui %lt3A_312 : i1 to i32
      %cond3A_314 = arith.constant 0 : i32
      %cond3A_315 = arith.cmpi ne, %convert_element_type3A_313, %cond3A_314 : i32
      scf.if %cond3A_315 {
        %add3A_316 = arith.constant 2 : i32
        %add3A_317 = arith.addi %add3A_283, %add3A_316 : i32
        %mul3A_318 = arith.constant 128 : i32
        %mul3A_319 = arith.muli %add3A_317, %mul3A_318 : i32
        %add3A_320 = arith.addi %mul3A_58, %mul3A_319 : i32
        %dma_start3A_321 = tpu.memref_slice %arg5[%add3A_320] : memref<27648xi32, #tpu.memory_space<vmem>> -> memref<128xi32, #tpu.memory_space<vmem>>
        %dma_start3A_322 = arith.constant 0 : i32
        %dma_start3A_323 = arith.constant 0 : i32
        %dma_start3A_324 = tpu.memref_slice %arg3[%dma_start3A_322, %dma_start3A_323] : memref<121024x64xf32, #tpu.memory_space<hbm>> -> memref<121024x64xf32, #tpu.memory_space<hbm>>
        tpu.enqueue_indirect_dma source(%dma_start3A_324 : memref<121024x64xf32, #tpu.memory_space<hbm>>) target(%arg11 : memref<128x64xf32, #tpu.memory_space<vmem>>) offsets(%dma_start3A_321 : memref<128xi32, #tpu.memory_space<vmem>>) semaphore(%arg16 : memref<!tpu.dma_semaphore, #tpu.memory_space<semaphore_mem>>)
      } else {
      }
    }
    %dma_wait3A_222 = arith.constant 0 : i32
    %dma_wait3A_223 = arith.constant 0 : i32
    %dma_wait3A_224 = tpu.memref_slice %arg12[%dma_wait3A_222, %dma_wait3A_223] : memref<64x257xf32, #tpu.memory_space<vmem>> -> memref<64x128xf32, #tpu.memory_space<vmem>>
    %dma_wait3A_225 = arith.constant 0 : i32
    %dma_wait3A_226 = arith.constant 0 : i32
    %dma_wait3A_227 = tpu.memref_slice %arg4[%dma_wait3A_225, %dma_wait3A_226] : memref<64x214272xf32, #tpu.memory_space<hbm>> -> memref<64x128xf32, #tpu.memory_space<hbm>>
    %dma_wait3A_228 = arith.constant 0 : i32
    %dma_wait3A_229 = arith.constant 0 : i32
    %dma_wait3A_230 = tpu.memref_slice %arg4[%dma_wait3A_228, %dma_wait3A_229] : memref<64x214272xf32, #tpu.memory_space<hbm>> -> memref<64x128xf32, #tpu.memory_space<hbm>>
    %dma_wait3A_231 = arith.constant 0 : i32
    %dma_wait3A_232 = arith.constant 0 : i32
    %dma_wait3A_233 = tpu.memref_slice %arg12[%dma_wait3A_231, %dma_wait3A_232] : memref<64x257xf32, #tpu.memory_space<vmem>> -> memref<64x128xf32, #tpu.memory_space<vmem>>
    tpu.wait_dma2 semaphore(%arg17 : memref<!tpu.dma_semaphore, #tpu.memory_space<semaphore_mem>>) src(%dma_wait3A_233 : memref<64x128xf32, #tpu.memory_space<vmem>>) dst(%dma_wait3A_230 : memref<64x128xf32, #tpu.memory_space<hbm>>)
    %dma_wait3A_234 = arith.constant 0 : i32
    %dma_wait3A_235 = arith.constant 128 : i32
    %dma_wait3A_236 = tpu.memref_slice %arg12[%dma_wait3A_234, %dma_wait3A_235] : memref<64x257xf32, #tpu.memory_space<vmem>> -> memref<64x128xf32, #tpu.memory_space<vmem>>
    %dma_wait3A_237 = arith.constant 0 : i32
    %dma_wait3A_238 = arith.constant 0 : i32
    %dma_wait3A_239 = tpu.memref_slice %arg4[%dma_wait3A_237, %dma_wait3A_238] : memref<64x214272xf32, #tpu.memory_space<hbm>> -> memref<64x128xf32, #tpu.memory_space<hbm>>
    %dma_wait3A_240 = arith.constant 0 : i32
    %dma_wait3A_241 = arith.constant 0 : i32
    %dma_wait3A_242 = tpu.memref_slice %arg4[%dma_wait3A_240, %dma_wait3A_241] : memref<64x214272xf32, #tpu.memory_space<hbm>> -> memref<64x128xf32, #tpu.memory_space<hbm>>
    %dma_wait3A_243 = arith.constant 0 : i32
    %dma_wait3A_244 = arith.constant 128 : i32
    %dma_wait3A_245 = tpu.memref_slice %arg12[%dma_wait3A_243, %dma_wait3A_244] : memref<64x257xf32, #tpu.memory_space<vmem>> -> memref<64x128xf32, #tpu.memory_space<vmem>>
    tpu.wait_dma2 semaphore(%arg18 : memref<!tpu.dma_semaphore, #tpu.memory_space<semaphore_mem>>) src(%dma_wait3A_245 : memref<64x128xf32, #tpu.memory_space<vmem>>) dst(%dma_wait3A_242 : memref<64x128xf32, #tpu.memory_space<hbm>>)
    return
  }
}

</mosaic_0001>

<sc_bundles>
// kernel: kernel.3.cloned.1.call-start
scs
__scs_entry_jumppad:
0x0: {  	(pc) =	sbr.rel $0x88, $3  }
0x1: {  	(tag) =	ssettag $0x0;
	lr =	simm.s32 $0x1  }
0x2: {  	[smem:$0x3F9F] =	sst lr;
	_ =	strace $0xD0000000  }
0x3: {  	_ = 	snop  }
0x4: {  	_ = 	snop  }
0x5: {  	_ = 	snop  }
0x6: {  	_ = 	snop  }
0x7: {  	_ = 	snop  }
__scs_overlays_trampoline_lowered:
0x8: {  	[smem:$0x3FAE] =	sst s0  }
0x9: {  	[smem:$0x3FAF] =	sst s1  }
0xa: {  	[smem:$0x3FB0] =	sst s2  }
0xb: {  	[smem:$0x3FB1] =	sst s3  }
0xc: {  	[smem:$0x3FB2] =	sst s4  }
0xd: {  	[smem:$0x3FB3] =	sst s5  }
0xe: {  	[smem:$0x3FB4] =	sst s6  }
0xf: {  	[smem:$0x3FB5] =	sst s7  }
0x10: {  	[smem:$0x3FB6] =	sst s8  }
0x11: {  	[smem:$0x3FB7] =	sst s9;
	s0 =	simm.s32 @!p0 $0x0  }
0x12: {  	s1 =	sld [smem:$0x3F9D];
	s0 =	simm.s32 @p0 $0x1  }
0x13: {  	[smem:$0x3FB8] =	sst s0;
	s0 =	simm.s32 @!p1 $0x0  }
0x14: {  	s2 =	sld [smem:$0x3F9C];
	s0 =	simm.s32 @p1 $0x1  }
0x15: {  	[smem:$0x3FB9] =	sst s0;
	s0 =	simm.s32 @!p2 $0x0  }
0x16: {  	s3 =	sld [smem:$0x3FDB];
	s0 =	simm.s32 @p2 $0x1  }
0x17: {  	s4 =	simm.s32 $0x1BF5;
	[smem:$0x3FBB] =	sst s0  }
0x18: {  	s0 =	sld [smem:$0x3F9E];
	_ =	swait.ge [sflag:s4], $0x0  }
0x19: {  	s7 =	sld [smem:$0x3F9F]  }
0x1a: {  	s8 =	sadd.s32 $0xFFFFE003, lr  }
0x1b: {  	s9 =	sadd.s32 $0xFFFFFEF7, lr;
	s5 =	simm.s32 $0xFFFFFFFF;
	p2 =	slt.u32 s8, $0xFFFFF086  }
0x1c: {  	p1 =	slt.u32 s9, $0xF7A;
	s5 =	simm.s32 @!p2 $0x0  }
0x1d: {  	s5 =	simm.s32 @p1 $0x1;
	p0 =	seq.s32 s7, s2  }
0x1e: {  	s7 =	smul.u32 @!p0 $0xF7A, s2;
	p2 =	seq.s32 @!p0 s5, $0x0  }
0x1f: {  	s9 =	smul.u32 $0xF7A, s1;
	s8 =	simm.s32 @!p0 $0x1BF5;
	p2 =	por !p2, p0  }
0x20: {  	[sflag:s8] =	ssyncset.s32 @!p0 $0xFFFFF086;
	s6 =	sadd.s32 @!p0 s3, s7;
	s7 =	simm.s32 @!p0 $0x108  }
0x21: {  	s3 =	sadd.s32 s3, s9;
	s6 =	sadd.s32 @!p0 $0x88, s6;
	s7 =	simm.s32 @p2 $0x1082  }
0x22: {  	[simem:s7], [sflag:s8] =	dma.local @!p0 [hbm:s6], $0xF7A  }
0x23: {  	s9 =	sor.u32 $0xD0000000, s2;
	s6 =	simm.s32 $0x108;
	_ =	swait.ge @!p0 [sflag:s8], $0x0  }
0x24: {  	s3 =	sadd.s32 $0x88, s3;
	s6 =	simm.s32 @!p1 $0x1082;
	[sflag:s4] =	ssyncset.s32 $0xFFFFF086  }
0x25: {  	[simem:s6], [sflag:s4] =	dma.local [hbm:s3], $0xF7A  }
0x26: {  	[smem:$0x3F9F] =	sst s1;
	(tag) =	ssettag s2;
	_ =	strace s9  }
0x27: {  	s1 =	sld [smem:$0x3FAF]  }
0x28: {  	s2 =	sld [smem:$0x3FB0]  }
0x29: {  	s4 =	sld [smem:$0x3FB2]  }
0x2a: {  	p0 =	seq.s32 s5, $0x0;
	s5 =	sld [smem:$0x3FB3]  }
0x2b: {  	s6 =	sld [smem:$0x3FB4]  }
0x2c: {  	s7 =	sld [smem:$0x3FB5]  }
0x2d: {  	s3 =	simm.s32 $0x108;
	s8 =	sld [smem:$0x3FB6]  }
0x2e: {  	s3 =	simm.s32 @!p0 $0x1082;
	s9 =	sld [smem:$0x3FB7]  }
0x2f: {  	lr =	sadd.s32 s0, s3;
	s0 =	sld [smem:$0x3FAE]  }
0x30: {  	s3 =	sld [smem:$0x3FB1]  }
0x31: {  	[smem:$0x3FBA] =	sst s10  }
0x32: {  	s10 =	sld [smem:$0x3FB8];
	_ =	sdelay $0x3  }
0x33: {  	p0 =	seq.s32 s10, $0x1;
	s10 =	sld [smem:$0x3FBA];
	_ =	sdelay $0x3  }
0x34: {  	[smem:$0x3FBA] =	sst s10  }
0x35: {  	s10 =	sld [smem:$0x3FB9];
	_ =	sdelay $0x3  }
0x36: {  	p1 =	seq.s32 s10, $0x1;
	s10 =	sld [smem:$0x3FBA];
	_ =	sdelay $0x3  }
0x37: {  	[smem:$0x3FBA] =	sst s10  }
0x38: {  	s10 =	sld [smem:$0x3FBB]  }
0x39: {  	_ = 	snop;
	(pc) =	sbr.ind lr, $3  }
0x3a: {  	_ = 	snop  }
0x3b: {  	_ = 	snop  }
0x3c: {  	p2 =	seq.s32 s10, $0x1;
	s10 =	sld [smem:$0x3FBA]  }
0x3d: {  	_ =	shalt  }
0x3e: {  	_ =	shalt  }
0x3f: {  	_ =	shalt  }
0x40: {  	_ =	shalt  }
0x41: {  	_ =	shalt  }
0x42: {  	_ =	shalt  }
0x43: {  	_ =	shalt  }
0x44: {  	_ =	shalt  }
0x45: {  	_ =	shalt  }
0x46: {  	_ =	shalt  }
0x47: {  	_ =	shalt  }
0x48: {  	_ =	shalt  }
0x49: {  	_ =	shalt  }
0x4a: {  	_ =	shalt  }
0x4b: {  	_ =	shalt  }
0x4c: {  	_ =	shalt  }
0x4d: {  	_ =	shalt  }
0x4e: {  	_ =	shalt  }
0x4f: {  	_ =	shalt  }
0x50: {  	_ =	shalt  }
0x51: {  	_ =	shalt  }
0x52: {  	_ =	shalt  }
0x53: {  	_ =	shalt  }
0x54: {  	_ =	shalt  }
0x55: {  	_ =	shalt  }
0x56: {  	_ =	shalt  }
0x57: {  	_ =	shalt  }
0x58: {  	_ =	shalt  }
0x59: {  	_ =	shalt  }
0x5a: {  	_ =	shalt  }
0x5b: {  	_ =	shalt  }
0x5c: {  	_ =	shalt  }
0x5d: {  	_ =	shalt  }
0x5e: {  	_ =	shalt  }
0x5f: {  	_ =	shalt  }
0x60: {  	_ =	shalt  }
0x61: {  	_ =	shalt  }
0x62: {  	_ =	shalt  }
0x63: {  	_ =	shalt  }
0x64: {  	_ =	shalt  }
0x65: {  	_ =	shalt  }
0x66: {  	_ =	shalt  }
0x67: {  	_ =	shalt  }
0x68: {  	_ =	shalt  }
0x69: {  	_ =	shalt  }
0x6a: {  	_ =	shalt  }
0x6b: {  	_ =	shalt  }
0x6c: {  	_ =	shalt  }
0x6d: {  	_ =	shalt  }
0x6e: {  	_ =	shalt  }
0x6f: {  	_ =	shalt  }
0x70: {  	_ =	shalt  }
0x71: {  	_ =	shalt  }
0x72: {  	_ =	shalt  }
0x73: {  	_ =	shalt  }
0x74: {  	_ =	shalt  }
0x75: {  	_ =	shalt  }
0x76: {  	_ =	shalt  }
0x77: {  	_ =	shalt  }
0x78: {  	_ =	shalt  }
0x79: {  	_ =	shalt  }
0x7a: {  	_ =	shalt  }
0x7b: {  	_ =	shalt  }
0x7c: {  	_ =	shalt  }
0x7d: {  	_ =	shalt  }
0x7e: {  	_ =	shalt  }
0x7f: {  	_ =	shalt  }
0x80: {  	_ =	shalt  }
0x81: {  	_ =	shalt  }
0x82: {  	_ =	shalt  }
0x83: {  	_ =	shalt  }
0x84: {  	_ =	shalt  }
0x85: {  	_ =	shalt  }
0x86: {  	_ =	shalt  }
0x87: {  	_ =	shalt  }
.Lfunc_end0:
.L_simem_size_0:
called_computation.1_lowered:
.L_overlay_start_0:
0x88: {  	s2 =	sld [smem:$0x3FD9]  }
0x89: {  	s3 =	sld [smem:$0x3FFE];
	_ =	sdelay $0x1  }
0x8a: {  	s1 =	srdreg.scid  }
0x8b: {  	s0 =	sand.u32 $0x1, s1  }
0x8c: {  	s17 =	sshll.u32 s0, $0xA;
	s2 =	sadd.s32 s3, s2  }
0x8d: {  	s2 =	sadd.s32 s2, s17  }
0x8e: {  	[smem:$0x3FC6] =	sst s2  }
0x8f: {  	_ = 	snop  }
0x90: {  	s2 =	sld [smem:$0x3FD0];
	(tm) =	ssettm $0x1  }
0x91: {  	s18 =	sld [smem:$0x3FFB];
	_ =	sdelay $0x3  }
0x92: {  	_ =	strace s18  }
0x93: {  	s3 =	sld [smem:$0x3FFC];
	_ =	sdelay $0x3  }
0x94: {  	_ =	strace s3  }
0x95: {  	s3 =	sld [smem:$0x3FFD];
	_ =	sdelay $0x3  }
0x96: {  	_ =	strace s3  }
0x97: {  	_ =	strace $0x8FFFFFFF  }
0x98: {  	s19 =	sld [smem:$0x3FDB];
	_ =	sdelay $0x1  }
0x99: {  	s4 =	simm.s32 $_scs_section_size  }
0x9a: {  	s5 =	simm.s32 $_size__tile_overlayer_lowered;
	s6 =	simm.s32 $_tile_overlayer_lowered  }
0x9b: {  	s22 =	simm.s32 $0x1BFF;
	s21 =	sshll.u32 s6, $0x1;
	s3 =	sadd.s32 s4, s19  }
0x9c: {  	s7 =	simm.s32 $0x0;
	s20 =	sshll.u32 s5, $0x1;
	s5 =	sadd.s32 s21, s3  }
0x9d: {  	[timem:s7], [sflag:s22] =	dma.local [hbm:s5], s20  }
0x9e: {  	_ =	swait.ge [sflag:s22], s20  }
0x9f: {  	s4 =	ssub.s32 $0x0, s20;
	[sflag:s22] =	ssyncset.done $0x0  }
0xa0: {  	[sflag:s22] =	ssyncadd.s32 s4;
	_ =	sdelay $0x1  }
0xa1: {  	s23 =	simm.s32 $0x1B8B  }
0xa2: {  	_ =	swait.ge [sflag:s23], $0x1  }
0xa3: {  	[sflag:s23] =	ssyncset.done $0x0  }
0xa4: {  	s25 =	simm.s32 $0x1B8E;
	s24 =	sld [smem:$0x3FFE];
	[sflag:s23] =	ssyncadd.s32 $0xFFFFFFFF  }
0xa5: {  	s26 =	simm.s32 $execute0_lowered;
	[smem:$0x3FD2] =	sst s25  }
0xa6: {  	s5 =	sshll.u32 s26, $0x1;
	_ =	strace $0x80000046;
	[dreg:$0x1] =	wrdreg $0xFFFFFFFF  }
0xa7: {  	s28 =	simm.s32 $_size_execute0_lowered;
	s3 =	sadd.s32 s3, s5;
	[dreg:$0x0] =	wrdreg $0x0  }
0xa8: {  	s5 =	sshll.u32 s28, $0x1;
	[dreg:$0x2] =	wrdreg s3  }
0xa9: {  	[dreg:$0x3] =	wrdreg s5  }
0xaa: {  	[dreg:$0x4] =	wrdreg $0xC0  }
0xab: {  	_ =	task [dreg:s7], $0x5FFFF  }
0xac: {  	[dreg:$0x1] =	wrdreg $0xFFFFFFFF  }
0xad: {  	[dreg:$0x0] =	wrdreg $0x60  }
0xae: {  	[dreg:$0x2] =	wrdreg s24  }
0xaf: {  	[dreg:$0x3] =	wrdreg s2  }
0xb0: {  	[dreg:$0x4] =	wrdreg $0x87000  }
0xb1: {  	[dreg:$0x5] =	wrdreg $0x9  }
0xb2: {  	_ =	task.clear_ibuf [dreg:s7], $0x6FFFF;
	_ =	strace $0x90000046  }
0xb3: {  	s29 =	simm.s32 $0x9;
	_ =	strace $0x80000048  }
0xb4: {  	_ =	swait.ge [sflag:s29], $0x1  }
0xb5: {  	[sflag:s29] =	ssyncadd.s32 $0xFFFFFFFF  }
0xb6: {  	_ =	strace $0x90000048  }
0xb7: {  	_ =	sfence  }
0xb8: {  	s30 =	sld [smem:$0x0];
	_ =	sdelay $0x2  }
0xb9: {  	s31 =	sshll.u32 s1, $0xD;
	s1 =	sshrl.u32 s1, $0x2  }
0xba: {  	s3 =	sand.u32 $0x4000, s31;
	s1 =	sadd.s32 s1, s30  }
0xbb: {  	s0 =	sor.u32 s3, s0;
	s1 =	sshll.u32 s1, $0x11  }
0xbc: {  	s0 =	sor.u32 s1, s0  }
0xbd: {  	s0 =	sadd.s32 $0x8F2B, s0  }
0xbe: {  	[sflag:s0] =	ssyncadd.remote.s32 $0x1  }
0xbf: {  	_ =	sfence.sel $0xFFFF  }
0xc0: {  	[dreg:$0x0] =	wrdreg $0xFFFFFFFF;
	(pc) =	sbr.abs _section_cstart, $3  }
0xc1: {  	[dreg:$0x1] =	wrdreg $0xFFFFFFFF  }
0xc2: {  	_ =	task.clear_ibuf [dreg:s7], $0x2FFFF;
	_ =	strace $0x9FFFFFFF  }
0xc3: {  	(tm) =	ssettm $0x7FFFFFFF  }
tec
execute0_lowered:
.L_overlay_start_1:
0x0: {  	(tag) =	ssettag $0x1  }
0x1: {  	s3 =	rddreg [dreg:$0x0]  }
0x2: {  	s1 =	rddreg [dreg:$0x1]  }
0x3: {  	s0 =	rddreg [dreg:$0x2];
	s2 =	simm.s32 $0x0  }
0x4: {  	s4 =	srdreg.scid;
	s21 =	stileid.u32;
	s9 =	simm.s32 $0x1B00  }
0x5: {  	s11 =	simm.s32 $0x1B00;
	s15 =	simm.s32 $0x1B00;
	s29 =	simm.s32 $0x7  }
0x6: {  	s30 =	simm.s32 $0x6C00;
	[smem:$0x7FF] =	sst s2;
	s12 =	sand.u32 $0x1, s4  }
0x7: {  	s13 =	sadd.s32 $0xECC00, s3;
	s16 =	sand.u32 $0x3, s21;
	s20 =	smul.u32 $0x34, s21  }
0x8: {  	s31 =	sand.u32 $0xC, s21;
	_ =	strace $0x80000047;
	s18 =	smul.u32 $0x2F0, s16  }
0x9: {  	s4 =	sshll.u32 s12, $0x4;
	s5 =	ssub.s32 $0x2, s12;
	s12 =	smul.u32 $0x340, s12  }
0xa: {  	s10 =	sor.u32 s21, s4;
	s4 =	sadd.s32 $0x600, s3;
	s23 =	sshrl.u32 s5, $0x1  }
0xb: {  	s21 =	smul.u32 $0x1B000, s21;
	s6 =	smin.u32 s10, $0x5;
	s3 =	ssub.s32 s5, s23  }
0xc: {  	s7 =	smul.u32 $0x34, s10;
	p0 =	slt.u32 s10, $0x5;
	s5 =	simm.s32 $0x36  }
0xd: {  	s8 =	sand.u32 $0x1C, s10;
	s25 =	sor.u32 $0x3, s10;
	s18 =	sadd.s32 s13, s18  }
0xe: {  	s12 =	sadd.s32 s20, s12;
	s20 =	simm.s32 $0x2;
	s14 =	sshll.u32 s6, $0x1  }
0xf: {  	s5 =	simm.s32 @!p0 $0x34;
	p0 =	slt.u32 s8, $0x5;
	s26 =	smul.u32 $0x34, s8  }
0x10: {  	[dreg:$0x5] =	wrdreg s18;
	s18 =	simm.s32 $0x1;
	s3 =	smax.u32 s3, $0x1  }
0x11: {  	s9 =	simm.s32 @!p0 $0x1A00;
	p0 =	slt.u32 s10, $0x4;
	s6 =	sadd.s32 s7, s14  }
0x12: {  	s7 =	smul.u32 $0x1780, s16;
	s12 =	sadd.s32 s14, s12;
	s10 =	sshrl.u32 s10, $0x2  }
0x13: {  	[dreg:$0xf] =	wrdreg s3;
	s3 =	simm.s32 $0x16200;
	s11 =	simm.s32 @!p0 $0x1A00  }
0x14: {  	p0 =	seq.s32 s8, $0x0;
	s8 =	smin.u32 s8, $0x5;
	s10 =	smul.u32 $0xD0, s10  }
0x15: {  	s24 =	sadd.s32 s11, s9;
	s15 =	simm.s32 @!p0 $0x1A00;
	s9 =	simm.s32 $0x1B00  }
0x16: {  	p0 =	slt.u32 s25, $0x5;
	s17 =	sshll.u32 s8, $0x1;
	s28 =	sshrl.u32 s7, $0x3  }
0x17: {  	s11 =	sadd.s32 s15, s24;
	s9 =	simm.s32 @!p0 $0x1A00;
	s8 =	sor.u32 s26, s17  }
0x18: {  	s13 =	sadd.s32 s13, s28;
	p0 =	seq.s32 s16, $0x0;
	s24 =	sshrl.u32 s21, $0x2  }
0x19: {  	s12 =	ssub.s32 s12, s17;
	s21 =	simm.s32 $0x10A80;
	s11 =	sadd.s32 s9, s11  }
0x1a: {  	s15 =	sshll.u32 s8, $0x7;
	s8 =	ssub.s32 s6, s8;
	s19 =	sadd.s32 $0xBC0, s13  }
0x1b: {  	s18 =	simm.s32 @!p0 $0x0;
	p0 =	slt.u32 s16, $0x2;
	s22 =	sadd.s32 $0x1780, s13  }
0x1c: {  	s14 =	sadd.s32 s24, s0;
	s10 =	ssub.s32 s12, s10;
	s24 =	sshrl.u32 s5, $0x1  }
0x1d: {  	s9 =	sshll.u32 s8, $0x7;
	[dreg:$0x6] =	wrdreg s19;
	s19 =	simm.s32 $0x2  }
0x1e: {  	[dreg:$0x7] =	wrdreg s22;
	s18 =	sor.u32 s18, s31;
	s22 =	sadd.s32 $0x2340, s13  }
0x1f: {  	s13 =	sadd.s32 $0x2F00, s13;
	[dreg:$0xa] =	wrdreg s14;
	s10 =	sshll.u32 s10, $0x9  }
0x20: {  	v1 =	vmov s11;
	s11 =	simm.s32 $0x5;
	s19 =	simm.s32 @!p0 $0x1;
	[dreg:$0x8] =	wrdreg s22  }
0x21: {  	p0 =	seq.s32 s16, $0x3;
	[dreg:$0x9] =	wrdreg s13;
	s23 =	smul.u32 $0x1B000, s18  }
0x22: {  	s18 =	simm.s32 $0x2;
	s19 =	sor.u32 s31, s19;
	s20 =	simm.s32 @!p0 $0x3  }
0x23: {  	[dreg:$0x4] =	wrdreg s9;
	s16 =	sor.u32 s31, s20;
	s19 =	smul.u32 $0x1B000, s19  }
0x24: {  	s13 =	sshrl.u32 s23, $0x2;
	s31 =	sshra.s32 s10, $0x2;
	s20 =	simm.s32 $0xF300  }
0x25: {  	s10 =	simm.s32 $0x4;
	s13 =	sadd.s32 s13, s0;
	s25 =	smul.u32 $0x1B000, s16  }
0x26: {  	s16 =	simm.s32 $0x1;
	s23 =	sor.u32 $0x40, s31;
	s26 =	sshrl.u32 s19, $0x2  }
0x27: {  	s13 =	sadd.s32 s9, s13;
	s28 =	sshrl.u32 s25, $0x2;
	s12 =	sadd.s32 s26, s0  }
0x28: {  	[dreg:$0xb] =	wrdreg s13;
	s0 =	sadd.s32 s28, s0;
	s12 =	sadd.s32 s9, s12  }
0x29: {  	v0 =	vmov s15;
	s25 =	sor.u32 $0x1, s6;
	[dreg:$0xc] =	wrdreg s12;
	s0 =	sadd.s32 s9, s0  }
0x2a: {  	v4 =	vimm.s32 $0x0;
	vm0 =	vcmask $0x300;
	[tilespmem:$0x1FFE0] =	vst v0;
	s13 =	simm.s32 $0x0;
	s9 =	sor.u32 $0x80, s9;
	[dreg:$0xd] =	wrdreg s0  }
0x2b: {  	v2 =	vimm.s32 $0xFFFFFFFF;
	v3 =	vlaneseq.u32;
	v4 =	vsel vm0, $0x3, v4;
	[tilespmem:$0x1FFF0] =	vst v1;
	s12 =	simm.s32 $0x6;
	[dreg:$0xe] =	wrdreg s9;
	s0 =	simm.s32 $0x3  }
.LBB2_1:
0x2c: {  	s14 =	simm.s32 $0x40  }
0x2d: {  	[tilespmem:s14+$0xFFFFFFC0] =	vst v2  }
0x2e: {  	[tilespmem:s14+$0x30] =	vst v2  }
0x2f: {  	[tilespmem:s14+$0x20] =	vst v2  }
0x30: {  	[tilespmem:s14+$0x10] =	vst v2  }
0x31: {  	[tilespmem:s14+$0x0] =	vst v2  }
0x32: {  	[tilespmem:s14+$0xFFFFFFF0] =	vst v2  }
0x33: {  	s15 =	simm.s32 $0x0;
	[tilespmem:s14+$0xFFFFFFE0] =	vst v2  }
.LBB2_2:
0x34: {  	s15 =	sadd.s32 $0x8, s15;
	[tilespmem:s14+$0xFFFFFFD0] =	vst v2;
	s14 =	sadd.s32 $0x80, s14  }
0x35: {  	[tilespmem:s14+$0xFFFFFFC0] =	vst v2;
	p0 =	slt.u32 s15, $0x6B8  }
0x36: {  	[tilespmem:s14+$0x30] =	vst v2  }
.Ltmp0:
0x37: {  	[tilespmem:s14+$0x20] =	vst v2;
	(pc) =	sbr.rel @p0 .LBB2_2-.Ltmp0, $4  }
0x38: {  	[tilespmem:s14+$0x10] =	vst v2  }
0x39: {  	[tilespmem:s14+$0x0] =	vst v2  }
0x3a: {  	[tilespmem:s14+$0xFFFFFFF0] =	vst v2  }
0x3b: {  	[tilespmem:s14+$0xFFFFFFE0] =	vst v2  }
0x3c: {  	[tilespmem:s14+$0xFFFFFFD0] =	vst v2  }
0x3d: {  	s14 =	simm.s32 $0x0;
	s9 =	rddreg [dreg:$0x5]  }
0x3e: {  	[tilespmem:s20], [sflag:$0x1] =	stream.linear.gather [hbm4b:s9+s14], $0x1780, $0x38;
	[tilespmem:$0x1A400] =	vst v63  }
0x3f: {  	s31 =	rddreg [dreg:$0x6]  }
0x40: {  	[tilespmem:s21], [sflag:$0x2] =	stream.linear.gather [hbm4b:s31+s14], $0x1780, $0x38;
	[tilespmem:$0x1A400] =	vst v63  }
0x41: {  	_ =	swait.ge [sflag:s16], $0x1780  }
0x42: {  	[sflag:s16] =	ssyncset.done $0x0  }
0x43: {  	s15 =	simm.s32 $0xF340;
	[sflag:s16] =	ssyncadd.s32 $0xFFFFE880  }
.LBB2_4:
0x44: {  	v5 =	vld [tilespmem:s15+$0xFFFFFFC0];
	_ =	sdelay $0x4  }
0x45: {  	v6 =	vsub.s32 v5, v0  }
0x46: {  	vm0 =	vlt.u32 v6, v1  }
0x47: {  	(xrf1) =	vunique.msk.u32 vm0, v6;
	_ =	sdelay $0xd  }
0x48: {  	_, v7, vm1 =	vpop (xrf1)  }
0x49: {  	v5 =	vand.u32 $0x7, v5;
	v6 =	vand.u32 $0xFFFFFFF8, v6;
	vm0 =	vmand vm0, vm1  }
0x4a: {  	v5 =	vor.u32 v5, v6;
	_ =	sdelay $0x2  }
0x4b: {  	s17 =	sadd.s32 s14, s7  }
0x4c: {  	v6 =	vor.u32 s17, v3  }
0x4d: {  	[tilespmem:v5+s2+$0x0] =	vst.idx.msk vm0, v6  }
0x4e: {  	v5 =	vld [tilespmem:s15+$0xFFFFFFD0];
	_ =	sdelay $0x4  }
0x4f: {  	v6 =	vsub.s32 v5, v0  }
0x50: {  	vm14 =	vlt.u32 v6, v1  }
0x51: {  	(xrf1) =	vunique.msk.u32 vm14, v6;
	_ =	sdelay $0xd  }
0x52: {  	_, v7, vm15 =	vpop (xrf1)  }
0x53: {  	v5 =	vand.u32 $0x7, v5;
	v6 =	vand.u32 $0xFFFFFFF8, v6;
	vm0 =	vmand vm14, vm15  }
0x54: {  	v5 =	vor.u32 v5, v6;
	_ =	sdelay $0x2  }
0x55: {  	s19 =	sadd.s32 $0x10, s17  }
0x56: {  	v6 =	vor.u32 s19, v3  }
0x57: {  	[tilespmem:v5+s2+$0x0] =	vst.idx.msk vm0, v6  }
0x58: {  	v5 =	vld [tilespmem:s15+$0xFFFFFFE0];
	_ =	sdelay $0x4  }
0x59: {  	v6 =	vsub.s32 v5, v0  }
0x5a: {  	vm4 =	vlt.u32 v6, v1  }
0x5b: {  	(xrf1) =	vunique.msk.u32 vm4, v6;
	_ =	sdelay $0xd  }
0x5c: {  	_, v7, vm5 =	vpop (xrf1)  }
0x5d: {  	v5 =	vand.u32 $0x7, v5;
	v6 =	vand.u32 $0xFFFFFFF8, v6;
	vm0 =	vmand vm4, vm5  }
0x5e: {  	v5 =	vor.u32 v5, v6;
	_ =	sdelay $0x2  }
0x5f: {  	s9 =	sadd.s32 $0x20, s17  }
0x60: {  	v6 =	vor.u32 s9, v3  }
0x61: {  	[tilespmem:v5+s2+$0x0] =	vst.idx.msk vm0, v6  }
0x62: {  	v5 =	vld [tilespmem:s15+$0xFFFFFFF0];
	_ =	sdelay $0x4  }
0x63: {  	v6 =	vsub.s32 v5, v0  }
0x64: {  	vm6 =	vlt.u32 v6, v1  }
0x65: {  	(xrf1) =	vunique.msk.u32 vm6, v6;
	_ =	sdelay $0xd  }
0x66: {  	_, v7, vm7 =	vpop (xrf1)  }
0x67: {  	v5 =	vand.u32 $0x7, v5;
	v6 =	vand.u32 $0xFFFFFFF8, v6;
	vm0 =	vmand vm6, vm7  }
0x68: {  	v5 =	vor.u32 v5, v6;
	_ =	sdelay $0x2  }
0x69: {  	s22 =	sadd.s32 $0x30, s17  }
0x6a: {  	v6 =	vor.u32 s22, v3  }
0x6b: {  	[tilespmem:v5+s2+$0x0] =	vst.idx.msk vm0, v6  }
0x6c: {  	v5 =	vld [tilespmem:s15+$0x0];
	_ =	sdelay $0x4  }
0x6d: {  	v6 =	vsub.s32 v5, v0  }
0x6e: {  	vm8 =	vlt.u32 v6, v1  }
0x6f: {  	(xrf1) =	vunique.msk.u32 vm8, v6;
	_ =	sdelay $0xd  }
0x70: {  	_, v7, vm9 =	vpop (xrf1)  }
0x71: {  	v5 =	vand.u32 $0x7, v5;
	v6 =	vand.u32 $0xFFFFFFF8, v6;
	vm0 =	vmand vm8, vm9  }
0x72: {  	v5 =	vor.u32 v5, v6;
	_ =	sdelay $0x2  }
0x73: {  	s26 =	sadd.s32 $0x40, s17  }
0x74: {  	v6 =	vor.u32 s26, v3  }
0x75: {  	[tilespmem:v5+s2+$0x0] =	vst.idx.msk vm0, v6  }
0x76: {  	v5 =	vld [tilespmem:s15+$0x10];
	_ =	sdelay $0x4  }
0x77: {  	v6 =	vsub.s32 v5, v0  }
0x78: {  	vm10 =	vlt.u32 v6, v1  }
0x79: {  	(xrf1) =	vunique.msk.u32 vm10, v6;
	_ =	sdelay $0xd  }
0x7a: {  	_, v7, vm11 =	vpop (xrf1)  }
0x7b: {  	v5 =	vand.u32 $0x7, v5;
	v6 =	vand.u32 $0xFFFFFFF8, v6;
	vm0 =	vmand vm10, vm11  }
0x7c: {  	v5 =	vor.u32 v5, v6;
	_ =	sdelay $0x2  }
0x7d: {  	s28 =	sadd.s32 $0x50, s17  }
0x7e: {  	v6 =	vor.u32 s28, v3  }
0x7f: {  	[tilespmem:v5+s2+$0x0] =	vst.idx.msk vm0, v6  }
0x80: {  	v5 =	vld [tilespmem:s15+$0x20];
	_ =	sdelay $0x4  }
0x81: {  	v6 =	vsub.s32 v5, v0  }
0x82: {  	vm12 =	vlt.u32 v6, v1  }
0x83: {  	(xrf1) =	vunique.msk.u32 vm12, v6;
	_ =	sdelay $0xd  }
0x84: {  	_, v7, vm13 =	vpop (xrf1)  }
0x85: {  	v5 =	vand.u32 $0x7, v5;
	v6 =	vand.u32 $0xFFFFFFF8, v6;
	vm0 =	vmand vm12, vm13  }
0x86: {  	v5 =	vor.u32 v5, v6;
	_ =	sdelay $0x2  }
0x87: {  	s31 =	sadd.s32 $0x60, s17  }
0x88: {  	v6 =	vor.u32 s31, v3  }
0x89: {  	[tilespmem:v5+s2+$0x0] =	vst.idx.msk vm0, v6  }
0x8a: {  	v5 =	vld [tilespmem:s15+$0x30];
	_ =	sdelay $0x4  }
0x8b: {  	v6 =	vsub.s32 v5, v0  }
0x8c: {  	vm14 =	vlt.u32 v6, v1  }
0x8d: {  	(xrf1) =	vunique.msk.u32 vm14, v6;
	_ =	sdelay $0xd  }
0x8e: {  	_, v7, vm15 =	vpop (xrf1)  }
0x8f: {  	v5 =	vand.u32 $0x7, v5;
	v6 =	vand.u32 $0xFFFFFFF8, v6;
	vm0 =	vmand vm14, vm15  }
0x90: {  	p0 =	sne.s32 s14, $0x1700;
	v5 =	vor.u32 v5, v6  }
.Ltmp1:
0x91: {  	_ = 	snop;
	(pc) =	sbr.rel @p0 .LBB2_4-.Ltmp1, $4  }
0x92: {  	_ = 	snop  }
0x93: {  	s17 =	sadd.s32 $0x70, s17  }
0x94: {  	v6 =	vor.u32 s17, v3  }
0x95: {  	s14 =	sadd.s32 $0x80, s14;
	s15 =	sadd.s32 $0x80, s15;
	[tilespmem:v5+s2+$0x0] =	vst.idx.msk vm0, v6  }
0x96: {  	s14 =	simm.s32 $0x0;
	s9 =	rddreg [dreg:$0x7]  }
0x97: {  	[tilespmem:s20], [sflag:$0x1] =	stream.linear.gather [hbm4b:s9+s14], $0x1780, $0x38;
	[tilespmem:$0x1A400] =	vst v63  }
0x98: {  	_ =	swait.ge [sflag:s18], $0x1780  }
0x99: {  	[sflag:s18] =	ssyncset.done $0x0  }
0x9a: {  	s15 =	simm.s32 $0x10AC0;
	[sflag:s18] =	ssyncadd.s32 $0xFFFFE880  }
.LBB2_6:
0x9b: {  	v5 =	vld [tilespmem:s15+$0xFFFFFFC0];
	_ =	sdelay $0x4  }
0x9c: {  	v6 =	vsub.s32 v5, v0  }
0x9d: {  	vm0 =	vlt.u32 v6, v1  }
0x9e: {  	(xrf1) =	vunique.msk.u32 vm0, v6;
	_ =	sdelay $0xd  }
0x9f: {  	_, v7, vm1 =	vpop (xrf1)  }
0xa0: {  	v5 =	vand.u32 $0x7, v5;
	v6 =	vand.u32 $0xFFFFFFF8, v6;
	vm0 =	vmand vm0, vm1  }
0xa1: {  	v5 =	vor.u32 v5, v6;
	_ =	sdelay $0x1  }
0xa2: {  	s17 =	sadd.s32 s14, s7  }
0xa3: {  	s19 =	sadd.s32 $0x5E00, s17  }
0xa4: {  	v6 =	vor.u32 s19, v3  }
0xa5: {  	[tilespmem:v5+s2+$0x0] =	vst.idx.msk vm0, v6  }
0xa6: {  	v5 =	vld [tilespmem:s15+$0xFFFFFFD0];
	_ =	sdelay $0x4  }
0xa7: {  	v6 =	vsub.s32 v5, v0  }
0xa8: {  	vm14 =	vlt.u32 v6, v1  }
0xa9: {  	(xrf1) =	vunique.msk.u32 vm14, v6;
	_ =	sdelay $0xd  }
0xaa: {  	_, v7, vm15 =	vpop (xrf1)  }
0xab: {  	v5 =	vand.u32 $0x7, v5;
	v6 =	vand.u32 $0xFFFFFFF8, v6;
	vm0 =	vmand vm14, vm15  }
0xac: {  	v5 =	vor.u32 v5, v6;
	_ =	sdelay $0x2  }
0xad: {  	s31 =	sadd.s32 $0x5E10, s17  }
0xae: {  	v6 =	vor.u32 s31, v3  }
0xaf: {  	[tilespmem:v5+s2+$0x0] =	vst.idx.msk vm0, v6  }
0xb0: {  	v5 =	vld [tilespmem:s15+$0xFFFFFFE0];
	_ =	sdelay $0x4  }
0xb1: {  	v6 =	vsub.s32 v5, v0  }
0xb2: {  	vm4 =	vlt.u32 v6, v1  }
0xb3: {  	(xrf1) =	vunique.msk.u32 vm4, v6;
	_ =	sdelay $0xd  }
0xb4: {  	_, v7, vm5 =	vpop (xrf1)  }
0xb5: {  	v5 =	vand.u32 $0x7, v5;
	v6 =	vand.u32 $0xFFFFFFF8, v6;
	vm0 =	vmand vm4, vm5  }
0xb6: {  	v5 =	vor.u32 v5, v6;
	_ =	sdelay $0x2  }
0xb7: {  	s9 =	sadd.s32 $0x5E20, s17  }
0xb8: {  	v6 =	vor.u32 s9, v3  }
0xb9: {  	[tilespmem:v5+s2+$0x0] =	vst.idx.msk vm0, v6  }
0xba: {  	v5 =	vld [tilespmem:s15+$0xFFFFFFF0];
	_ =	sdelay $0x4  }
0xbb: {  	v6 =	vsub.s32 v5, v0  }
0xbc: {  	vm6 =	vlt.u32 v6, v1  }
0xbd: {  	(xrf1) =	vunique.msk.u32 vm6, v6;
	_ =	sdelay $0xd  }
0xbe: {  	_, v7, vm7 =	vpop (xrf1)  }
0xbf: {  	v5 =	vand.u32 $0x7, v5;
	v6 =	vand.u32 $0xFFFFFFF8, v6;
	vm0 =	vmand vm6, vm7  }
0xc0: {  	v5 =	vor.u32 v5, v6;
	_ =	sdelay $0x2  }
0xc1: {  	s22 =	sadd.s32 $0x5E30, s17  }
0xc2: {  	v6 =	vor.u32 s22, v3  }
0xc3: {  	[tilespmem:v5+s2+$0x0] =	vst.idx.msk vm0, v6  }
0xc4: {  	v5 =	vld [tilespmem:s15+$0x0];
	_ =	sdelay $0x4  }
0xc5: {  	v6 =	vsub.s32 v5, v0  }
0xc6: {  	vm8 =	vlt.u32 v6, v1  }
0xc7: {  	(xrf1) =	vunique.msk.u32 vm8, v6;
	_ =	sdelay $0xd  }
0xc8: {  	_, v7, vm9 =	vpop (xrf1)  }
0xc9: {  	v5 =	vand.u32 $0x7, v5;
	v6 =	vand.u32 $0xFFFFFFF8, v6;
	vm0 =	vmand vm8, vm9  }
0xca: {  	v5 =	vor.u32 v5, v6;
	_ =	sdelay $0x2  }
0xcb: {  	s26 =	sadd.s32 $0x5E40, s17  }
0xcc: {  	v6 =	vor.u32 s26, v3  }
0xcd: {  	[tilespmem:v5+s2+$0x0] =	vst.idx.msk vm0, v6  }
0xce: {  	v5 =	vld [tilespmem:s15+$0x10];
	_ =	sdelay $0x4  }
0xcf: {  	v6 =	vsub.s32 v5, v0  }
0xd0: {  	vm10 =	vlt.u32 v6, v1  }
0xd1: {  	(xrf1) =	vunique.msk.u32 vm10, v6;
	_ =	sdelay $0xd  }
0xd2: {  	_, v7, vm11 =	vpop (xrf1)  }
0xd3: {  	v5 =	vand.u32 $0x7, v5;
	v6 =	vand.u32 $0xFFFFFFF8, v6;
	vm0 =	vmand vm10, vm11  }
0xd4: {  	v5 =	vor.u32 v5, v6;
	_ =	sdelay $0x2  }
0xd5: {  	s28 =	sadd.s32 $0x5E50, s17  }
0xd6: {  	v6 =	vor.u32 s28, v3  }
0xd7: {  	[tilespmem:v5+s2+$0x0] =	vst.idx.msk vm0, v6  }
0xd8: {  	v5 =	vld [tilespmem:s15+$0x20];
	_ =	sdelay $0x4  }
0xd9: {  	v6 =	vsub.s32 v5, v0  }
0xda: {  	vm12 =	vlt.u32 v6, v1  }
0xdb: {  	(xrf1) =	vunique.msk.u32 vm12, v6;
	_ =	sdelay $0xd  }
0xdc: {  	_, v7, vm13 =	vpop (xrf1)  }
0xdd: {  	v5 =	vand.u32 $0x7, v5;
	v6 =	vand.u32 $0xFFFFFFF8, v6;
	vm0 =	vmand vm12, vm13  }
0xde: {  	v5 =	vor.u32 v5, v6;
	_ =	sdelay $0x2  }
0xdf: {  	s31 =	sadd.s32 $0x5E60, s17  }
0xe0: {  	v6 =	vor.u32 s31, v3  }
0xe1: {  	[tilespmem:v5+s2+$0x0] =	vst.idx.msk vm0, v6  }
0xe2: {  	v5 =	vld [tilespmem:s15+$0x30];
	_ =	sdelay $0x4  }
0xe3: {  	v6 =	vsub.s32 v5, v0  }
0xe4: {  	vm14 =	vlt.u32 v6, v1  }
0xe5: {  	(xrf1) =	vunique.msk.u32 vm14, v6;
	_ =	sdelay $0xd  }
0xe6: {  	_, v7, vm15 =	vpop (xrf1)  }
0xe7: {  	v5 =	vand.u32 $0x7, v5;
	v6 =	vand.u32 $0xFFFFFFF8, v6;
	vm0 =	vmand vm14, vm15  }
0xe8: {  	p0 =	sne.s32 s14, $0x1700;
	v5 =	vor.u32 v5, v6  }
.Ltmp2:
0xe9: {  	_ = 	snop;
	(pc) =	sbr.rel @p0 .LBB2_6-.Ltmp2, $4  }
0xea: {  	_ = 	snop  }
0xeb: {  	s17 =	sadd.s32 $0x5E70, s17  }
0xec: {  	v6 =	vor.u32 s17, v3  }
0xed: {  	s14 =	sadd.s32 $0x80, s14;
	s15 =	sadd.s32 $0x80, s15;
	[tilespmem:v5+s2+$0x0] =	vst.idx.msk vm0, v6  }
0xee: {  	s14 =	simm.s32 $0x0;
	s9 =	rddreg [dreg:$0x8]  }
0xef: {  	[tilespmem:s21], [sflag:$0x2] =	stream.linear.gather [hbm4b:s9+s14], $0x1780, $0x38;
	[tilespmem:$0x1A400] =	vst v63  }
0xf0: {  	_ =	swait.ge [sflag:s16], $0x1780  }
0xf1: {  	[sflag:s16] =	ssyncset.done $0x0  }
0xf2: {  	s15 =	simm.s32 $0xF340;
	[sflag:s16] =	ssyncadd.s32 $0xFFFFE880  }
.LBB2_8:
0xf3: {  	v5 =	vld [tilespmem:s15+$0xFFFFFFC0];
	_ =	sdelay $0x4  }
0xf4: {  	v6 =	vsub.s32 v5, v0  }
0xf5: {  	vm0 =	vlt.u32 v6, v1  }
0xf6: {  	(xrf1) =	vunique.msk.u32 vm0, v6;
	_ =	sdelay $0xd  }
0xf7: {  	_, v7, vm1 =	vpop (xrf1)  }
0xf8: {  	v5 =	vand.u32 $0x7, v5;
	v6 =	vand.u32 $0xFFFFFFF8, v6;
	vm0 =	vmand vm0, vm1  }
0xf9: {  	v5 =	vor.u32 v5, v6;
	_ =	sdelay $0x1  }
0xfa: {  	s17 =	sadd.s32 s14, s7  }
0xfb: {  	s19 =	sadd.s32 $0xBC00, s17  }
0xfc: {  	v6 =	vor.u32 s19, v3  }
0xfd: {  	[tilespmem:v5+s2+$0x0] =	vst.idx.msk vm0, v6  }
0xfe: {  	v5 =	vld [tilespmem:s15+$0xFFFFFFD0];
	_ =	sdelay $0x4  }
0xff: {  	v6 =	vsub.s32 v5, v0  }
0x100: {  	vm14 =	vlt.u32 v6, v1  }
0x101: {  	(xrf1) =	vunique.msk.u32 vm14, v6;
	_ =	sdelay $0xd  }
0x102: {  	_, v7, vm15 =	vpop (xrf1)  }
0x103: {  	v5 =	vand.u32 $0x7, v5;
	v6 =	vand.u32 $0xFFFFFFF8, v6;
	vm0 =	vmand vm14, vm15  }
0x104: {  	v5 =	vor.u32 v5, v6;
	_ =	sdelay $0x2  }
0x105: {  	s9 =	sadd.s32 $0xBC10, s17  }
0x106: {  	v6 =	vor.u32 s9, v3  }
0x107: {  	[tilespmem:v5+s2+$0x0] =	vst.idx.msk vm0, v6  }
0x108: {  	v5 =	vld [tilespmem:s15+$0xFFFFFFE0];
	_ =	sdelay $0x4  }
0x109: {  	v6 =	vsub.s32 v5, v0  }
0x10a: {  	vm4 =	vlt.u32 v6, v1  }
0x10b: {  	(xrf1) =	vunique.msk.u32 vm4, v6;
	_ =	sdelay $0xd  }
0x10c: {  	_, v7, vm5 =	vpop (xrf1)  }
0x10d: {  	v5 =	vand.u32 $0x7, v5;
	v6 =	vand.u32 $0xFFFFFFF8, v6;
	vm0 =	vmand vm4, vm5  }
0x10e: {  	v5 =	vor.u32 v5, v6;
	_ =	sdelay $0x2  }
0x10f: {  	s21 =	sadd.s32 $0xBC20, s17  }
0x110: {  	v6 =	vor.u32 s21, v3  }
0x111: {  	[tilespmem:v5+s2+$0x0] =	vst.idx.msk vm0, v6  }
0x112: {  	v5 =	vld [tilespmem:s15+$0xFFFFFFF0];
	_ =	sdelay $0x4  }
0x113: {  	v6 =	vsub.s32 v5, v0  }
0x114: {  	vm6 =	vlt.u32 v6, v1  }
0x115: {  	(xrf1) =	vunique.msk.u32 vm6, v6;
	_ =	sdelay $0xd  }
0x116: {  	_, v7, vm7 =	vpop (xrf1)  }
0x117: {  	v5 =	vand.u32 $0x7, v5;
	v6 =	vand.u32 $0xFFFFFFF8, v6;
	vm0 =	vmand vm6, vm7  }
0x118: {  	v5 =	vor.u32 v5, v6;
	_ =	sdelay $0x2  }
0x119: {  	s22 =	sadd.s32 $0xBC30, s17  }
0x11a: {  	v6 =	vor.u32 s22, v3  }
0x11b: {  	[tilespmem:v5+s2+$0x0] =	vst.idx.msk vm0, v6  }
0x11c: {  	v5 =	vld [tilespmem:s15+$0x0];
	_ =	sdelay $0x4  }
0x11d: {  	v6 =	vsub.s32 v5, v0  }
0x11e: {  	vm8 =	vlt.u32 v6, v1  }
0x11f: {  	(xrf1) =	vunique.msk.u32 vm8, v6;
	_ =	sdelay $0xd  }
0x120: {  	_, v7, vm9 =	vpop (xrf1)  }
0x121: {  	v5 =	vand.u32 $0x7, v5;
	v6 =	vand.u32 $0xFFFFFFF8, v6;
	vm0 =	vmand vm8, vm9  }
0x122: {  	v5 =	vor.u32 v5, v6;
	_ =	sdelay $0x2  }
0x123: {  	s26 =	sadd.s32 $0xBC40, s17  }
0x124: {  	v6 =	vor.u32 s26, v3  }
0x125: {  	[tilespmem:v5+s2+$0x0] =	vst.idx.msk vm0, v6  }
0x126: {  	v5 =	vld [tilespmem:s15+$0x10];
	_ =	sdelay $0x4  }
0x127: {  	v6 =	vsub.s32 v5, v0  }
0x128: {  	vm10 =	vlt.u32 v6, v1  }
0x129: {  	(xrf1) =	vunique.msk.u32 vm10, v6;
	_ =	sdelay $0xd  }
0x12a: {  	_, v7, vm11 =	vpop (xrf1)  }
0x12b: {  	v5 =	vand.u32 $0x7, v5;
	v6 =	vand.u32 $0xFFFFFFF8, v6;
	vm0 =	vmand vm10, vm11  }
0x12c: {  	v5 =	vor.u32 v5, v6;
	_ =	sdelay $0x2  }
0x12d: {  	s28 =	sadd.s32 $0xBC50, s17  }
0x12e: {  	v6 =	vor.u32 s28, v3  }
0x12f: {  	[tilespmem:v5+s2+$0x0] =	vst.idx.msk vm0, v6  }
0x130: {  	v5 =	vld [tilespmem:s15+$0x20];
	_ =	sdelay $0x4  }
0x131: {  	v6 =	vsub.s32 v5, v0  }
0x132: {  	vm12 =	vlt.u32 v6, v1  }
0x133: {  	(xrf1) =	vunique.msk.u32 vm12, v6;
	_ =	sdelay $0xd  }
0x134: {  	_, v7, vm13 =	vpop (xrf1)  }
0x135: {  	v5 =	vand.u32 $0x7, v5;
	v6 =	vand.u32 $0xFFFFFFF8, v6;
	vm0 =	vmand vm12, vm13  }
0x136: {  	v5 =	vor.u32 v5, v6;
	_ =	sdelay $0x2  }
0x137: {  	s31 =	sadd.s32 $0xBC60, s17  }
0x138: {  	v6 =	vor.u32 s31, v3  }
0x139: {  	[tilespmem:v5+s2+$0x0] =	vst.idx.msk vm0, v6  }
0x13a: {  	v5 =	vld [tilespmem:s15+$0x30];
	_ =	sdelay $0x4  }
0x13b: {  	v6 =	vsub.s32 v5, v0  }
0x13c: {  	vm14 =	vlt.u32 v6, v1  }
0x13d: {  	(xrf1) =	vunique.msk.u32 vm14, v6;
	_ =	sdelay $0xd  }
0x13e: {  	_, v7, vm15 =	vpop (xrf1)  }
0x13f: {  	v5 =	vand.u32 $0x7, v5;
	v6 =	vand.u32 $0xFFFFFFF8, v6;
	vm0 =	vmand vm14, vm15  }
0x140: {  	p0 =	sne.s32 s14, $0x1700;
	v5 =	vor.u32 v5, v6  }
.Ltmp3:
0x141: {  	_ = 	snop;
	(pc) =	sbr.rel @p0 .LBB2_8-.Ltmp3, $4  }
0x142: {  	_ = 	snop  }
0x143: {  	s17 =	sadd.s32 $0xBC70, s17  }
0x144: {  	v6 =	vor.u32 s17, v3  }
0x145: {  	s14 =	sadd.s32 $0x80, s14;
	s15 =	sadd.s32 $0x80, s15;
	[tilespmem:v5+s2+$0x0] =	vst.idx.msk vm0, v6  }
0x146: {  	s14 =	simm.s32 $0x0;
	s9 =	rddreg [dreg:$0x9]  }
0x147: {  	[tilespmem:s20], [sflag:$0x1] =	stream.linear.gather [hbm4b:s9+s14], $0x1780, $0x38;
	[tilespmem:$0x1A400] =	vst v63  }
0x148: {  	_ =	swait.ge [sflag:s18], $0x1780  }
0x149: {  	[sflag:s18] =	ssyncset.done $0x0  }
0x14a: {  	s15 =	simm.s32 $0x10AC0;
	[sflag:s18] =	ssyncadd.s32 $0xFFFFE880  }
.LBB2_10:
0x14b: {  	v5 =	vld [tilespmem:s15+$0xFFFFFFC0];
	_ =	sdelay $0x4  }
0x14c: {  	v6 =	vsub.s32 v5, v0  }
0x14d: {  	vm0 =	vlt.u32 v6, v1  }
0x14e: {  	(xrf1) =	vunique.msk.u32 vm0, v6;
	_ =	sdelay $0xd  }
0x14f: {  	_, v7, vm1 =	vpop (xrf1)  }
0x150: {  	v5 =	vand.u32 $0x7, v5;
	v6 =	vand.u32 $0xFFFFFFF8, v6;
	vm0 =	vmand vm0, vm1  }
0x151: {  	v5 =	vor.u32 v5, v6;
	_ =	sdelay $0x1  }
0x152: {  	s17 =	sadd.s32 s14, s7  }
0x153: {  	s19 =	sadd.s32 $0x11A00, s17  }
0x154: {  	v6 =	vor.u32 s19, v3  }
0x155: {  	[tilespmem:v5+s2+$0x0] =	vst.idx.msk vm0, v6  }
0x156: {  	v5 =	vld [tilespmem:s15+$0xFFFFFFD0];
	_ =	sdelay $0x4  }
0x157: {  	v6 =	vsub.s32 v5, v0  }
0x158: {  	vm14 =	vlt.u32 v6, v1  }
0x159: {  	(xrf1) =	vunique.msk.u32 vm14, v6;
	_ =	sdelay $0xd  }
0x15a: {  	_, v7, vm15 =	vpop (xrf1)  }
0x15b: {  	v5 =	vand.u32 $0x7, v5;
	v6 =	vand.u32 $0xFFFFFFF8, v6;
	vm0 =	vmand vm14, vm15  }
0x15c: {  	v5 =	vor.u32 v5, v6;
	_ =	sdelay $0x2  }
0x15d: {  	s20 =	sadd.s32 $0x11A10, s17  }
0x15e: {  	v6 =	vor.u32 s20, v3  }
0x15f: {  	[tilespmem:v5+s2+$0x0] =	vst.idx.msk vm0, v6  }
0x160: {  	v5 =	vld [tilespmem:s15+$0xFFFFFFE0];
	_ =	sdelay $0x4  }
0x161: {  	v6 =	vsub.s32 v5, v0  }
0x162: {  	vm4 =	vlt.u32 v6, v1  }
0x163: {  	(xrf1) =	vunique.msk.u32 vm4, v6;
	_ =	sdelay $0xd  }
0x164: {  	_, v7, vm5 =	vpop (xrf1)  }
0x165: {  	v5 =	vand.u32 $0x7, v5;
	v6 =	vand.u32 $0xFFFFFFF8, v6;
	vm0 =	vmand vm4, vm5  }
0x166: {  	v5 =	vor.u32 v5, v6;
	_ =	sdelay $0x2  }
0x167: {  	s21 =	sadd.s32 $0x11A20, s17  }
0x168: {  	v6 =	vor.u32 s21, v3  }
0x169: {  	[tilespmem:v5+s2+$0x0] =	vst.idx.msk vm0, v6  }
0x16a: {  	v5 =	vld [tilespmem:s15+$0xFFFFFFF0];
	_ =	sdelay $0x4  }
0x16b: {  	v6 =	vsub.s32 v5, v0  }
0x16c: {  	vm6 =	vlt.u32 v6, v1  }
0x16d: {  	(xrf1) =	vunique.msk.u32 vm6, v6;
	_ =	sdelay $0xd  }
0x16e: {  	_, v7, vm7 =	vpop (xrf1)  }
0x16f: {  	v5 =	vand.u32 $0x7, v5;
	v6 =	vand.u32 $0xFFFFFFF8, v6;
	vm0 =	vmand vm6, vm7  }
0x170: {  	v5 =	vor.u32 v5, v6;
	_ =	sdelay $0x2  }
0x171: {  	s22 =	sadd.s32 $0x11A30, s17  }
0x172: {  	v6 =	vor.u32 s22, v3  }
0x173: {  	[tilespmem:v5+s2+$0x0] =	vst.idx.msk vm0, v6  }
0x174: {  	v5 =	vld [tilespmem:s15+$0x0];
	_ =	sdelay $0x4  }
0x175: {  	v6 =	vsub.s32 v5, v0  }
0x176: {  	vm8 =	vlt.u32 v6, v1  }
0x177: {  	(xrf1) =	vunique.msk.u32 vm8, v6;
	_ =	sdelay $0xd  }
0x178: {  	_, v7, vm9 =	vpop (xrf1)  }
0x179: {  	v5 =	vand.u32 $0x7, v5;
	v6 =	vand.u32 $0xFFFFFFF8, v6;
	vm0 =	vmand vm8, vm9  }
0x17a: {  	v5 =	vor.u32 v5, v6;
	_ =	sdelay $0x2  }
0x17b: {  	s26 =	sadd.s32 $0x11A40, s17  }
0x17c: {  	v6 =	vor.u32 s26, v3  }
0x17d: {  	[tilespmem:v5+s2+$0x0] =	vst.idx.msk vm0, v6  }
0x17e: {  	v5 =	vld [tilespmem:s15+$0x10];
	_ =	sdelay $0x4  }
0x17f: {  	v6 =	vsub.s32 v5, v0  }
0x180: {  	vm10 =	vlt.u32 v6, v1  }
0x181: {  	(xrf1) =	vunique.msk.u32 vm10, v6;
	_ =	sdelay $0xd  }
0x182: {  	_, v7, vm11 =	vpop (xrf1)  }
0x183: {  	v5 =	vand.u32 $0x7, v5;
	v6 =	vand.u32 $0xFFFFFFF8, v6;
	vm0 =	vmand vm10, vm11  }
0x184: {  	v5 =	vor.u32 v5, v6;
	_ =	sdelay $0x2  }
0x185: {  	s28 =	sadd.s32 $0x11A50, s17  }
0x186: {  	v6 =	vor.u32 s28, v3  }
0x187: {  	[tilespmem:v5+s2+$0x0] =	vst.idx.msk vm0, v6  }
0x188: {  	v5 =	vld [tilespmem:s15+$0x20];
	_ =	sdelay $0x4  }
0x189: {  	v6 =	vsub.s32 v5, v0  }
0x18a: {  	vm12 =	vlt.u32 v6, v1  }
0x18b: {  	(xrf1) =	vunique.msk.u32 vm12, v6;
	_ =	sdelay $0xd  }
0x18c: {  	_, v7, vm13 =	vpop (xrf1)  }
0x18d: {  	v5 =	vand.u32 $0x7, v5;
	v6 =	vand.u32 $0xFFFFFFF8, v6;
	vm0 =	vmand vm12, vm13  }
0x18e: {  	v5 =	vor.u32 v5, v6;
	_ =	sdelay $0x2  }
0x18f: {  	s31 =	sadd.s32 $0x11A60, s17  }
0x190: {  	v6 =	vor.u32 s31, v3  }
0x191: {  	[tilespmem:v5+s2+$0x0] =	vst.idx.msk vm0, v6  }
0x192: {  	v5 =	vld [tilespmem:s15+$0x30];
	_ =	sdelay $0x4  }
0x193: {  	v6 =	vsub.s32 v5, v0  }
0x194: {  	vm14 =	vlt.u32 v6, v1  }
0x195: {  	(xrf1) =	vunique.msk.u32 vm14, v6;
	_ =	sdelay $0xd  }
0x196: {  	_, v7, vm15 =	vpop (xrf1)  }
0x197: {  	v5 =	vand.u32 $0x7, v5;
	v6 =	vand.u32 $0xFFFFFFF8, v6;
	vm0 =	vmand vm14, vm15  }
0x198: {  	p0 =	sne.s32 s14, $0x1700;
	v5 =	vor.u32 v5, v6  }
.Ltmp4:
0x199: {  	_ = 	snop;
	(pc) =	sbr.rel @p0 .LBB2_10-.Ltmp4, $4  }
0x19a: {  	_ = 	snop  }
0x19b: {  	s17 =	sadd.s32 $0x11A70, s17  }
0x19c: {  	v6 =	vor.u32 s17, v3  }
0x19d: {  	s14 =	sadd.s32 $0x80, s14;
	s15 =	sadd.s32 $0x80, s15;
	[tilespmem:v5+s2+$0x0] =	vst.idx.msk vm0, v6  }
0x19e: {  	_ =	swait.ge [sflag:s16], $0x1780  }
0x19f: {  	[sflag:s16] =	ssyncset.done $0x0  }
0x1a0: {  	s14 =	simm.s32 $0x0;
	s15 =	simm.s32 $0xF340;
	[sflag:s16] =	ssyncadd.s32 $0xFFFFE880  }
.LBB2_12:
0x1a1: {  	v5 =	vld [tilespmem:s15+$0xFFFFFFC0];
	_ =	sdelay $0x4  }
0x1a2: {  	v6 =	vsub.s32 v5, v0  }
0x1a3: {  	vm0 =	vlt.u32 v6, v1  }
0x1a4: {  	(xrf1) =	vunique.msk.u32 vm0, v6;
	_ =	sdelay $0xd  }
0x1a5: {  	_, v7, vm1 =	vpop (xrf1)  }
0x1a6: {  	v5 =	vand.u32 $0x7, v5;
	v6 =	vand.u32 $0xFFFFFFF8, v6;
	vm0 =	vmand vm0, vm1  }
0x1a7: {  	v5 =	vor.u32 v5, v6;
	_ =	sdelay $0x1  }
0x1a8: {  	s17 =	sadd.s32 s14, s7  }
0x1a9: {  	s19 =	sadd.s32 $0x17800, s17  }
0x1aa: {  	v6 =	vor.u32 s19, v3  }
0x1ab: {  	[tilespmem:v5+s2+$0x0] =	vst.idx.msk vm0, v6  }
0x1ac: {  	v5 =	vld [tilespmem:s15+$0xFFFFFFD0];
	_ =	sdelay $0x4  }
0x1ad: {  	v6 =	vsub.s32 v5, v0  }
0x1ae: {  	vm14 =	vlt.u32 v6, v1  }
0x1af: {  	(xrf1) =	vunique.msk.u32 vm14, v6;
	_ =	sdelay $0xd  }
0x1b0: {  	_, v7, vm15 =	vpop (xrf1)  }
0x1b1: {  	v5 =	vand.u32 $0x7, v5;
	v6 =	vand.u32 $0xFFFFFFF8, v6;
	vm0 =	vmand vm14, vm15  }
0x1b2: {  	v5 =	vor.u32 v5, v6;
	_ =	sdelay $0x2  }
0x1b3: {  	s20 =	sadd.s32 $0x17810, s17  }
0x1b4: {  	v6 =	vor.u32 s20, v3  }
0x1b5: {  	[tilespmem:v5+s2+$0x0] =	vst.idx.msk vm0, v6  }
0x1b6: {  	v5 =	vld [tilespmem:s15+$0xFFFFFFE0];
	_ =	sdelay $0x4  }
0x1b7: {  	v6 =	vsub.s32 v5, v0  }
0x1b8: {  	vm4 =	vlt.u32 v6, v1  }
0x1b9: {  	(xrf1) =	vunique.msk.u32 vm4, v6;
	_ =	sdelay $0xd  }
0x1ba: {  	_, v7, vm5 =	vpop (xrf1)  }
0x1bb: {  	v5 =	vand.u32 $0x7, v5;
	v6 =	vand.u32 $0xFFFFFFF8, v6;
	vm0 =	vmand vm4, vm5  }
0x1bc: {  	v5 =	vor.u32 v5, v6;
	_ =	sdelay $0x2  }
0x1bd: {  	s21 =	sadd.s32 $0x17820, s17  }
0x1be: {  	v6 =	vor.u32 s21, v3  }
0x1bf: {  	[tilespmem:v5+s2+$0x0] =	vst.idx.msk vm0, v6  }
0x1c0: {  	v5 =	vld [tilespmem:s15+$0xFFFFFFF0];
	_ =	sdelay $0x4  }
0x1c1: {  	v6 =	vsub.s32 v5, v0  }
0x1c2: {  	vm6 =	vlt.u32 v6, v1  }
0x1c3: {  	(xrf1) =	vunique.msk.u32 vm6, v6;
	_ =	sdelay $0xd  }
0x1c4: {  	_, v7, vm7 =	vpop (xrf1)  }
0x1c5: {  	v5 =	vand.u32 $0x7, v5;
	v6 =	vand.u32 $0xFFFFFFF8, v6;
	vm0 =	vmand vm6, vm7  }
0x1c6: {  	v5 =	vor.u32 v5, v6;
	_ =	sdelay $0x2  }
0x1c7: {  	s22 =	sadd.s32 $0x17830, s17  }
0x1c8: {  	v6 =	vor.u32 s22, v3  }
0x1c9: {  	[tilespmem:v5+s2+$0x0] =	vst.idx.msk vm0, v6  }
0x1ca: {  	v5 =	vld [tilespmem:s15+$0x0];
	_ =	sdelay $0x4  }
0x1cb: {  	v6 =	vsub.s32 v5, v0  }
0x1cc: {  	vm8 =	vlt.u32 v6, v1  }
0x1cd: {  	(xrf1) =	vunique.msk.u32 vm8, v6;
	_ =	sdelay $0xd  }
0x1ce: {  	_, v7, vm9 =	vpop (xrf1)  }
0x1cf: {  	v5 =	vand.u32 $0x7, v5;
	v6 =	vand.u32 $0xFFFFFFF8, v6;
	vm0 =	vmand vm8, vm9  }
0x1d0: {  	v5 =	vor.u32 v5, v6;
	_ =	sdelay $0x2  }
0x1d1: {  	s26 =	sadd.s32 $0x17840, s17  }
0x1d2: {  	v6 =	vor.u32 s26, v3  }
0x1d3: {  	[tilespmem:v5+s2+$0x0] =	vst.idx.msk vm0, v6  }
0x1d4: {  	v5 =	vld [tilespmem:s15+$0x10];
	_ =	sdelay $0x4  }
0x1d5: {  	v6 =	vsub.s32 v5, v0  }
0x1d6: {  	vm10 =	vlt.u32 v6, v1  }
0x1d7: {  	(xrf1) =	vunique.msk.u32 vm10, v6;
	_ =	sdelay $0xd  }
0x1d8: {  	_, v7, vm11 =	vpop (xrf1)  }
0x1d9: {  	v5 =	vand.u32 $0x7, v5;
	v6 =	vand.u32 $0xFFFFFFF8, v6;
	vm0 =	vmand vm10, vm11  }
0x1da: {  	v5 =	vor.u32 v5, v6;
	_ =	sdelay $0x2  }
0x1db: {  	s28 =	sadd.s32 $0x17850, s17  }
0x1dc: {  	v6 =	vor.u32 s28, v3  }
0x1dd: {  	[tilespmem:v5+s2+$0x0] =	vst.idx.msk vm0, v6  }
0x1de: {  	v5 =	vld [tilespmem:s15+$0x20];
	_ =	sdelay $0x4  }
0x1df: {  	v6 =	vsub.s32 v5, v0  }
0x1e0: {  	vm12 =	vlt.u32 v6, v1  }
0x1e1: {  	(xrf1) =	vunique.msk.u32 vm12, v6;
	_ =	sdelay $0xd  }
0x1e2: {  	_, v7, vm13 =	vpop (xrf1)  }
0x1e3: {  	v5 =	vand.u32 $0x7, v5;
	v6 =	vand.u32 $0xFFFFFFF8, v6;
	vm0 =	vmand vm12, vm13  }
0x1e4: {  	v5 =	vor.u32 v5, v6;
	_ =	sdelay $0x2  }
0x1e5: {  	s31 =	sadd.s32 $0x17860, s17  }
0x1e6: {  	v6 =	vor.u32 s31, v3  }
0x1e7: {  	[tilespmem:v5+s2+$0x0] =	vst.idx.msk vm0, v6  }
0x1e8: {  	v5 =	vld [tilespmem:s15+$0x30];
	_ =	sdelay $0x4  }
0x1e9: {  	v6 =	vsub.s32 v5, v0  }
0x1ea: {  	vm14 =	vlt.u32 v6, v1  }
0x1eb: {  	(xrf1) =	vunique.msk.u32 vm14, v6;
	_ =	sdelay $0xd  }
0x1ec: {  	_, v7, vm15 =	vpop (xrf1)  }
0x1ed: {  	v5 =	vand.u32 $0x7, v5;
	v6 =	vand.u32 $0xFFFFFFF8, v6;
	vm0 =	vmand vm14, vm15  }
0x1ee: {  	p0 =	sne.s32 s14, $0x1700;
	v5 =	vor.u32 v5, v6  }
.Ltmp5:
0x1ef: {  	_ = 	snop;
	(pc) =	sbr.rel @p0 .LBB2_12-.Ltmp5, $4  }
0x1f0: {  	_ = 	snop  }
0x1f1: {  	s17 =	sadd.s32 $0x17870, s17  }
0x1f2: {  	v6 =	vor.u32 s17, v3  }
0x1f3: {  	s14 =	sadd.s32 $0x80, s14;
	s15 =	sadd.s32 $0x80, s15;
	[tilespmem:v5+s2+$0x0] =	vst.idx.msk vm0, v6  }
0x1f4: {  	s9 =	rddreg [dreg:$0xa]  }
0x1f5: {  	[spmem:s9] =	stream.linear.scatter [tilespmem:s2], [sflag:$0x7], $0x6C00, $0x38;
	[tilespmem:$0x1A400] =	vst v63  }
0x1f6: {  	_ =	swait.ge [sflag:s29], $0x6C00  }
0x1f7: {  	[sflag:s29] =	ssyncset.done $0x0  }
0x1f8: {  	[sflag:s29] =	ssyncadd.s32 $0xFFFF9400  }
0x1f9: {  	[bflag:$0x0] =	sbarrier.arrive $0xFFFF  }
0x1fa: {  	s31 =	rddreg [dreg:$0xb]  }
0x1fb: {  	[tilespmem:s30], [sflag:$0x7] =	stream.linear.gather [spmem:s31], $0x1B00, $0x38;
	[tilespmem:$0x1A400] =	vst v63  }
0x1fc: {  	_ =	swait.ge [sflag:s29], $0x1B00  }
0x1fd: {  	[sflag:s29] =	ssyncset.done $0x0  }
0x1fe: {  	[sflag:s29] =	ssyncadd.s32 $0xFFFFE500  }
0x1ff: {  	s14 =	simm.s32 $0x6C40;
	v6 =	vld [tilespmem:s23+$0x30]  }
0x200: {  	v8 =	vld [tilespmem:s14+$0x30]  }
0x201: {  	v5 =	vld [tilespmem:s14+$0xFFFFFFC0]  }
0x202: {  	v10 =	vld [tilespmem:s23+$0xFFFFFFD0]  }
0x203: {  	v11 =	vld [tilespmem:s14+$0xFFFFFFD0]  }
0x204: {  	v12 =	vld [tilespmem:s23+$0xFFFFFFE0]  }
0x205: {  	v13 =	vld [tilespmem:s14+$0xFFFFFFE0]  }
0x206: {  	v14 =	vld [tilespmem:s23+$0xFFFFFFF0]  }
0x207: {  	v15 =	vld [tilespmem:s14+$0xFFFFFFF0]  }
0x208: {  	v7 =	vld [tilespmem:s23+$0x0]  }
0x209: {  	v9 =	vld [tilespmem:s14+$0x0];
	vm0 =	vgt.s32 v6, v8  }
0x20a: {  	v8 =	vsel vm0, v6, v8;
	vm0 =	vgt.s32 v10, v11;
	v6 =	vld [tilespmem:s23+$0x10]  }
0x20b: {  	[tilespmem:s23+$0x30] =	vst v8;
	v8 =	vsel vm0, v10, v11;
	vm0 =	vgt.s32 v12, v13;
	v10 =	vld [tilespmem:s14+$0x10]  }
0x20c: {  	[tilespmem:s23+$0xFFFFFFD0] =	vst v8;
	v11 =	vsel vm0, v12, v13;
	vm0 =	vgt.s32 v14, v15;
	v8 =	vld [tilespmem:s23+$0x20]  }
0x20d: {  	[tilespmem:s23+$0xFFFFFFE0] =	vst v11;
	v13 =	vsel vm0, v14, v15;
	v11 =	vld [tilespmem:s14+$0x20]  }
0x20e: {  	s17 =	simm.s32 $0x0;
	s19 =	sadd.s32 $0x80, s23;
	s15 =	smov.u32 s23;
	v12 =	vld [tilespmem:s23+$0xFFFFFFC0];
	vm0 =	vgt.s32 v7, v9;
	[tilespmem:s23+$0xFFFFFFF0] =	vst v13  }
.LBB2_14:
0x20f: {  	v13 =	vld [tilespmem:s19+$0x30];
	v7 =	vsel vm0, v7, v9;
	s14 =	sadd.s32 $0x80, s14  }
0x210: {  	s17 =	sadd.s32 $0x8, s17;
	v9 =	vld [tilespmem:s14+$0x30];
	[tilespmem:s15+$0x0] =	vst v7;
	vm0 =	vgt.s32 v6, v10  }
0x211: {  	p0 =	slt.u32 s17, $0x1A8;
	v7 =	vld [tilespmem:s14+$0xFFFFFFC0];
	v6 =	vsel vm0, v6, v10  }
0x212: {  	v10 =	vld [tilespmem:s19+$0xFFFFFFD0];
	[tilespmem:s15+$0x10] =	vst v6;
	vm0 =	vgt.s32 v8, v11  }
0x213: {  	v6 =	vld [tilespmem:s14+$0xFFFFFFD0];
	vm1 =	vgt.s32 v12, v5;
	v8 =	vsel vm0, v8, v11  }
0x214: {  	v11 =	vld [tilespmem:s19+$0xFFFFFFE0];
	v0 =	vsel vm1, v12, v5;
	[tilespmem:s15+$0x20] =	vst v8  }
0x215: {  	v8 =	vld [tilespmem:s14+$0xFFFFFFE0];
	vm0 =	vgt.s32 v13, v9;
	[tilespmem:s15+$0xFFFFFFC0] =	vst v0;
	s15 =	smov.u32 s19  }
0x216: {  	v12 =	vld [tilespmem:s19+$0xFFFFFFF0];
	v9 =	vsel vm0, v13, v9;
	v5 =	vmov v7  }
0x217: {  	v13 =	vld [tilespmem:s14+$0xFFFFFFF0];
	[tilespmem:s19+$0x30] =	vst v9  }
0x218: {  	vm0 =	vgt.s32 v10, v6;
	v7 =	vld [tilespmem:s19+$0x0]  }
0x219: {  	v6 =	vsel vm0, v10, v6;
	v9 =	vld [tilespmem:s14+$0x0]  }
.Ltmp6:
0x21a: {  	[tilespmem:s19+$0xFFFFFFD0] =	vst v6;
	vm0 =	vgt.s32 v11, v8;
	v6 =	vld [tilespmem:s19+$0x10];
	(pc) =	sbr.rel @p0 .LBB2_14-.Ltmp6, $4  }
0x21b: {  	v8 =	vsel vm0, v11, v8;
	v10 =	vld [tilespmem:s14+$0x10]  }
0x21c: {  	[tilespmem:s19+$0xFFFFFFE0] =	vst v8;
	vm0 =	vgt.s32 v12, v13;
	v8 =	vld [tilespmem:s19+$0x20]  }
0x21d: {  	v13 =	vsel vm0, v12, v13;
	v11 =	vld [tilespmem:s14+$0x20]  }
0x21e: {  	s19 =	sadd.s32 $0x80, s19;
	v12 =	vld [tilespmem:s15+$0xFFFFFFC0];
	[tilespmem:s15+$0xFFFFFFF0] =	vst v13;
	vm0 =	vgt.s32 v7, v9  }
0x21f: {  	_ =	sdelay $0x1  }
0x220: {  	v7 =	vsel vm0, v7, v9;
	vm0 =	vgt.s32 v6, v10  }
0x221: {  	[tilespmem:s15+$0x0] =	vst v7;
	v6 =	vsel vm0, v6, v10;
	vm0 =	vgt.s32 v8, v11  }
0x222: {  	[tilespmem:s15+$0x10] =	vst v6;
	vm1 =	vgt.s32 v12, v5;
	v6 =	vsel vm0, v8, v11  }
0x223: {  	v5 =	vsel vm1, v12, v5;
	[tilespmem:s15+$0x20] =	vst v6  }
0x224: {  	[tilespmem:s15+$0xFFFFFFC0] =	vst v5  }
0x225: {  	s9 =	rddreg [dreg:$0xc]  }
0x226: {  	[tilespmem:s30], [sflag:$0x7] =	stream.linear.gather [spmem:s9], $0x1B00, $0x38;
	[tilespmem:$0x1A400] =	vst v63  }
0x227: {  	_ =	swait.ge [sflag:s29], $0x1B00  }
0x228: {  	[sflag:s29] =	ssyncset.done $0x0  }
0x229: {  	[sflag:s29] =	ssyncadd.s32 $0xFFFFE500  }
0x22a: {  	s14 =	simm.s32 $0x6C40;
	v6 =	vld [tilespmem:s23+$0x30]  }
0x22b: {  	v8 =	vld [tilespmem:s14+$0x30]  }
0x22c: {  	v5 =	vld [tilespmem:s14+$0xFFFFFFC0]  }
0x22d: {  	v10 =	vld [tilespmem:s23+$0xFFFFFFD0]  }
0x22e: {  	v11 =	vld [tilespmem:s14+$0xFFFFFFD0]  }
0x22f: {  	v12 =	vld [tilespmem:s23+$0xFFFFFFE0]  }
0x230: {  	v13 =	vld [tilespmem:s14+$0xFFFFFFE0]  }
0x231: {  	v14 =	vld [tilespmem:s23+$0xFFFFFFF0]  }
0x232: {  	v15 =	vld [tilespmem:s14+$0xFFFFFFF0]  }
0x233: {  	v7 =	vld [tilespmem:s23+$0x0]  }
0x234: {  	v9 =	vld [tilespmem:s14+$0x0];
	vm0 =	vgt.s32 v6, v8  }
0x235: {  	v8 =	vsel vm0, v6, v8;
	vm0 =	vgt.s32 v10, v11;
	v6 =	vld [tilespmem:s23+$0x10]  }
0x236: {  	[tilespmem:s23+$0x30] =	vst v8;
	v8 =	vsel vm0, v10, v11;
	vm0 =	vgt.s32 v12, v13;
	v10 =	vld [tilespmem:s14+$0x10]  }
0x237: {  	[tilespmem:s23+$0xFFFFFFD0] =	vst v8;
	v11 =	vsel vm0, v12, v13;
	vm0 =	vgt.s32 v14, v15;
	v8 =	vld [tilespmem:s23+$0x20]  }
0x238: {  	[tilespmem:s23+$0xFFFFFFE0] =	vst v11;
	v13 =	vsel vm0, v14, v15;
	v11 =	vld [tilespmem:s14+$0x20]  }
0x239: {  	s17 =	simm.s32 $0x0;
	s19 =	sadd.s32 $0x80, s23;
	s15 =	smov.u32 s23;
	v12 =	vld [tilespmem:s23+$0xFFFFFFC0];
	vm0 =	vgt.s32 v7, v9;
	[tilespmem:s23+$0xFFFFFFF0] =	vst v13  }
.LBB2_16:
0x23a: {  	v13 =	vld [tilespmem:s19+$0x30];
	v7 =	vsel vm0, v7, v9;
	s14 =	sadd.s32 $0x80, s14  }
0x23b: {  	s17 =	sadd.s32 $0x8, s17;
	v9 =	vld [tilespmem:s14+$0x30];
	[tilespmem:s15+$0x0] =	vst v7;
	vm0 =	vgt.s32 v6, v10  }
0x23c: {  	p0 =	slt.u32 s17, $0x1A8;
	v7 =	vld [tilespmem:s14+$0xFFFFFFC0];
	v6 =	vsel vm0, v6, v10  }
0x23d: {  	v10 =	vld [tilespmem:s19+$0xFFFFFFD0];
	[tilespmem:s15+$0x10] =	vst v6;
	vm0 =	vgt.s32 v8, v11  }
0x23e: {  	v6 =	vld [tilespmem:s14+$0xFFFFFFD0];
	vm1 =	vgt.s32 v12, v5;
	v8 =	vsel vm0, v8, v11  }
0x23f: {  	v11 =	vld [tilespmem:s19+$0xFFFFFFE0];
	v0 =	vsel vm1, v12, v5;
	[tilespmem:s15+$0x20] =	vst v8  }
0x240: {  	v8 =	vld [tilespmem:s14+$0xFFFFFFE0];
	vm0 =	vgt.s32 v13, v9;
	[tilespmem:s15+$0xFFFFFFC0] =	vst v0;
	s15 =	smov.u32 s19  }
0x241: {  	v12 =	vld [tilespmem:s19+$0xFFFFFFF0];
	v9 =	vsel vm0, v13, v9;
	v5 =	vmov v7  }
0x242: {  	v13 =	vld [tilespmem:s14+$0xFFFFFFF0];
	[tilespmem:s19+$0x30] =	vst v9  }
0x243: {  	vm0 =	vgt.s32 v10, v6;
	v7 =	vld [tilespmem:s19+$0x0]  }
0x244: {  	v6 =	vsel vm0, v10, v6;
	v9 =	vld [tilespmem:s14+$0x0]  }
.Ltmp7:
0x245: {  	[tilespmem:s19+$0xFFFFFFD0] =	vst v6;
	vm0 =	vgt.s32 v11, v8;
	v6 =	vld [tilespmem:s19+$0x10];
	(pc) =	sbr.rel @p0 .LBB2_16-.Ltmp7, $4  }
0x246: {  	v8 =	vsel vm0, v11, v8;
	v10 =	vld [tilespmem:s14+$0x10]  }
0x247: {  	[tilespmem:s19+$0xFFFFFFE0] =	vst v8;
	vm0 =	vgt.s32 v12, v13;
	v8 =	vld [tilespmem:s19+$0x20]  }
0x248: {  	v13 =	vsel vm0, v12, v13;
	v11 =	vld [tilespmem:s14+$0x20]  }
0x249: {  	s19 =	sadd.s32 $0x80, s19;
	v12 =	vld [tilespmem:s15+$0xFFFFFFC0];
	[tilespmem:s15+$0xFFFFFFF0] =	vst v13;
	vm0 =	vgt.s32 v7, v9  }
0x24a: {  	_ =	sdelay $0x1  }
0x24b: {  	v7 =	vsel vm0, v7, v9;
	vm0 =	vgt.s32 v6, v10  }
0x24c: {  	[tilespmem:s15+$0x0] =	vst v7;
	v6 =	vsel vm0, v6, v10;
	vm0 =	vgt.s32 v8, v11  }
0x24d: {  	[tilespmem:s15+$0x10] =	vst v6;
	vm1 =	vgt.s32 v12, v5;
	v6 =	vsel vm0, v8, v11  }
0x24e: {  	v5 =	vsel vm1, v12, v5;
	[tilespmem:s15+$0x20] =	vst v6  }
0x24f: {  	[tilespmem:s15+$0xFFFFFFC0] =	vst v5  }
0x250: {  	s9 =	rddreg [dreg:$0xd]  }
0x251: {  	[tilespmem:s30], [sflag:$0x7] =	stream.linear.gather [spmem:s9], $0x1B00, $0x38;
	[tilespmem:$0x1A400] =	vst v63  }
0x252: {  	_ =	swait.ge [sflag:s29], $0x1B00  }
0x253: {  	[sflag:s29] =	ssyncset.done $0x0  }
0x254: {  	[sflag:s29] =	ssyncadd.s32 $0xFFFFE500  }
0x255: {  	s14 =	simm.s32 $0x6C40;
	v5 =	vld [tilespmem:s23+$0x30]  }
0x256: {  	v6 =	vld [tilespmem:s14+$0x30]  }
0x257: {  	v7 =	vld [tilespmem:s23+$0xFFFFFFC0]  }
0x258: {  	v8 =	vld [tilespmem:s14+$0xFFFFFFC0]  }
0x259: {  	v9 =	vld [tilespmem:s23+$0xFFFFFFD0]  }
0x25a: {  	v10 =	vld [tilespmem:s14+$0xFFFFFFD0]  }
0x25b: {  	v11 =	vld [tilespmem:s23+$0xFFFFFFE0]  }
0x25c: {  	s19 =	simm.s32 $0x0;
	v22 =	vld [tilespmem:s23+$0x0]  }
0x25d: {  	v14 =	vor.u32 s19, v3;
	v24 =	vld [tilespmem:s14+$0x0]  }
0x25e: {  	v27 =	vand.u32 $0x38F, v14;
	v14 =	vld [tilespmem:s23+$0x10]  }
0x25f: {  	s17 =	simm.s32 $0x10;
	s21 =	simm.s32 $0x20;
	s28 =	simm.s32 $0x30;
	v18 =	vld [tilespmem:s14+$0x10]  }
0x260: {  	s31 =	simm.s32 $0x40;
	v13 =	vor.u32 s17, v3;
	v17 =	vor.u32 s21, v3;
	v21 =	vor.u32 s28, v3;
	s15 =	simm.s32 $0x70;
	v15 =	vld [tilespmem:s14+$0xFFFFFFE0]  }
0x261: {  	s22 =	simm.s32 $0x50;
	v23 =	vor.u32 s31, v3;
	v12 =	vor.u32 s15, v3;
	v19 =	vld [tilespmem:s14+$0xFFFFFFF0];
	vm0 =	vgt.s32 v5, v6  }
0x262: {  	s26 =	simm.s32 $0x60;
	v25 =	vor.u32 s22, v3;
	v5 =	vsel vm0, v5, v6;
	v6 =	vand.u32 $0x3FF, v12;
	v12 =	vld [tilespmem:s23+$0xFFFFFFF0]  }
0x263: {  	v26 =	vor.u32 s26, v3;
	v16 =	vand.u32 $0x39F, v13;
	v17 =	vand.u32 $0x3AF, v17  }
0x264: {  	vm2 =	vgt.s32 v22, v24;
	vm5 =	vgt.s32 v14, v18;
	vm0 =	vgt.s32 v7, v8  }
0x265: {  	v13 =	vsel vm2, v22, v24;
	v6 =	vadd.s32 $0x1D4C0, v6;
	vm1 =	vlt.s32 v5, $0x0  }
0x266: {  	v20 =	vsel vm1, v6, v5;
	v5 =	vsel vm0, v7, v8;
	vm0 =	vgt.s32 v11, v15  }
0x267: {  	vm1 =	vgt.s32 v9, v10;
	v7 =	vsel vm0, v11, v15;
	v11 =	vld [tilespmem:s23+$0x20];
	vm0 =	vgt.s32 v12, v19  }
0x268: {  	vm2 =	vlt.s32 v13, $0x0;
	v6 =	vsel vm1, v9, v10;
	v8 =	vsel vm0, v12, v19;
	v19 =	vld [tilespmem:s14+$0x20]  }
0x269: {  	v15 =	vand.u32 $0x3BF, v21;
	v10 =	vand.u32 $0x3CF, v23;
	v9 =	vand.u32 $0x3EF, v26  }
0x26a: {  	vm4 =	vlt.s32 v5, $0x0;
	[tilespmem:s23+$0x30] =	vst v20;
	v20 =	vadd.s32 $0x1D4C0, v27;
	vm1 =	vlt.s32 v6, $0x0  }
0x26b: {  	s19 =	simm.s32 $0x0;
	s28 =	sadd.s32 $0x80, s23;
	s17 =	smov.u32 s23;
	vm3 =	vlt.s32 v7, $0x0;
	v12 =	vand.u32 $0x3DF, v25;
	vm0 =	vlt.s32 v8, $0x0  }
.LBB2_18:
0x26c: {  	v21 =	vld [tilespmem:s28+$0x30];
	v16 =	vadd.s32 $0x1D4C0, v16;
	v17 =	vadd.s32 $0x1D4C0, v17;
	v14 =	vsel vm5, v14, v18;
	s14 =	sadd.s32 $0x80, s14  }
0x26d: {  	s19 =	sadd.s32 $0x8, s19;
	v15 =	vadd.s32 $0x1D4C0, v15;
	v18 =	vld [tilespmem:s14+$0x30];
	vm5 =	vlt.s32 v14, $0x0;
	vm6 =	vgt.s32 v11, v19  }
0x26e: {  	v10 =	vadd.s32 $0x1D4C0, v10;
	v12 =	vadd.s32 $0x1D4C0, v12;
	p0 =	slt.u32 s19, $0x1A8;
	v22 =	vld [tilespmem:s28+$0xFFFFFFC0];
	v11 =	vsel vm6, v11, v19  }
0x26f: {  	v5 =	vsel vm4, v20, v5;
	v9 =	vadd.s32 $0x1D4C0, v9;
	v19 =	vld [tilespmem:s14+$0xFFFFFFC0];
	vm4 =	vlt.s32 v11, $0x0  }
0x270: {  	v20 =	vld [tilespmem:s28+$0xFFFFFFD0];
	[tilespmem:s17+$0xFFFFFFC0] =	vst v5;
	v5 =	vsel vm1, v16, v6;
	v6 =	vsel vm3, v17, v7;
	v7 =	vsel vm0, v15, v8  }
0x271: {  	s15 =	sadd.s32 $0x80, s15;
	v9 =	vsel vm4, v9, v11;
	v8 =	vld [tilespmem:s14+$0xFFFFFFD0];
	[tilespmem:s17+$0xFFFFFFD0] =	vst v5;
	v5 =	vsel vm2, v10, v13;
	v10 =	vsel vm5, v12, v14  }
0x272: {  	s31 =	sadd.s32 $0xFFFFFFA0, s15;
	s20 =	sadd.s32 $0xFFFFFFB0, s15;
	s21 =	sadd.s32 $0xFFFFFFC0, s15;
	v12 =	vor.u32 s15, v3;
	v11 =	vld [tilespmem:s28+$0xFFFFFFE0];
	vm0 =	vgt.s32 v21, v18;
	[tilespmem:s17+$0xFFFFFFE0] =	vst v6  }
0x273: {  	s22 =	sadd.s32 $0xFFFFFFE0, s15;
	s9 =	sadd.s32 $0xFFFFFFF0, s15;
	v13 =	vor.u32 s31, v3;
	s31 =	sadd.s32 $0xFFFFFFD0, s15;
	v12 =	vand.u32 $0x3FF, v12;
	v15 =	vld [tilespmem:s14+$0xFFFFFFE0];
	v6 =	vsel vm0, v21, v18;
	[tilespmem:s17+$0xFFFFFFF0] =	vst v7  }
0x274: {  	s26 =	sadd.s32 $0xFFFFFF90, s15;
	v7 =	vadd.s32 $0x1D4C0, v12;
	vm0 =	vgt.s32 v22, v19;
	v21 =	vld [tilespmem:s28+$0xFFFFFFF0];
	vm1 =	vlt.s32 v6, $0x0;
	[tilespmem:s17+$0x0] =	vst v5  }
0x275: {  	v17 =	vor.u32 s20, v3;
	v12 =	vor.u32 s26, v3;
	v23 =	vld [tilespmem:s14+$0xFFFFFFF0];
	v5 =	vsel vm1, v7, v6;
	[tilespmem:s17+$0x10] =	vst v10  }
0x276: {  	v25 =	vor.u32 s31, v3;
	v10 =	vor.u32 s21, v3;
	vm1 =	vgt.s32 v20, v8;
	v24 =	vld [tilespmem:s28+$0x0];
	[tilespmem:s28+$0x30] =	vst v5  }
0x277: {  	v26 =	vor.u32 s9, v3;
	v5 =	vsel vm0, v22, v19;
	v19 =	vor.u32 s22, v3;
	v22 =	vld [tilespmem:s14+$0x0];
	[tilespmem:s17+$0x20] =	vst v9;
	s17 =	smov.u32 s28  }
0x278: {  	v27 =	vand.u32 $0x38F, v12;
	v6 =	vsel vm1, v20, v8;
	vm0 =	vgt.s32 v11, v15;
	v14 =	vld [tilespmem:s28+$0x10]  }
0x279: {  	v17 =	vand.u32 $0x3AF, v17;
	v16 =	vand.u32 $0x39F, v13;
	v7 =	vsel vm0, v11, v15;
	v18 =	vld [tilespmem:s14+$0x10]  }
.Ltmp8:
0x27a: {  	v15 =	vand.u32 $0x3BF, v10;
	v10 =	vand.u32 $0x3CF, v25;
	vm0 =	vgt.s32 v21, v23;
	v11 =	vld [tilespmem:s28+$0x20];
	(pc) =	sbr.rel @p0 .LBB2_18-.Ltmp8, $4  }
0x27b: {  	v12 =	vand.u32 $0x3DF, v19;
	v9 =	vand.u32 $0x3EF, v26;
	v8 =	vsel vm0, v21, v23;
	v19 =	vld [tilespmem:s14+$0x20]  }
0x27c: {  	vm4 =	vlt.s32 v5, $0x0;
	vm1 =	vlt.s32 v6, $0x0;
	vm2 =	vgt.s32 v24, v22  }
0x27d: {  	vm3 =	vlt.s32 v7, $0x0;
	vm0 =	vlt.s32 v8, $0x0;
	v13 =	vsel vm2, v24, v22  }
0x27e: {  	v20 =	vadd.s32 $0x1D4C0, v27;
	s28 =	sadd.s32 $0x80, s28;
	vm2 =	vlt.s32 v13, $0x0;
	vm5 =	vgt.s32 v14, v18  }
0x27f: {  	v16 =	vadd.s32 $0x1D4C0, v16;
	v5 =	vsel vm4, v20, v5  }
0x280: {  	v17 =	vadd.s32 $0x1D4C0, v17;
	v14 =	vsel vm5, v14, v18;
	[tilespmem:s17+$0xFFFFFFC0] =	vst v5;
	v5 =	vsel vm1, v16, v6  }
0x281: {  	v6 =	vadd.s32 $0x1D4C0, v15;
	vm13 =	vlt.s32 v14, $0x0;
	v7 =	vsel vm3, v17, v7;
	[tilespmem:s17+$0xFFFFFFD0] =	vst v5  }
0x282: {  	vm14 =	vgt.s32 v11, v19;
	v5 =	vadd.s32 $0x1D4C0, v10;
	v6 =	vsel vm0, v6, v8;
	[tilespmem:s17+$0xFFFFFFE0] =	vst v7  }
0x283: {  	v7 =	vadd.s32 $0x1D4C0, v12;
	v63 =	vsel vm14, v11, v19;
	v5 =	vsel vm2, v5, v13;
	[tilespmem:s17+$0xFFFFFFF0] =	vst v6  }
0x284: {  	v6 =	vadd.s32 $0x1D4C0, v9;
	vm15 =	vlt.s32 v63, $0x0;
	v7 =	vsel vm13, v7, v14;
	[tilespmem:s17+$0x0] =	vst v5  }
0x285: {  	v5 =	vsel vm15, v6, v63;
	[tilespmem:s17+$0x10] =	vst v7  }
0x286: {  	[tilespmem:s17+$0x20] =	vst v5  }
0x287: {  	s14 =	simm.s32 $0x80;
	s15 =	simm.s32 $0x12200;
	s9 =	rddreg [dreg:$0x4]  }
0x288: {  	[tilespmem:s15], [sflag:$0x3] =	stream.indirect.gather [hbm4b:s4+s14], $0x40, s9, s14, $0xb8;
	[tilespmem:$0x1A400] =	vst v63  }
0x289: {  	s31 =	simm.s32 $0x14200;
	s26 =	rddreg [dreg:$0xe]  }
0x28a: {  	[tilespmem:s31], [sflag:$0x4] =	stream.indirect.gather [hbm4b:s4+s14], $0x40, s26, s14, $0xb8;
	[tilespmem:$0x1A400] =	vst v63  }
0x28b: {  	s28 =	simm.s32 $0x0;
	s14 =	simm.s32 $0x0  }
.LBB2_20:
0x28c: {  	v5 =	vmul.u32 $0x108, v3;
	s9 =	simm.s32 $0x1;
	s15 =	simm.s32 $0x2;
	s17 =	simm.s32 $0x3  }
0x28d: {  	s20 =	simm.s32 $0x4;
	s21 =	simm.s32 $0x5;
	s22 =	simm.s32 $0x7;
	v8 =	vmov s9;
	v11 =	vmov s15;
	v12 =	vmov s17  }
0x28e: {  	s26 =	simm.s32 $0x6;
	v9 =	vmov s20;
	v10 =	vmov s21;
	v14 =	vmov s22  }
0x28f: {  	_ =	swait.ge [sflag:s0], $0x2000;
	v19 =	vmov s26;
	v6 =	vor.u32 $0x7, v5;
	v7 =	vor.u32 $0x3, v5  }
0x290: {  	p0 =	seq.s32 s28, $0x0;
	[sflag:s0] =	ssyncset.done $0x0;
	v13 =	vshrl.u32 v9, $0x3;
	v9 =	vshrl.u32 v10, $0x3;
	v15 =	vshrl.u32 v8, $0x3  }
0x291: {  	s9 =	simm.s32 @!p0 $0x5;
	[sflag:s0] =	ssyncadd.s32 $0xFFFFE000;
	v8 =	vor.u32 $0x4, v5;
	v10 =	vmov s14;
	v12 =	vshrl.u32 v12, $0x3  }
0x292: {  	v14 =	vshrl.u32 v14, $0x3;
	v11 =	vshrl.u32 v11, $0x3;
	_ =	swait.ge @!p0 [sflag:s9], $0x2000;
	v9 =	vshll.u32 v9, v4  }
0x293: {  	v16 =	vshrl.u32 v10, $0x3;
	v10 =	vor.u32 $0x5, v5;
	[sflag:s9] =	ssyncset.done @!p0 $0x0;
	v18 =	vbroadcast v9, $0x0  }
0x294: {  	s31 =	simm.s32 $0x12300;
	v15 =	vshll.u32 v15, v4;
	v13 =	vshll.u32 v13, v4;
	v14 =	vshll.u32 v14, v4;
	[sflag:s9] =	ssyncadd.s32 @!p0 $0xFFFFE000  }
0x295: {  	v16 =	vshll.u32 v16, v4;
	v40 =	vbroadcast v14, $0x0;
	v17 =	vld [tilespmem:s31+$0x40];
	v20 =	vadd.s32 v10, v18  }
0x296: {  	v11 =	vshll.u32 v11, v4;
	v9 =	vor.u32 $0x1, v5;
	v34 =	vbroadcast v16, $0x0;
	v21 =	vld [tilespmem:s31+$0xFFFFFF00]  }
0x297: {  	v36 =	vbroadcast v15, $0x0;
	v16 =	vshrl.u32 v19, $0x3;
	v24 =	vld [tilespmem:s31+$0xC0];
	v25 =	vadd.s32 v6, v40  }
0x298: {  	v33 =	vbroadcast v13, $0x0;
	v16 =	vshll.u32 v16, v4;
	v32 =	vld [tilespmem:s31+$0xFFFFFF40];
	v19 =	vadd.s32 v5, v34  }
0x299: {  	v22 =	vld [tilespmem:s31+$0x0];
	v35 =	vadd.s32 v9, v36;
	v59 =	vbroadcast v16, $0x0;
	v16 =	vshll.u32 v12, v4  }
0x29a: {  	v27 =	vld [tilespmem:s31+$0x80];
	v12 =	vor.u32 $0x6, v5;
	v46 =	vbroadcast v16, $0x0;
	[tilespmem:v20+s3+$0x0] =	vst.idx.msk $0xffff, v17;
	v20 =	vadd.s32 v8, v33  }
0x29b: {  	v13 =	vadd.s32 $0x1085, v5;
	v41 =	vbroadcast v11, $0x0;
	v44 =	vld [tilespmem:s31+$0xFFFFFFC0];
	v30 =	vadd.s32 v12, v59  }
0x29c: {  	v15 =	vor.u32 $0x2, v5;
	v11 =	vadd.s32 $0x3185, v5;
	v43 =	vadd.s32 v7, v46;
	[tilespmem:v25+s3+$0x0] =	vst.idx.msk $0xffff, v24;
	v23 =	vld [tilespmem:s31+$0x50]  }
0x29d: {  	v14 =	vadd.s32 $0x3180, v5;
	v26 =	vadd.s32 v13, v18;
	v28 =	vadd.s32 v15, v41;
	[tilespmem:v19+s3+$0x0] =	vst.idx.msk $0xffff, v21;
	v21 =	vld [tilespmem:s31+$0xFFFFFF80]  }
0x29e: {  	v42 =	vadd.s32 v11, v18;
	v37 =	vadd.s32 v14, v34;
	v17 =	vadd.s32 $0x1080, v5;
	[tilespmem:v35+s3+$0x0] =	vst.idx.msk $0xffff, v32;
	v49 =	vld [tilespmem:s31+$0xD0]  }
0x29f: {  	v16 =	vadd.s32 $0x3181, v5;
	v29 =	vadd.s32 v17, v34;
	v31 =	vld [tilespmem:s31+$0xFFFFFF10];
	[tilespmem:v20+s3+$0x0] =	vst.idx.msk $0xffff, v22;
	v22 =	vadd.s32 $0x1084, v5  }
0x2a0: {  	v38 =	vadd.s32 v16, v36;
	v24 =	vadd.s32 $0x1087, v5;
	[tilespmem:v30+s3+$0x0] =	vst.idx.msk $0xffff, v27;
	v45 =	vld [tilespmem:s31+$0x10];
	v25 =	vadd.s32 v22, v33  }
0x2a1: {  	v32 =	vadd.s32 $0x1081, v5;
	v35 =	vadd.s32 $0x2101, v5;
	v53 =	vadd.s32 v24, v40;
	v51 =	vld [tilespmem:s31+$0xFFFFFF50];
	[tilespmem:v43+s3+$0x0] =	vst.idx.msk $0xffff, v44  }
0x2a2: {  	v19 =	vadd.s32 $0x2105, v5;
	v52 =	vadd.s32 v32, v36;
	v27 =	vadd.s32 $0x1083, v5;
	v58 =	vld [tilespmem:s31+$0x90];
	[tilespmem:v26+s3+$0x0] =	vst.idx.msk $0xffff, v23  }
0x2a3: {  	v50 =	vadd.s32 v19, v18;
	v18 =	vadd.s32 $0x3182, v5;
	v56 =	vadd.s32 v27, v46;
	v54 =	vld [tilespmem:s31+$0xFFFFFFD0];
	[tilespmem:v28+s3+$0x0] =	vst.idx.msk $0xffff, v21  }
0x2a4: {  	v39 =	vadd.s32 v18, v41;
	v30 =	vadd.s32 $0x2107, v5;
	v48 =	vld [tilespmem:s31+$0x60];
	[tilespmem:v29+s3+$0x0] =	vst.idx.msk $0xffff, v31;
	v29 =	vadd.s32 $0x1086, v5  }
0x2a5: {  	v20 =	vadd.s32 $0x3183, v5;
	v28 =	vadd.s32 $0x2104, v5;
	v47 =	vld [tilespmem:s31+$0xFFFFFF90];
	v60 =	vadd.s32 v29, v59;
	[tilespmem:v25+s3+$0x0] =	vst.idx.msk $0xffff, v45  }
0x2a6: {  	v26 =	vadd.s32 $0x3187, v5;
	[tilespmem:v53+s3+$0x0] =	vst.idx.msk $0xffff, v49;
	v31 =	vadd.s32 $0x1082, v5;
	v62 =	vadd.s32 v28, v33;
	v61 =	vld [tilespmem:s31+$0x20]  }
0x2a7: {  	v23 =	vadd.s32 $0x2106, v5;
	v21 =	vadd.s32 $0x3186, v5;
	v53 =	vld [tilespmem:s31+$0xE0];
	v55 =	vadd.s32 v31, v41  }
0x2a8: {  	v44 =	vld [tilespmem:s31+$0xFFFFFF20];
	[tilespmem:v56+s3+$0x0] =	vst.idx.msk $0xffff, v54;
	v56 =	vadd.s32 v30, v40;
	v25 =	vadd.s32 $0x3184, v5;
	v45 =	vadd.s32 v21, v59  }
0x2a9: {  	v54 =	vld [tilespmem:s31+$0xFFFFFFE0];
	v59 =	vadd.s32 v23, v59;
	[tilespmem:v50+s3+$0x0] =	vst.idx.msk $0xffff, v48;
	v43 =	vadd.s32 v25, v33;
	v33 =	vadd.s32 $0x2100, v5  }
0x2aa: {  	v50 =	vadd.s32 v35, v36;
	v48 =	vld [tilespmem:s31+$0x70];
	v49 =	vadd.s32 v33, v34;
	v34 =	vadd.s32 $0x2103, v5;
	[tilespmem:v60+s3+$0x0] =	vst.idx.msk $0xffff, v58  }
0x2ab: {  	s19 =	simm.s32 $0x12500;
	s15 =	sshll.u32 s28, $0x1;
	s17 =	simm.s32 $0x8;
	v36 =	vadd.s32 $0x2102, v5;
	v57 =	vadd.s32 v34, v46;
	v46 =	vadd.s32 v20, v46;
	v58 =	vld [tilespmem:s31+$0xA0];
	[tilespmem:v62+s3+$0x0] =	vst.idx.msk $0xffff, v61  }
.LBB2_21:
0x2ac: {  	s9 =	sadd.s32 $0x1, s17  }
0x2ad: {  	s20 =	sadd.s32 $0x2, s17;
	s21 =	sadd.s32 $0x3, s17;
	[tilespmem:v55+s3+$0x0] =	vst.idx.msk $0xffff, v47;
	v41 =	vadd.s32 v36, v41;
	v47 =	vld [tilespmem:s31+$0x30];
	v40 =	vadd.s32 v26, v40;
	s22 =	smov.u32 s17  }
0x2ae: {  	v55 =	vmov s9;
	v60 =	vmov s20;
	v61 =	vmov s21;
	s9 =	sadd.s32 $0x4, s17;
	s20 =	sadd.s32 $0x5, s17;
	s21 =	sadd.s32 $0x6, s17;
	[tilespmem:v52+s3+$0x0] =	vst.idx.msk $0xffff, v51  }
0x2af: {  	p1 =	slt.u32 s17, $0x78;
	s17 =	sadd.s32 $0x8, s17;
	v51 =	vmov s9;
	v52 =	vmov s20;
	s9 =	sadd.s32 $0x7, s22;
	v62 =	vld [tilespmem:s31+$0xFFFFFF60];
	[tilespmem:v56+s3+$0x0] =	vst.idx.msk $0xffff, v53  }
0x2b0: {  	v51 =	vshrl.u32 v51, $0x3;
	v53 =	vmov s9;
	[tilespmem:v57+s3+$0x0] =	vst.idx.msk $0xffff, v54;
	v54 =	vld [tilespmem:s31+$0xF0]  }
0x2b1: {  	v55 =	vshrl.u32 v55, $0x3;
	v52 =	vshrl.u32 v52, $0x3;
	v56 =	vld [tilespmem:s31+$0xFFFFFFA0];
	[tilespmem:v59+s3+$0x0] =	vst.idx.msk $0xffff, v58  }
0x2b2: {  	v57 =	vmov s22;
	v52 =	vshll.u32 v52, v4;
	[tilespmem:v42+s3+$0x0] =	vst.idx.msk $0xffff, v48;
	v42 =	vld [tilespmem:s31+$0xB0]  }
0x2b3: {  	v48 =	vshrl.u32 v57, $0x3;
	v52 =	vbroadcast v52, $0x0;
	[tilespmem:v49+s3+$0x0] =	vst.idx.msk $0xffff, v44;
	v44 =	vld [tilespmem:s31+$0xFFFFFFF0]  }
0x2b4: {  	v57 =	vmov s21;
	v48 =	vshll.u32 v48, v4;
	v49 =	vshll.u32 v55, v4;
	v55 =	vld [tilespmem:s19+$0x40];
	[tilespmem:v50+s3+$0x0] =	vst.idx.msk $0xffff, v62  }
0x2b5: {  	v57 =	vshrl.u32 v57, $0x3;
	v50 =	vbroadcast v48, $0x0;
	v48 =	vadd.s32 v10, v52;
	v58 =	vld [tilespmem:s31+$0xFFFFFF70];
	[tilespmem:v40+s3+$0x0] =	vst.idx.msk $0xffff, v54  }
0x2b6: {  	v51 =	vshll.u32 v51, v4;
	v53 =	vshrl.u32 v53, $0x3;
	v40 =	vshrl.u32 v61, $0x3;
	v54 =	vld [tilespmem:s31+$0xFFFFFF30];
	[tilespmem:v41+s3+$0x0] =	vst.idx.msk $0xffff, v56  }
0x2b7: {  	v57 =	vshll.u32 v57, v4;
	v56 =	vadd.s32 v5, v50;
	v41 =	vshrl.u32 v60, $0x3;
	v59 =	vld [tilespmem:s31+$0xFFFFFFB0];
	[tilespmem:v45+s3+$0x0] =	vst.idx.msk $0xffff, v42;
	s31 =	smov.u32 s19  }
0x2b8: {  	v61 =	vbroadcast v57, $0x0;
	v60 =	vbroadcast v49, $0x0;
	v45 =	vshll.u32 v53, v4;
	v42 =	vld [tilespmem:s19+$0xFFFFFF00];
	[tilespmem:v43+s3+$0x0] =	vst.idx.msk $0xffff, v47  }
0x2b9: {  	v49 =	vbroadcast v51, $0x0;
	v47 =	vshll.u32 v40, v4;
	v43 =	vld [tilespmem:s19+$0xFFFFFF40];
	[tilespmem:v46+s3+$0x0] =	vst.idx.msk $0xffff, v44  }
0x2ba: {  	v41 =	vshll.u32 v41, v4;
	v40 =	vbroadcast v45, $0x0;
	v44 =	vld [tilespmem:s19+$0x0];
	[tilespmem:v48+s3+$0x0] =	vst.idx.msk $0xffff, v55  }
0x2bb: {  	v45 =	vadd.s32 v9, v60;
	v41 =	vbroadcast v41, $0x0;
	v46 =	vadd.s32 v8, v49;
	v48 =	vld [tilespmem:s19+$0x50];
	[tilespmem:v38+s3+$0x0] =	vst.idx.msk $0xffff, v58  }
0x2bc: {  	v58 =	vbroadcast v47, $0x0;
	v47 =	vadd.s32 v6, v40;
	v38 =	vld [tilespmem:s19+$0xC0];
	[tilespmem:v39+s3+$0x0] =	vst.idx.msk $0xffff, v59  }
0x2bd: {  	v51 =	vadd.s32 v13, v52;
	v39 =	vadd.s32 v15, v41;
	v53 =	vld [tilespmem:s19+$0x80];
	[tilespmem:v37+s3+$0x0] =	vst.idx.msk $0xffff, v54  }
0x2be: {  	v54 =	vadd.s32 v17, v50;
	[tilespmem:v56+s3+$0x0] =	vst.idx.msk $0xffff, v42;
	v55 =	vld [tilespmem:s19+$0xFFFFFF80];
	v56 =	vadd.s32 v12, v61  }
0x2bf: {  	v59 =	vadd.s32 v7, v58;
	v42 =	vadd.s32 v11, v52;
	v57 =	vld [tilespmem:s19+$0xFFFFFF10]  }
0x2c0: {  	v62 =	vld [tilespmem:s19+$0xFFFFFFC0];
	[tilespmem:v46+s3+$0x0] =	vst.idx.msk $0xffff, v44  }
0x2c1: {  	v37 =	vadd.s32 v14, v50;
	v46 =	vld [tilespmem:s19+$0x10];
	[tilespmem:v47+s3+$0x0] =	vst.idx.msk $0xffff, v38  }
0x2c2: {  	v63 =	vadd.s32 v22, v49;
	[tilespmem:v51+s3+$0x0] =	vst.idx.msk $0xffff, v48;
	v0 =	vld [tilespmem:s19+$0xD0]  }
0x2c3: {  	v1 =	vadd.s32 v24, v40;
	v51 =	vadd.s32 v19, v52;
	[tilespmem:v39+s3+$0x0] =	vst.idx.msk $0xffff, v55;
	v48 =	vld [tilespmem:s19+$0x60]  }
0x2c4: {  	v38 =	vadd.s32 v16, v60;
	v47 =	vld [tilespmem:s19+$0xFFFFFF90];
	[tilespmem:v56+s3+$0x0] =	vst.idx.msk $0xffff, v53  }
0x2c5: {  	v39 =	vadd.s32 v18, v41;
	[tilespmem:v59+s3+$0x0] =	vst.idx.msk $0xffff, v62;
	v59 =	vld [tilespmem:s19+$0x90]  }
0x2c6: {  	[tilespmem:v54+s3+$0x0] =	vst.idx.msk $0xffff, v57;
	v53 =	vld [tilespmem:s19+$0xFFFFFFD0];
	v54 =	vadd.s32 v27, v58  }
0x2c7: {  	v62 =	vadd.s32 v29, v61;
	v44 =	vld [tilespmem:s19+$0xFFFFFF20];
	[tilespmem:v63+s3+$0x0] =	vst.idx.msk $0xffff, v46  }
0x2c8: {  	v2 =	vadd.s32 v28, v49;
	v63 =	vld [tilespmem:s19+$0x20];
	[tilespmem:v51+s3+$0x0] =	vst.idx.msk $0xffff, v48  }
.Ltmp9:
0x2c9: {  	v55 =	vadd.s32 v31, v41;
	[tilespmem:v45+s3+$0x0] =	vst.idx.msk $0xffff, v43;
	v43 =	vadd.s32 v25, v49;
	v48 =	vld [tilespmem:s19+$0x70];
	(pc) =	sbr.rel @p1 .LBB2_21-.Ltmp9, $4  }
0x2ca: {  	v52 =	vadd.s32 v32, v60;
	v45 =	vadd.s32 v21, v61;
	v51 =	vld [tilespmem:s19+$0xFFFFFF50];
	[tilespmem:v1+s3+$0x0] =	vst.idx.msk $0xffff, v0  }
0x2cb: {  	v56 =	vadd.s32 v30, v40;
	v49 =	vadd.s32 v33, v50;
	[tilespmem:v54+s3+$0x0] =	vst.idx.msk $0xffff, v53;
	v53 =	vld [tilespmem:s19+$0xE0]  }
0x2cc: {  	v57 =	vadd.s32 v34, v58;
	v46 =	vadd.s32 v20, v58;
	v54 =	vld [tilespmem:s19+$0xFFFFFFE0];
	[tilespmem:v62+s3+$0x0] =	vst.idx.msk $0xffff, v59  }
0x2cd: {  	v50 =	vadd.s32 v35, v60;
	v59 =	vadd.s32 v23, v61;
	s19 =	sadd.s32 $0x200, s19;
	[tilespmem:v2+s3+$0x0] =	vst.idx.msk $0xffff, v63;
	v58 =	vld [tilespmem:s31+$0xA0]  }
0x2ce: {  	_ =	sdelay $0x3  }
0x2cf: {  	[tilespmem:v55+s3+$0x0] =	vst.idx.msk $0xffff, v47  }
0x2d0: {  	[tilespmem:v42+s3+$0x0] =	vst.idx.msk $0xffff, v48  }
0x2d1: {  	v62 =	vld [tilespmem:s31+$0x30];
	[tilespmem:v49+s3+$0x0] =	vst.idx.msk $0xffff, v44  }
0x2d2: {  	v1 =	vadd.s32 v36, v41;
	[tilespmem:v52+s3+$0x0] =	vst.idx.msk $0xffff, v51;
	v2 =	vld [tilespmem:s31+$0xFFFFFFA0]  }
0x2d3: {  	v0 =	vld [tilespmem:s31+$0xFFFFFF60];
	[tilespmem:v56+s3+$0x0] =	vst.idx.msk $0xffff, v53  }
0x2d4: {  	v40 =	vadd.s32 v26, v40;
	[tilespmem:v57+s3+$0x0] =	vst.idx.msk $0xffff, v54;
	v60 =	vld [tilespmem:s31+$0xF0]  }
0x2d5: {  	[tilespmem:v59+s3+$0x0] =	vst.idx.msk $0xffff, v58;
	v63 =	vld [tilespmem:s31+$0xFFFFFFF0]  }
0x2d6: {  	v61 =	vld [tilespmem:s31+$0xB0];
	[tilespmem:v43+s3+$0x0] =	vst.idx.msk $0xffff, v62  }
0x2d7: {  	[tilespmem:v1+s3+$0x0] =	vst.idx.msk $0xffff, v2;
	v2 =	vld [tilespmem:s31+$0xFFFFFF30]  }
0x2d8: {  	[tilespmem:v50+s3+$0x0] =	vst.idx.msk $0xffff, v0;
	v1 =	vld [tilespmem:s31+$0xFFFFFFB0]  }
0x2d9: {  	v0 =	vld [tilespmem:s31+$0xFFFFFF70];
	[tilespmem:v40+s3+$0x0] =	vst.idx.msk $0xffff, v60  }
0x2da: {  	[tilespmem:v46+s3+$0x0] =	vst.idx.msk $0xffff, v63  }
0x2db: {  	s9 =	sadd.s32 s6, s15;
	[tilespmem:v45+s3+$0x0] =	vst.idx.msk $0xffff, v61  }
0x2dc: {  	s9 =	sshll.u32 s9, $0x4;
	[tilespmem:v37+s3+$0x0] =	vst.idx.msk $0xffff, v2  }
0x2dd: {  	s9 =	sand.u32 $0x1FFFFFE0, s9;
	[tilespmem:v39+s3+$0x0] =	vst.idx.msk $0xffff, v1  }
0x2de: {  	s19 =	simm.s32 $0x420;
	s17 =	sadd.s32 s1, s9;
	s31 =	simm.s32 $0x16200;
	[tilespmem:v38+s3+$0x0] =	vst.idx.msk $0xffff, v0  }
0x2df: {  	[hbm4b:s17+s2] =	stream.linear.scatter [tilespmem:s31], [sflag:$0x5], $0x80, $0x38;
	[tilespmem:$0x1A400] =	vst v63  }
.LBB2_23:
0x2e0: {  	p1 =	sne.s32 s19, $0x103E0  }
.Ltmp10:
0x2e1: {  	_ = 	snop;
	(pc) =	sbr.rel @p1 .LBB2_23-.Ltmp10, $4  }
0x2e2: {  	_ = 	snop  }
0x2e3: {  	s9 =	sshra.s32 s19, $0x2;
	s19 =	sadd.s32 $0x420, s19  }
0x2e4: {  	s17 =	sadd.s32 $0x68A0, s17;
	s9 =	sadd.s32 $0x16200, s9  }
0x2e5: {  	[hbm4b:s17+s2] =	stream.linear.scatter [tilespmem:s9], [sflag:$0x5], $0x80, $0x38;
	[tilespmem:$0x1A400] =	vst v63  }
0x2e6: {  	s9 =	sadd.s32 $0x2, s15  }
0x2e7: {  	s20 =	simm.s32 $0x80;
	s21 =	simm.s32 $0x81;
	p1 =	sge.u32 s9, s5  }
0x2e8: {  	s22 =	simm.s32 $0x82;
	s26 =	simm.s32 $0x83;
	s9 =	sadd.s32 @!p1 s8, s9  }
0x2e9: {  	v0 =	vmov s20;
	v1 =	vmov s21;
	s20 =	simm.s32 $0x84;
	s21 =	simm.s32 $0x85;
	s9 =	sshll.u32 @!p1 s9, $0x9  }
0x2ea: {  	s17 =	simm.s32 @!p1 $0x80;
	s19 =	simm.s32 @!p1 $0x12200;
	s9 =	sshra.s32 @!p1 s9, $0x2  }
0x2eb: {  	v2 =	vmov s22;
	[tilespmem:s19], [sflag:$0x3] =	stream.indirect.gather @!p1 [hbm4b:s4+s17], $0x40, s9, s17, $0xb8;
	[tilespmem:$0x1A400] =	vst v63  }
0x2ec: {  	v37 =	vmov s26;
	s22 =	simm.s32 $0x87;
	s26 =	simm.s32 $0x86;
	v38 =	vmov s20;
	v42 =	vmov s21;
	_ =	swait.ge [sflag:s10], $0x2000  }
0x2ed: {  	v39 =	vmov s22;
	v43 =	vmov s26;
	v0 =	vshrl.u32 v0, $0x3;
	[sflag:s10] =	ssyncset.done $0x0  }
0x2ee: {  	v1 =	vshrl.u32 v1, $0x3;
	v2 =	vshrl.u32 v2, $0x3;
	v39 =	vshrl.u32 v39, $0x3;
	s17 =	simm.s32 @!p0 $0x6;
	[sflag:s10] =	ssyncadd.s32 $0xFFFFE000  }
0x2ef: {  	v0 =	vshll.u32 v0, v4;
	v41 =	vshrl.u32 v38, $0x3;
	v39 =	vshll.u32 v39, v4;
	_ =	swait.ge @!p0 [sflag:s17], $0x2000  }
0x2f0: {  	v38 =	vbroadcast v0, $0x0;
	v0 =	vshll.u32 v1, v4;
	v44 =	vbroadcast v39, $0x0;
	[sflag:s17] =	ssyncset.done @!p0 $0x0  }
0x2f1: {  	s31 =	simm.s32 $0x14300;
	v40 =	vshrl.u32 v37, $0x3;
	v37 =	vbroadcast v0, $0x0;
	v0 =	vshll.u32 v2, v4;
	[sflag:s17] =	ssyncadd.s32 @!p0 $0xFFFFE000  }
0x2f2: {  	v39 =	vbroadcast v0, $0x0;
	v0 =	vshll.u32 v40, v4;
	v2 =	vadd.s32 v6, v44;
	v1 =	vld [tilespmem:s31+$0xC0]  }
0x2f3: {  	v46 =	vadd.s32 v5, v38;
	v40 =	vbroadcast v0, $0x0;
	v0 =	vshll.u32 v41, v4;
	v45 =	vld [tilespmem:s31+$0xFFFFFF00]  }
0x2f4: {  	v48 =	vadd.s32 v9, v37;
	v41 =	vbroadcast v0, $0x0;
	v0 =	vshrl.u32 v42, $0x3;
	v47 =	vld [tilespmem:s31+$0xFFFFFF40]  }
0x2f5: {  	v43 =	vshrl.u32 v43, $0x3;
	v50 =	vadd.s32 v15, v39;
	v0 =	vshll.u32 v0, v4;
	v49 =	vld [tilespmem:s31+$0xFFFFFF80]  }
0x2f6: {  	v52 =	vadd.s32 v7, v40;
	v42 =	vbroadcast v0, $0x0;
	v0 =	vshll.u32 v43, v4;
	v51 =	vld [tilespmem:s31+$0xFFFFFFC0]  }
0x2f7: {  	v54 =	vadd.s32 v8, v41;
	v43 =	vbroadcast v0, $0x0;
	v53 =	vld [tilespmem:s31+$0x0];
	[tilespmem:v2+s3+$0x0] =	vst.idx.msk $0xffff, v1  }
0x2f8: {  	[tilespmem:v46+s3+$0x0] =	vst.idx.msk $0xffff, v45;
	v1 =	vadd.s32 v24, v44;
	v0 =	vld [tilespmem:s31+$0xD0]  }
0x2f9: {  	v62 =	vld [tilespmem:s31+$0x80];
	v63 =	vadd.s32 v12, v43;
	[tilespmem:v48+s3+$0x0] =	vst.idx.msk $0xffff, v47  }
0x2fa: {  	v61 =	vadd.s32 v10, v42;
	v2 =	vld [tilespmem:s31+$0x40];
	[tilespmem:v50+s3+$0x0] =	vst.idx.msk $0xffff, v49  }
0x2fb: {  	v57 =	vadd.s32 v17, v38;
	[tilespmem:v52+s3+$0x0] =	vst.idx.msk $0xffff, v51;
	v56 =	vld [tilespmem:s31+$0xFFFFFF10]  }
0x2fc: {  	v59 =	vadd.s32 v32, v37;
	[tilespmem:v54+s3+$0x0] =	vst.idx.msk $0xffff, v53;
	v58 =	vld [tilespmem:s31+$0xFFFFFF50]  }
0x2fd: {  	v60 =	vadd.s32 v31, v39;
	v52 =	vld [tilespmem:s31+$0xFFFFFF90];
	[tilespmem:v1+s3+$0x0] =	vst.idx.msk $0xffff, v0  }
0x2fe: {  	[tilespmem:v63+s3+$0x0] =	vst.idx.msk $0xffff, v62;
	v1 =	vadd.s32 v30, v44;
	v0 =	vld [tilespmem:s31+$0xE0]  }
0x2ff: {  	v62 =	vld [tilespmem:s31+$0x10];
	v63 =	vadd.s32 v22, v41;
	[tilespmem:v61+s3+$0x0] =	vst.idx.msk $0xffff, v2  }
0x300: {  	v2 =	vld [tilespmem:s31+$0xFFFFFFD0];
	v61 =	vadd.s32 v27, v40;
	[tilespmem:v57+s3+$0x0] =	vst.idx.msk $0xffff, v56  }
0x301: {  	[tilespmem:v59+s3+$0x0] =	vst.idx.msk $0xffff, v58;
	v55 =	vld [tilespmem:s31+$0x50];
	v56 =	vadd.s32 v13, v42  }
0x302: {  	v51 =	vld [tilespmem:s31+$0x90];
	[tilespmem:v60+s3+$0x0] =	vst.idx.msk $0xffff, v52;
	v52 =	vadd.s32 v29, v43  }
0x303: {  	v53 =	vadd.s32 v33, v38;
	v50 =	vld [tilespmem:s31+$0xFFFFFF20];
	[tilespmem:v1+s3+$0x0] =	vst.idx.msk $0xffff, v0  }
0x304: {  	v48 =	vadd.s32 v26, v44;
	[tilespmem:v63+s3+$0x0] =	vst.idx.msk $0xffff, v62;
	v47 =	vld [tilespmem:s31+$0xF0]  }
0x305: {  	v49 =	vadd.s32 v35, v37;
	v46 =	vld [tilespmem:s31+$0xFFFFFF60];
	[tilespmem:v61+s3+$0x0] =	vst.idx.msk $0xffff, v2  }
0x306: {  	s17 =	simm.s32 $0x0;
	v45 =	vadd.s32 v36, v39;
	v44 =	vld [tilespmem:s31+$0xFFFFFFA0];
	[tilespmem:v56+s3+$0x0] =	vst.idx.msk $0xffff, v55  }
.LBB2_25:
0x307: {  	s9 =	sadd.s32 $0x88, s17;
	v0 =	vld [tilespmem:s31+$0xFFFFFFE0];
	v1 =	vadd.s32 v34, v40;
	[tilespmem:v52+s3+$0x0] =	vst.idx.msk $0xffff, v51  }
0x308: {  	s19 =	sadd.s32 $0x8A, s17;
	v51 =	vadd.s32 v28, v41;
	v2 =	vmov s9;
	s9 =	sadd.s32 $0x89, s17;
	[tilespmem:v53+s3+$0x0] =	vst.idx.msk $0xffff, v50;
	v50 =	vld [tilespmem:s31+$0x20]  }
0x309: {  	v55 =	vadd.s32 v19, v42;
	v53 =	vmov s19;
	s19 =	sadd.s32 $0x8C, s17;
	v52 =	vmov s9;
	s9 =	sadd.s32 $0x8B, s17;
	v54 =	vld [tilespmem:s31+$0x60];
	[tilespmem:v48+s3+$0x0] =	vst.idx.msk $0xffff, v47  }
0x30a: {  	v48 =	vmov s19;
	s19 =	sadd.s32 $0x8E, s17;
	v47 =	vmov s9;
	s9 =	sadd.s32 $0x8D, s17;
	[tilespmem:v49+s3+$0x0] =	vst.idx.msk $0xffff, v46;
	v46 =	vld [tilespmem:s31+$0xA0];
	v49 =	vadd.s32 v23, v43  }
0x30b: {  	v38 =	vadd.s32 v14, v38;
	v57 =	vmov s19;
	v56 =	vmov s9;
	v58 =	vld [tilespmem:s31+$0xFFFFFF30];
	[tilespmem:v45+s3+$0x0] =	vst.idx.msk $0xffff, v44  }
0x30c: {  	v37 =	vadd.s32 v16, v37;
	v2 =	vshrl.u32 v2, $0x3;
	v44 =	vshrl.u32 v52, $0x3;
	s9 =	sadd.s32 $0x8F, s17;
	s17 =	sadd.s32 $0x8, s17;
	v45 =	vld [tilespmem:s31+$0xFFFFFF70];
	[tilespmem:v1+s3+$0x0] =	vst.idx.msk $0xffff, v0  }
0x30d: {  	v39 =	vadd.s32 v18, v39;
	v0 =	vshrl.u32 v53, $0x3;
	v1 =	vmov s9;
	p0 =	slt.u32 s17, $0x78;
	v52 =	vld [tilespmem:s31+$0xFFFFFFB0];
	[tilespmem:v51+s3+$0x0] =	vst.idx.msk $0xffff, v50  }
0x30e: {  	v40 =	vadd.s32 v20, v40;
	v47 =	vshrl.u32 v47, $0x3;
	v1 =	vshrl.u32 v1, $0x3;
	v50 =	vld [tilespmem:s31+$0xFFFFFFF0];
	[tilespmem:v55+s3+$0x0] =	vst.idx.msk $0xffff, v54  }
0x30f: {  	v41 =	vadd.s32 v25, v41;
	v48 =	vshrl.u32 v48, $0x3;
	v1 =	vshll.u32 v1, v4;
	v51 =	vld [tilespmem:s31+$0x30];
	[tilespmem:v49+s3+$0x0] =	vst.idx.msk $0xffff, v46  }
0x310: {  	v42 =	vadd.s32 v11, v42;
	v2 =	vshll.u32 v2, v4;
	v1 =	vbroadcast v1, $0x0;
	[tilespmem:v38+s3+$0x0] =	vst.idx.msk $0xffff, v58;
	v46 =	vld [tilespmem:s31+$0x70]  }
0x311: {  	v43 =	vadd.s32 v21, v43;
	v38 =	vbroadcast v2, $0x0;
	v2 =	vshll.u32 v44, v4;
	[tilespmem:v37+s3+$0x0] =	vst.idx.msk $0xffff, v45;
	v44 =	vld [tilespmem:s31+$0xB0];
	s31 =	sadd.s32 $0x200, s31  }
0x312: {  	v0 =	vshll.u32 v0, v4;
	v37 =	vbroadcast v2, $0x0;
	v45 =	vadd.s32 v6, v1;
	v2 =	vld [tilespmem:s31+$0xC0];
	[tilespmem:v39+s3+$0x0] =	vst.idx.msk $0xffff, v52  }
0x313: {  	v52 =	vadd.s32 v5, v38;
	v39 =	vbroadcast v0, $0x0;
	v0 =	vshll.u32 v47, v4;
	v49 =	vld [tilespmem:s31+$0xFFFFFF00];
	[tilespmem:v40+s3+$0x0] =	vst.idx.msk $0xffff, v50  }
0x314: {  	v50 =	vadd.s32 v9, v37;
	v40 =	vbroadcast v0, $0x0;
	v0 =	vshll.u32 v48, v4;
	v47 =	vld [tilespmem:s31+$0xFFFFFF40];
	[tilespmem:v41+s3+$0x0] =	vst.idx.msk $0xffff, v51  }
0x315: {  	v51 =	vadd.s32 v15, v39;
	v41 =	vbroadcast v0, $0x0;
	v0 =	vshrl.u32 v56, $0x3;
	v48 =	vld [tilespmem:s31+$0xFFFFFF80];
	[tilespmem:v42+s3+$0x0] =	vst.idx.msk $0xffff, v46  }
0x316: {  	v54 =	vshrl.u32 v57, $0x3;
	v53 =	vadd.s32 v7, v40;
	v0 =	vshll.u32 v0, v4;
	v46 =	vld [tilespmem:s31+$0xFFFFFFC0];
	[tilespmem:v43+s3+$0x0] =	vst.idx.msk $0xffff, v44  }
0x317: {  	v55 =	vadd.s32 v8, v41;
	v42 =	vbroadcast v0, $0x0;
	v0 =	vshll.u32 v54, v4;
	v44 =	vld [tilespmem:s31+$0x0];
	[tilespmem:v45+s3+$0x0] =	vst.idx.msk $0xffff, v2  }
0x318: {  	v43 =	vbroadcast v0, $0x0;
	v2 =	vadd.s32 v24, v1;
	[tilespmem:v52+s3+$0x0] =	vst.idx.msk $0xffff, v49;
	v0 =	vld [tilespmem:s31+$0xD0]  }
0x319: {  	[tilespmem:v50+s3+$0x0] =	vst.idx.msk $0xffff, v47;
	v45 =	vld [tilespmem:s31+$0x40];
	v47 =	vadd.s32 v10, v42  }
0x31a: {  	v49 =	vadd.s32 v12, v43;
	[tilespmem:v51+s3+$0x0] =	vst.idx.msk $0xffff, v48;
	v48 =	vld [tilespmem:s31+$0x80]  }
0x31b: {  	v51 =	vadd.s32 v17, v38;
	v50 =	vld [tilespmem:s31+$0xFFFFFF10];
	[tilespmem:v53+s3+$0x0] =	vst.idx.msk $0xffff, v46  }
0x31c: {  	v52 =	vadd.s32 v32, v37;
	v46 =	vld [tilespmem:s31+$0xFFFFFF50];
	[tilespmem:v55+s3+$0x0] =	vst.idx.msk $0xffff, v44  }
0x31d: {  	v53 =	vadd.s32 v31, v39;
	v44 =	vld [tilespmem:s31+$0xFFFFFF90];
	[tilespmem:v2+s3+$0x0] =	vst.idx.msk $0xffff, v0  }
0x31e: {  	v2 =	vadd.s32 v30, v1;
	[tilespmem:v47+s3+$0x0] =	vst.idx.msk $0xffff, v45;
	v0 =	vld [tilespmem:s31+$0xE0]  }
0x31f: {  	v47 =	vadd.s32 v27, v40;
	v45 =	vld [tilespmem:s31+$0xFFFFFFD0];
	[tilespmem:v49+s3+$0x0] =	vst.idx.msk $0xffff, v48  }
0x320: {  	v55 =	vadd.s32 v22, v41;
	[tilespmem:v51+s3+$0x0] =	vst.idx.msk $0xffff, v50;
	v54 =	vld [tilespmem:s31+$0x10]  }
0x321: {  	v57 =	vadd.s32 v13, v42;
	[tilespmem:v52+s3+$0x0] =	vst.idx.msk $0xffff, v46;
	v56 =	vld [tilespmem:s31+$0x50]  }
.Ltmp11:
0x322: {  	v52 =	vadd.s32 v29, v43;
	[tilespmem:v53+s3+$0x0] =	vst.idx.msk $0xffff, v44;
	v51 =	vld [tilespmem:s31+$0x90];
	(pc) =	sbr.rel @p0 .LBB2_25-.Ltmp11, $4  }
0x323: {  	v53 =	vadd.s32 v33, v38;
	v50 =	vld [tilespmem:s31+$0xFFFFFF20];
	[tilespmem:v2+s3+$0x0] =	vst.idx.msk $0xffff, v0  }
0x324: {  	v48 =	vadd.s32 v26, v1;
	[tilespmem:v47+s3+$0x0] =	vst.idx.msk $0xffff, v45;
	v47 =	vld [tilespmem:s31+$0xF0]  }
0x325: {  	v49 =	vadd.s32 v35, v37;
	v46 =	vld [tilespmem:s31+$0xFFFFFF60];
	[tilespmem:v55+s3+$0x0] =	vst.idx.msk $0xffff, v54  }
0x326: {  	v45 =	vadd.s32 v36, v39;
	v44 =	vld [tilespmem:s31+$0xFFFFFFA0];
	[tilespmem:v57+s3+$0x0] =	vst.idx.msk $0xffff, v56  }
0x327: {  	_ =	sdelay $0x3  }
0x328: {  	v0 =	vld [tilespmem:s31+$0xFFFFFFE0];
	v1 =	vadd.s32 v34, v40;
	[tilespmem:v52+s3+$0x0] =	vst.idx.msk $0xffff, v51  }
0x329: {  	v2 =	vld [tilespmem:s31+$0x20];
	v5 =	vadd.s32 v28, v41;
	[tilespmem:v53+s3+$0x0] =	vst.idx.msk $0xffff, v50  }
0x32a: {  	v6 =	vld [tilespmem:s31+$0x60];
	v7 =	vadd.s32 v19, v42;
	[tilespmem:v48+s3+$0x0] =	vst.idx.msk $0xffff, v47  }
0x32b: {  	v9 =	vadd.s32 v23, v43;
	v8 =	vld [tilespmem:s31+$0xA0];
	[tilespmem:v49+s3+$0x0] =	vst.idx.msk $0xffff, v46  }
0x32c: {  	v12 =	vadd.s32 v14, v38;
	v10 =	vld [tilespmem:s31+$0xFFFFFF30];
	[tilespmem:v45+s3+$0x0] =	vst.idx.msk $0xffff, v44  }
0x32d: {  	v59 =	vadd.s32 v16, v37;
	v13 =	vld [tilespmem:s31+$0xFFFFFF70];
	[tilespmem:v1+s3+$0x0] =	vst.idx.msk $0xffff, v0  }
0x32e: {  	v0 =	vld [tilespmem:s31+$0xFFFFFFB0];
	v1 =	vadd.s32 v18, v39;
	[tilespmem:v5+s3+$0x0] =	vst.idx.msk $0xffff, v2  }
0x32f: {  	v5 =	vadd.s32 v20, v40;
	[tilespmem:v7+s3+$0x0] =	vst.idx.msk $0xffff, v6;
	v2 =	vld [tilespmem:s31+$0xFFFFFFF0]  }
0x330: {  	v7 =	vadd.s32 v25, v41;
	v6 =	vld [tilespmem:s31+$0x30];
	[tilespmem:v9+s3+$0x0] =	vst.idx.msk $0xffff, v8  }
0x331: {  	v61 =	vadd.s32 v11, v42;
	v60 =	vld [tilespmem:s31+$0x70];
	[tilespmem:v12+s3+$0x0] =	vst.idx.msk $0xffff, v10  }
0x332: {  	v63 =	vadd.s32 v21, v43;
	v62 =	vld [tilespmem:s31+$0xB0];
	[tilespmem:v59+s3+$0x0] =	vst.idx.msk $0xffff, v13  }
0x333: {  	[tilespmem:v1+s3+$0x0] =	vst.idx.msk $0xffff, v0  }
0x334: {  	s9 =	sadd.s32 s15, s25;
	[tilespmem:v5+s3+$0x0] =	vst.idx.msk $0xffff, v2  }
0x335: {  	s9 =	sshll.u32 s9, $0x4;
	[tilespmem:v7+s3+$0x0] =	vst.idx.msk $0xffff, v6  }
0x336: {  	s9 =	sand.u32 $0x1FFFFFF0, s9;
	[tilespmem:v61+s3+$0x0] =	vst.idx.msk $0xffff, v60  }
0x337: {  	s19 =	simm.s32 $0x620;
	s17 =	sadd.s32 s1, s9;
	s31 =	simm.s32 $0x16280;
	[tilespmem:v63+s3+$0x0] =	vst.idx.msk $0xffff, v62  }
0x338: {  	[hbm4b:s17+s2] =	stream.linear.scatter [tilespmem:s31], [sflag:$0x6], $0x80, $0x38;
	[tilespmem:$0x1A400] =	vst v63  }
.LBB2_27:
0x339: {  	p0 =	sne.s32 s19, $0x105E0  }
.Ltmp12:
0x33a: {  	_ = 	snop;
	(pc) =	sbr.rel @p0 .LBB2_27-.Ltmp12, $4  }
0x33b: {  	_ = 	snop  }
0x33c: {  	s9 =	sshra.s32 s19, $0x2;
	s19 =	sadd.s32 $0x420, s19  }
0x33d: {  	s17 =	sadd.s32 $0x68A0, s17;
	s9 =	sadd.s32 $0x16200, s9  }
0x33e: {  	[hbm4b:s17+s2] =	stream.linear.scatter [tilespmem:s9], [sflag:$0x6], $0x80, $0x38;
	[tilespmem:$0x1A400] =	vst v63  }
0x33f: {  	s9 =	sadd.s32 $0x3, s15  }
0x340: {  	p0 =	sge.u32 s9, s5  }
0x341: {  	s9 =	sadd.s32 @!p0 s8, s9  }
0x342: {  	s28 =	sadd.s32 $0x1, s28;
	s9 =	sshll.u32 @!p0 s9, $0x9  }
0x343: {  	s15 =	simm.s32 @!p0 $0x80;
	s17 =	simm.s32 @!p0 $0x14200;
	s9 =	sshra.s32 @!p0 s9, $0x2  }
0x344: {  	[tilespmem:s17], [sflag:$0x4] =	stream.indirect.gather @!p0 [hbm4b:s4+s15], $0x40, s9, s15, $0xb8;
	[tilespmem:$0x1A400] =	vst v63  }
0x345: {  	p0 =	sne.s32 s28, s24  }
.Ltmp13:
0x346: {  	_ = 	snop;
	(pc) =	sbr.rel @p0 .LBB2_20-.Ltmp13, $1  }
0x347: {  	_ =	sdelay $0x3  }
0x348: {  	_ =	swait.ge [sflag:s11], $0x2000  }
0x349: {  	[sflag:s11] =	ssyncset.done $0x0  }
0x34a: {  	[sflag:s11] =	ssyncadd.s32 $0xFFFFE000  }
0x34b: {  	_ =	swait.ge [sflag:s12], $0x2000  }
0x34c: {  	s13 =	sadd.s32 $0x1, s13;
	s9 =	rddreg [dreg:$0xf]  }
0x34d: {  	p0 =	sne.s32 s13, s9  }
.Ltmp14:
0x34e: {  	_ = 	snop;
	(pc) =	sbr.rel @p0 .LBB2_1-.Ltmp14, $3  }
0x34f: {  	_ =	sdelay $0x1  }
0x350: {  	[sflag:s12] =	ssyncset.done $0x0;
	v0 =	vld [tilespmem:$0x1FFE0]  }
0x351: {  	s20 =	simm.s32 $0xF300;
	s21 =	simm.s32 $0x10A80;
	v2 =	vimm.s32 $0xFFFFFFFF;
	v1 =	vld [tilespmem:$0x1FFF0];
	[sflag:s12] =	ssyncadd.s32 $0xFFFFE000  }
0x352: {  	_ =	sfence.sel $0x180000  }
0x353: {  	[bflag:$0x0] =	sbarrier.arrive $0xFFFF  }
0x354: {  	_ =	strace $0x90000047  }
0x355: {  	s0 =	stileid.u32;
	[bflag:$0x2] =	sbarrier.arrive $0xFFFF  }
0x356: {  	p0 =	sne.s32 s0, $0x0;
	s0 =	rddreg [dreg:$0x3]  }
0x357: {  	s0 =	sadd.s32 @!p0 $0x100000, s0  }
0x358: {  	[sflag:s0] =	ssyncadd.tile.s32 @!p0 $0x1;
	_ =	shalt  }
.Lfunc_end2:
_tile_overlayer_lowered:
.L_overlay_start_2:
0x359: {  	(tag) =	ssettag $0x2  }
0x35a: {  	s0 =	rddreg [dreg:$0x0];
	s2 =	stileid.u32  }
0x35b: {  	s1 =	rddreg [dreg:$0x1];
	p0 =	sne.s32 s2, $0x0  }
0x35c: {  	s3 =	rddreg [dreg:$0x2];
	[bflag:$0x3] =	sbarrier.arrive $0xFFFF;
	s2 =	simm.s32 @!p0 $0x1C07  }
0x35d: {  	[timem:s3], [sflag:s2] =	dma.local @!p0 [hbm:s0], s1  }
0x35e: {  	s0 =	simm.s32 @!p0 $0x7  }
0x35f: {  	_ =	swait.ge @!p0 [sflag:s0], s1  }
0x360: {  	s1 =	ssub.s32 @!p0 $0x0, s1;
	[sflag:s0] =	ssyncset.done @!p0 $0x0  }
0x361: {  	[sflag:s0] =	ssyncadd.s32 @!p0 s1  }
0x362: {  	[bflag:$0x3] =	sbarrier.arrive $0xFFFF  }
0x363: {  	_ =	shalt  }

// kernel: sparse-core-data-format-call.cloned.1.call-start
scs
called_computation_lowered:
.L_overlay_start_0:
0x0: {  	s2 =	sld [smem:$0x3FD9]  }
0x1: {  	s3 =	sld [smem:$0x3FFE];
	_ =	sdelay $0x1  }
0x2: {  	s1 =	srdreg.scid  }
0x3: {  	s0 =	sand.u32 $0x1, s1  }
0x4: {  	s18 =	sshll.u32 s0, $0xA;
	s2 =	sadd.s32 s3, s2  }
0x5: {  	s2 =	sadd.s32 s2, s18  }
0x6: {  	[smem:$0x3FC6] =	sst s2  }
0x7: {  	_ = 	snop  }
0x8: {  	s2 =	sld [smem:$0x3FD0];
	(tm) =	ssettm $0x1  }
0x9: {  	s19 =	sld [smem:$0x3FFB];
	_ =	sdelay $0x3  }
0xa: {  	_ =	strace s19  }
0xb: {  	s3 =	sld [smem:$0x3FFC];
	_ =	sdelay $0x3  }
0xc: {  	_ =	strace s3  }
0xd: {  	s3 =	sld [smem:$0x3FFD];
	_ =	sdelay $0x3  }
0xe: {  	_ =	strace s3  }
0xf: {  	_ =	strace $0x8FFFFFFF  }
0x10: {  	s20 =	sld [smem:$0x3FDB];
	_ =	sdelay $0x1  }
0x11: {  	s4 =	simm.s32 $_scs_section_size  }
0x12: {  	s5 =	simm.s32 $_size__tile_overlayer_lowered;
	s6 =	simm.s32 $_tile_overlayer_lowered  }
0x13: {  	s23 =	simm.s32 $0x1BFF;
	s22 =	sshll.u32 s6, $0x1;
	s3 =	sadd.s32 s4, s20  }
0x14: {  	s7 =	simm.s32 $0x0;
	s21 =	sshll.u32 s5, $0x1;
	s5 =	sadd.s32 s22, s3  }
0x15: {  	[timem:s7], [sflag:s23] =	dma.local [hbm:s5], s21  }
0x16: {  	_ =	swait.ge [sflag:s23], s21  }
0x17: {  	s4 =	ssub.s32 $0x0, s21;
	[sflag:s23] =	ssyncset.done $0x0  }
0x18: {  	[sflag:s23] =	ssyncadd.s32 s4;
	_ =	sdelay $0x1  }
0x19: {  	s24 =	simm.s32 $0x1B8B  }
0x1a: {  	_ =	swait.ge [sflag:s24], $0x1  }
0x1b: {  	[sflag:s24] =	ssyncset.done $0x0  }
0x1c: {  	s26 =	simm.s32 $0x1B8E;
	s25 =	sld [smem:$0x3FFE];
	[sflag:s24] =	ssyncadd.s32 $0xFFFFFFFF  }
0x1d: {  	s27 =	simm.s32 $execute0_lowered;
	[smem:$0x3FD2] =	sst s26  }
0x1e: {  	s5 =	sshll.u32 s27, $0x1;
	_ =	strace $0x80000049;
	[dreg:$0x1] =	wrdreg $0xFFFFFFFF  }
0x1f: {  	s28 =	simm.s32 $_size_execute0_lowered;
	s3 =	sadd.s32 s3, s5;
	[dreg:$0x0] =	wrdreg $0x0  }
0x20: {  	s5 =	sshll.u32 s28, $0x1;
	[dreg:$0x2] =	wrdreg s3  }
0x21: {  	[dreg:$0x3] =	wrdreg s5  }
0x22: {  	[dreg:$0x4] =	wrdreg $0xC0  }
0x23: {  	_ =	task [dreg:s7], $0x5FFFF  }
0x24: {  	[dreg:$0x1] =	wrdreg $0xFFFFFFFF  }
0x25: {  	[dreg:$0x0] =	wrdreg $0x60  }
0x26: {  	[dreg:$0x2] =	wrdreg s25  }
0x27: {  	[dreg:$0x3] =	wrdreg s2  }
0x28: {  	[dreg:$0x4] =	wrdreg $0x9  }
0x29: {  	_ =	task.clear_ibuf [dreg:s7], $0x5FFFF;
	_ =	strace $0x90000049  }
0x2a: {  	s29 =	simm.s32 $0x9;
	_ =	strace $0x8000004B  }
0x2b: {  	_ =	swait.ge [sflag:s29], $0x1  }
0x2c: {  	[sflag:s29] =	ssyncadd.s32 $0xFFFFFFFF  }
0x2d: {  	_ =	strace $0x9000004B  }
0x2e: {  	_ =	sfence  }
0x2f: {  	s30 =	sld [smem:$0x0];
	_ =	sdelay $0x2  }
0x30: {  	s31 =	sshll.u32 s1, $0xD;
	s1 =	sshrl.u32 s1, $0x2  }
0x31: {  	s3 =	sand.u32 $0x4000, s31;
	s1 =	sadd.s32 s1, s30  }
0x32: {  	s0 =	sor.u32 s3, s0;
	s1 =	sshll.u32 s1, $0x11  }
0x33: {  	s0 =	sor.u32 s1, s0  }
0x34: {  	s0 =	sadd.s32 $0x8F2B, s0  }
0x35: {  	[sflag:s0] =	ssyncadd.remote.s32 $0x1  }
0x36: {  	_ =	sfence.sel $0xFFFF  }
0x37: {  	[dreg:$0x0] =	wrdreg $0xFFFFFFFF;
	(pc) =	sbr.abs _section_cstart, $3  }
0x38: {  	[dreg:$0x1] =	wrdreg $0xFFFFFFFF  }
0x39: {  	_ =	task.clear_ibuf [dreg:s7], $0x2FFFF;
	_ =	strace $0x9FFFFFFF  }
0x3a: {  	(tm) =	ssettm $0x7FFFFFFF  }
0x3b: {  	_ =	shalt  }
tec
execute0_lowered:
.L_overlay_start_1:
0x0: {  	(tag) =	ssettag $0x1  }
0x1: {  	s0 =	rddreg [dreg:$0x0]  }
0x2: {  	_ =	strace $0x8000004A;
	s30 =	srdreg.scid;
	s2 =	stileid.u32  }
0x3: {  	s1 =	simm.s32 $0x1;
	s31 =	simm.s32 $0x2;
	s16 =	simm.s32 $0x0  }
0x4: {  	s17 =	simm.s32 $0x0;
	s18 =	simm.s32 $0x0;
	s9 =	simm.s32 $0x0  }
.Ltmp0:
0x5: {  	s11 =	simm.s32 $0x0;
	s13 =	simm.s32 $0x0;
	(pc) =	sbr.rel .LBB1_1-.Ltmp0, $4  }
0x6: {  	s12 =	simm.s32 $0x0;
	s7 =	sadd.s32 $0x600, s0;
	s0 =	sshll.u32 s30, $0x4  }
0x7: {  	s14 =	simm.s32 $0x0;
	s10 =	simm.s32 $0x0;
	s0 =	sand.u32 $0x10, s0  }
0x8: {  	[sflag:s1] =	ssyncpa.u1 $0x0;
	[dreg:$0x3] =	wrdreg s7;
	s8 =	sor.u32 s2, s0  }
0x9: {  	[sflag:s31] =	ssyncpa.u1 $0x0;
	s15 =	smov.u32 s8;
	[dreg:$0x4] =	wrdreg s8  }
.LBB1_14:
0xa: {  	s9 =	rddreg [dreg:$0x5]  }
0xb: {  	s11 =	rddreg [dreg:$0x7]  }
0xc: {  	s4 =	rddreg [dreg:$0x10]  }
0xd: {  	s5 =	rddreg [dreg:$0x11]  }
0xe: {  	s6 =	rddreg [dreg:$0xf]  }
0xf: {  	s13 =	rddreg [dreg:$0x9]  }
0x10: {  	s27 =	rddreg [dreg:$0x1]  }
0x11: {  	s7 =	rddreg [dreg:$0x3]  }
0x12: {  	s8 =	rddreg [dreg:$0x4]  }
0x13: {  	s10 =	rddreg [dreg:$0x6]  }
0x14: {  	s12 =	rddreg [dreg:$0x8]  }
0x15: {  	s14 =	rddreg [dreg:$0xa]  }
0x16: {  	s15 =	rddreg [dreg:$0xb]  }
0x17: {  	s16 =	rddreg [dreg:$0xc]  }
0x18: {  	s17 =	rddreg [dreg:$0xd]  }
0x19: {  	s31 =	simm.s32 $0x1000;
	s18 =	rddreg [dreg:$0xe];
	s0 =	sshll.u32 s9, $0x9  }
0x1a: {  	s1 =	sshll.u32 s11, $0x3;
	s2 =	sshll.u32 s9, $0x7;
	p0 =	sgt.s32 s11, $0x180  }
0x1b: {  	s3 =	smov.u32 s11;
	s25 =	sand.u32 $0x78, s11;
	s26 =	smul.u32 $0x6C00, s13  }
0x1c: {  	s0 =	sand.u32 $0xFFFFF000, s0;
	s1 =	sand.u32 $0xFFFFFC00, s1;
	s21 =	sand.u32 $0x200, s2  }
0x1d: {  	s3 =	simm.s32 @!p0 $0x180;
	p0 =	sgt.s32 s9, $0x130;
	s2 =	sand.u32 $0x180, s2  }
0x1e: {  	s0 =	sadd.s32 s1, s0;
	s1 =	smov.u32 s9;
	s3 =	sadd.s32 s4, s3  }
0x1f: {  	s0 =	sor.u32 s21, s0;
	s1 =	simm.s32 @!p0 $0x130;
	s23 =	sadd.s32 $0xFFFFFE80, s3  }
0x20: {  	s3 =	ssub.s32 $0x200, s3;
	s0 =	sshrl.u32 s0, $0x9;
	p0 =	sgt.s32 s23, $0x7F  }
0x21: {  	s1 =	sadd.s32 s5, s1;
	s22 =	smulhi.u32 $0x97B426, s0;
	s3 =	simm.s32 @p0 $0x0  }
0x22: {  	s2 =	sor.u32 s25, s2;
	s24 =	sadd.s32 $0xFFFFFED0, s1;
	s3 =	smul.u32 s6, s3  }
0x23: {  	s1 =	ssub.s32 $0x1B0, s1;
	p0 =	sgt.s32 s24, $0x7F;
	s4 =	smul.u32 $0x1B0, s22  }
0x24: {  	s28 =	sand.u32 $0x7, s11;
	s2 =	sshrl.u32 s2, $0x3;
	s1 =	simm.s32 @p0 $0x0  }
0x25: {  	s1 =	smul.u32 s1, s3;
	s3 =	sadd.s32 s27, s26;
	s0 =	ssub.s32 s0, s4  }
0x26: {  	s29 =	sshll.u32 s28, $0x12;
	s2 =	sadd.s32 s2, s3;
	s0 =	sshll.u32 s0, $0x6  }
0x27: {  	s30 =	sor.u32 $0x400, s29;
	s1 =	sand.u32 $0x3FFFFFFF, s1;
	s0 =	sadd.s32 s0, s2  }
0x28: {  	[hbm4b:s0+s30] =	stream.strided.scatter [tilespmem:s20], [sflag:$0x2], s1, s31, s30, $0x20;
	[tilespmem:$0x10100] =	vst v63  }
.LBB1_15:
0x29: {  	p0 =	slt.u32 s10, $0x2  }
0x2a: {  	p1 =	sgt.s32 @!p0 s18, $0x3F  }
0x2b: {  	s0 =	smov.u32 s18;
	s1 =	sshra.s32 @!p0 s18, $0x1F;
	p1 =	por !p1, p0  }
0x2c: {  	s1 =	sand.u32 @!p0 s1, s18;
	s0 =	simm.s32 @p1 $0x3F  }
0x2d: {  	s3 =	smov.u32 s16;
	s0 =	ssub.s32 @!p0 s0, s1  }
0x2e: {  	p2 =	sgt.s32 @!p0 s17, $0x180;
	s2 =	sshra.s32 @!p0 s17, $0x1F;
	s1 =	sadd.s32 @!p0 $0xFFFFFFC1, s0  }
0x2f: {  	p2 =	por !p2, p0;
	p1 =	sgt.s32 @!p0 s1, $0x0;
	s1 =	smov.u32 s17  }
0x30: {  	s2 =	sand.u32 @!p0 s2, s17;
	s1 =	simm.s32 @p2 $0x180;
	p2 =	sgt.s32 @!p0 s16, $0x130  }
0x31: {  	s0 =	ssub.s32 @!p0 $0x40, s0;
	p1 =	por !p1, p0;
	p2 =	por !p2, p0  }
0x32: {  	s1 =	ssub.s32 @!p0 s1, s2;
	s2 =	sshra.s32 @!p0 s16, $0x1F;
	s0 =	simm.s32 @!p1 $0x0  }
0x33: {  	s3 =	simm.s32 @p2 $0x130;
	s2 =	sand.u32 @!p0 s2, s16;
	s4 =	sadd.s32 @!p0 $0xFFFFFE80, s1  }
0x34: {  	s1 =	ssub.s32 @!p0 $0x200, s1;
	s2 =	ssub.s32 @!p0 s3, s2;
	p1 =	sgt.s32 @!p0 s4, $0x7F  }
0x35: {  	s4 =	smov.u32 s14;
	s3 =	sadd.s32 @!p0 $0xFFFFFED0, s2;
	p1 =	por !p1, p0  }
0x36: {  	s2 =	ssub.s32 @!p0 $0x1B0, s2;
	p2 =	sgt.s32 @!p0 s3, $0x7F;
	s1 =	simm.s32 @!p1 $0x0  }
0x37: {  	p1 =	por !p2, p0;
	s0 =	smul.u32 @!p0 s0, s1;
	s1 =	sadd.s32 $0x80, s12  }
0x38: {  	s3 =	sadd.s32 $0x80, s14;
	s2 =	simm.s32 @!p1 $0x0;
	p1 =	sgt.s32 s1, $0x1AF  }
0x39: {  	s0 =	smul.u32 @!p0 s2, s0;
	s4 =	smov.u32 @p1 s3  }
0x3a: {  	s2 =	sadd.s32 $0x20, s15;
	s3 =	smov.u32 s15;
	p2 =	sgt.s32 s4, $0x1EF  }
0x3b: {  	s10 =	sadd.s32 $0x1, s10;
	s3 =	smov.u32 @p2 s2  }
0x3c: {  	s18 =	smov.u32 s13;
	s1 =	simm.s32 @p1 $0x0;
	p1 =	sgt.s32 s3, $0x3F  }
0x3d: {  	s13 =	smov.u32 s15;
	s3 =	smov.u32 @p1 s8;
	p1 =	sne.s32 s10, $0x22  }
.Ltmp1:
0x3e: {  	s17 =	smov.u32 s11;
	s11 =	smov.u32 s14;
	(pc) =	sbr.rel @!p1 .LBB1_16-.Ltmp1, $4  }
0x3f: {  	s16 =	smov.u32 s9;
	s0 =	sand.u32 @!p0 $0x3FFFFFFF, s0;
	s2 =	simm.s32 @!p0 $0x2  }
0x40: {  	s9 =	smov.u32 s12;
	s12 =	smov.u32 s1;
	_ =	swait.ge @!p0 [sflag:s2], s0  }
0x41: {  	s4 =	simm.s32 @p2 $0x0;
	s0 =	ssub.s32 @!p0 $0x0, s0;
	[sflag:s2] =	ssyncset.done @!p0 $0x0  }
0x42: {  	s14 =	smov.u32 s4;
	[sflag:s2] =	ssyncadd.s32 @!p0 s0;
	s15 =	smov.u32 s3  }
.LBB1_1:
0x43: {  	p0 =	sgt.u32 s10, $0x1F  }
0x44: {  	s2 =	smov.u32 s15;
	s0 =	sshll.u32 @!p0 s14, $0x9;
	s1 =	sshll.u32 @!p0 s12, $0x3  }
0x45: {  	p1 =	sgt.s32 @!p0 s15, $0x3F;
	s3 =	sshra.s32 @!p0 s15, $0x1F;
	s4 =	sshll.u32 @!p0 s14, $0x7  }
0x46: {  	p2 =	sgt.s32 @!p0 s14, $0x170;
	s5 =	sshra.s32 @!p0 s12, $0x1F;
	s0 =	sand.u32 @!p0 $0xFFFFF000, s0  }
0x47: {  	s1 =	sand.u32 @!p0 $0xFFFFFC00, s1;
	p1 =	por !p1, p0;
	s3 =	sand.u32 @!p0 s3, s15  }
0x48: {  	p2 =	por !p2, p0;
	s5 =	sand.u32 @!p0 s5, s12;
	s2 =	simm.s32 @p1 $0x3F  }
0x49: {  	s0 =	sadd.s32 @!p0 s0, s1;
	s1 =	sand.u32 @!p0 $0x200, s4;
	s2 =	ssub.s32 @!p0 s2, s3  }
0x4a: {  	s0 =	sor.u32 @!p0 s1, s0;
	s3 =	sshra.s32 @!p0 s14, $0x1F;
	s1 =	sadd.s32 @!p0 $0xFFFFFFC1, s2  }
0x4b: {  	p1 =	sgt.s32 @!p0 s1, $0x0;
	s1 =	ssub.s32 @!p0 $0x40, s2;
	s2 =	smov.u32 s14  }
0x4c: {  	s3 =	sand.u32 @!p0 s3, s14;
	s2 =	simm.s32 @p2 $0x170;
	p2 =	sgt.s32 @!p0 s12, $0x180  }
0x4d: {  	s2 =	ssub.s32 @!p0 s2, s3;
	p2 =	por !p2, p0;
	s3 =	smov.u32 s12  }
0x4e: {  	p1 =	por !p1, p0;
	s6 =	sadd.s32 @!p0 $0xFFFFFE90, s2;
	s3 =	simm.s32 @p2 $0x180  }
0x4f: {  	s1 =	simm.s32 @!p1 $0x0;
	p2 =	sgt.s32 @!p0 s6, $0x7F;
	s3 =	ssub.s32 @!p0 s3, s5  }
0x50: {  	s2 =	ssub.s32 @!p0 $0x1F0, s2;
	p1 =	por !p2, p0;
	s5 =	sadd.s32 @!p0 $0xFFFFFE80, s3  }
0x51: {  	s0 =	sshrl.u32 @!p0 s0, $0x9;
	s2 =	simm.s32 @!p1 $0x0;
	p1 =	sgt.s32 @!p0 s5, $0x7F  }
0x52: {  	s1 =	smul.u32 @!p0 s1, s2;
	s2 =	ssub.s32 @!p0 $0x200, s3;
	p1 =	por !p1, p0  }
0x53: {  	s3 =	smulhi.u32 @!p0 $0x842109, s0;
	s2 =	simm.s32 @!p1 $0x0  }
0x54: {  	s4 =	sand.u32 @!p0 $0x180, s4;
	s1 =	smul.u32 @!p0 s2, s1  }
0x55: {  	s5 =	sxor.u32 @!p0 $0xFFFFFFFF, s10;
	s2 =	sand.u32 @!p0 $0x78, s12;
	s3 =	smul.u32 @!p0 $0x1F0, s3  }
0x56: {  	s5 =	sshll.u32 @!p0 s5, $0xE;
	s2 =	sor.u32 @!p0 s2, s4;
	s4 =	smul.u32 @!p0 $0x7C00, s15  }
0x57: {  	s5 =	sand.u32 @!p0 $0x4000, s5;
	s0 =	ssub.s32 @!p0 s0, s3;
	s1 =	sand.u32 @!p0 $0x3FFFFFFF, s1  }
0x58: {  	s2 =	sshrl.u32 @!p0 s2, $0x3;
	s3 =	sadd.s32 @!p0 s7, s4;
	s4 =	sand.u32 @!p0 $0x7, s12  }
0x59: {  	s0 =	sshll.u32 @!p0 s0, $0x6;
	s2 =	sadd.s32 @!p0 s2, s3;
	s3 =	sshll.u32 @!p0 s4, $0x12  }
0x5a: {  	s0 =	sadd.s32 @!p0 s0, s2;
	s2 =	sor.u32 @!p0 $0x400, s3;
	s3 =	simm.s32 @!p0 $0x1000  }
0x5b: {  	[tilespmem:s5], [sflag:$0x1] =	stream.strided.gather @!p0 [hbm4b:s0+s2], s1, s3, s2, $0x38;
	[tilespmem:$0x10100] =	vst v63  }
0x5c: {  	p0 =	seq.s32 s10, $0x0  }
0x5d: {  	p1 =	seq.s32 @!p0 s10, $0x21  }
0x5e: {  	p0 =	por p0, p1  }
.Ltmp2:
0x5f: {  	_ = 	snop;
	(pc) =	sbr.rel @p0 .LBB1_15-.Ltmp2, $1  }
0x60: {  	_ =	sdelay $0x3  }
0x61: {  	[dreg:$0xe] =	wrdreg s18  }
0x62: {  	[dreg:$0xd] =	wrdreg s17  }
0x63: {  	[dreg:$0xc] =	wrdreg s16  }
0x64: {  	[dreg:$0xb] =	wrdreg s15  }
0x65: {  	[dreg:$0xa] =	wrdreg s14  }
0x66: {  	[dreg:$0x8] =	wrdreg s12;
	p0 =	sgt.s32 s13, $0x3F  }
0x67: {  	s0 =	smov.u32 s13;
	s1 =	sshra.s32 s13, $0x1F;
	s24 =	ssub.s32 $0x0, s11  }
0x68: {  	s2 =	sshra.s32 s11, $0x1F;
	s3 =	smov.u32 s11;
	s26 =	ssub.s32 $0x0, s9  }
0x69: {  	s27 =	sshra.s32 s9, $0x1F;
	p1 =	sgt.s32 s9, $0x180;
	[dreg:$0x5] =	wrdreg s9  }
0x6a: {  	[dreg:$0x6] =	wrdreg s10;
	s0 =	simm.s32 @!p0 $0x3F;
	s1 =	sand.u32 s1, s13  }
0x6b: {  	p0 =	sgt.s32 s11, $0x170;
	s0 =	ssub.s32 s0, s1;
	s1 =	sand.u32 s24, s2  }
0x6c: {  	s3 =	simm.s32 @!p0 $0x170;
	s2 =	sadd.s32 $0x1, s13;
	s4 =	sadd.s32 $0xFFFFFFC1, s0  }
0x6d: {  	s5 =	ssub.s32 $0x40, s0;
	s25 =	sadd.s32 s1, s3;
	s3 =	smov.u32 s9  }
0x6e: {  	[dreg:$0x10] =	wrdreg s1;
	s1 =	sand.u32 s26, s27;
	s3 =	simm.s32 @!p1 $0x180  }
0x6f: {  	p0 =	sgt.s32 s4, $0x0;
	[dreg:$0x11] =	wrdreg s1;
	s1 =	sadd.s32 s1, s3  }
0x70: {  	s28 =	sadd.s32 $0xFFFFFE90, s25;
	s0 =	ssub.s32 $0x1F0, s25;
	s29 =	sadd.s32 $0xFFFFFE80, s1  }
0x71: {  	s5 =	simm.s32 @p0 $0x0;
	s1 =	ssub.s32 $0x200, s1;
	p0 =	sgt.s32 s29, $0x7F  }
0x72: {  	s3 =	sadd.s32 $0x80, s11;
	s1 =	simm.s32 @p0 $0x0;
	p0 =	slt.s32 s2, $0x40  }
0x73: {  	p1 =	sgt.s32 s28, $0x7F;
	s2 =	simm.s32 @!p0 $0x40;
	p0 =	slt.s32 s3, $0x1F0  }
0x74: {  	s0 =	simm.s32 @p1 $0x0;
	s21 =	ssub.s32 s2, s13;
	s3 =	simm.s32 @!p0 $0x1F0  }
0x75: {  	s0 =	smul.u32 s5, s0;
	s22 =	ssub.s32 s3, s11;
	p0 =	slt.s32 s21, $0x1  }
0x76: {  	[dreg:$0x9] =	wrdreg s13;
	p1 =	slt.s32 @!p0 s22, $0x1  }
0x77: {  	[dreg:$0x7] =	wrdreg s11;
	s1 =	smul.u32 s1, s0;
	p0 =	por p0, p1  }
.Ltmp3:
0x78: {  	s31 =	simm.s32 $0x1;
	s0 =	sand.u32 $0x1, s10;
	(pc) =	sbr.rel @p0 .LBB1_14-.Ltmp3, $4  }
0x79: {  	[dreg:$0xf] =	wrdreg s5;
	s30 =	smul.u32 $0x10200, s0;
	s1 =	sand.u32 $0x3FFFFFFF, s1  }
0x7a: {  	_ =	swait.ge [sflag:s31], s1  }
0x7b: {  	s1 =	ssub.s32 $0x0, s1;
	s2 =	sshrl.u32 s30, $0x2;
	[sflag:s31] =	ssyncset.done $0x0  }
0x7c: {  	s20 =	sor.u32 $0x8000, s2;
	[sflag:s31] =	ssyncadd.s32 s1  }
0x7d: {  	s2 =	rddreg [dreg:$0x5]  }
0x7e: {  	s1 =	sadd.s32 $0x80, s2  }
0x7f: {  	p0 =	slt.s32 s1, $0x1B0  }
.Ltmp4:
0x80: {  	s1 =	simm.s32 @!p0 $0x1B0;
	(pc) =	sbr.rel .LBB1_4-.Ltmp4, $4  }
0x81: {  	s1 =	ssub.s32 s1, s2  }
0x82: {  	s25 =	sshll.u32 s0, $0xE;
	s27 =	simm.s32 $0x0;
	s1 =	sadd.s32 $0xF, s1  }
0x83: {  	s23 =	sand.u32 $0xFFFFFFF0, s1;
	s31 =	sshll.u32 s1, $0x3;
	s24 =	sand.u32 $0xFFFFFF00, s1  }
0x84: {  	p0 =	slt.s32 s1, $0x100;
	s26 =	sand.u32 $0xFFFFF800, s31;
	p1 =	sge.s32 s24, s23  }
.LBB1_13:
0x85: {  	s27 =	sadd.s32 $0x1, s27  }
0x86: {  	p2 =	sne.s32 s27, s21  }
.Ltmp5:
0x87: {  	_ = 	snop;
	(pc) =	sbr.rel @!p2 .LBB1_14-.Ltmp5, $1  }
0x88: {  	_ =	sdelay $0x3  }
.LBB1_4:
.Ltmp6:
0x89: {  	(pc) =	sbr.rel .LBB1_5-.Ltmp6, $4  }
0x8a: {  	s1 =	smul.u32 $0x10200, s27  }
0x8b: {  	s0 =	sshll.u32 s27, $0x10  }
0x8c: {  	s30 =	simm.s32 $0x400;
	s0 =	sshra.s32 s0, $0x2;
	s19 =	sshra.s32 s1, $0x2  }
0x8d: {  	s31 =	simm.s32 $0x0;
	s28 =	sadd.s32 s0, s25;
	s29 =	sadd.s32 s19, s20  }
.LBB1_12:
0x8e: {  	s31 =	sadd.s32 $0x1, s31  }
0x8f: {  	p2 =	sne.s32 s31, s22  }
.Ltmp7:
0x90: {  	_ = 	snop;
	(pc) =	sbr.rel @!p2 .LBB1_13-.Ltmp7, $2  }
0x91: {  	_ =	sdelay $0x2  }
0x92: {  	s30 =	sadd.s32 $0x80, s30  }
.LBB1_5:
.Ltmp8:
0x93: {  	(pc) =	sbr.rel @p0 .LBB1_9-.Ltmp8, $2  }
0x94: {  	_ =	sdelay $0x2  }
0x95: {  	s0 =	sshll.u32 s31, $0x7;
	s1 =	sand.u32 $0x7F, s31  }
0x96: {  	s9 =	sshll.u32 s31, $0x3;
	s5 =	sand.u32 $0x380, s0  }
0x97: {  	s7 =	sshrl.u32 s9, $0x7;
	s2 =	sadd.s32 $0x800, s9;
	s6 =	sadd.s32 $0x1000, s9  }
0x98: {  	s13 =	sadd.s32 s5, s28;
	s14 =	sadd.s32 $0x1800, s9;
	s18 =	sadd.s32 $0x2800, s9  }
0x99: {  	s3 =	sand.u32 $0x78, s7;
	s2 =	sshrl.u32 s2, $0x7;
	s12 =	sshrl.u32 s6, $0x7  }
0x9a: {  	s11 =	sshrl.u32 s14, $0x7;
	s4 =	smul.u32 $0x204, s3;
	s2 =	sand.u32 $0x78, s2  }
0x9b: {  	s14 =	sadd.s32 $0x20, s7;
	s5 =	sand.u32 $0x78, s12;
	s2 =	smul.u32 $0x204, s2  }
0x9c: {  	v0 =	vmov s13;
	s13 =	sand.u32 $0x3C00, s30;
	s15 =	sand.u32 $0x78, s11;
	s5 =	smul.u32 $0x204, s5  }
0x9d: {  	s12 =	sadd.s32 $0x3000, s9;
	s9 =	sadd.s32 $0x3800, s9;
	s16 =	smul.u32 $0x204, s15  }
0x9e: {  	s8 =	sshrl.u32 s12, $0x7;
	s9 =	sshrl.u32 s9, $0x7;
	s12 =	sadd.s32 $0x10, s7  }
0x9f: {  	s15 =	sand.u32 $0x78, s14;
	s14 =	sadd.s32 $0x60, s7;
	s4 =	sshrl.u32 s4, $0x2  }
0xa0: {  	s9 =	sand.u32 $0x78, s9;
	s14 =	sand.u32 $0x78, s14;
	s4 =	sadd.s32 s4, s29  }
0xa1: {  	s2 =	sshrl.u32 s2, $0x2;
	s5 =	sshrl.u32 s5, $0x2;
	s9 =	smul.u32 $0x204, s9  }
0xa2: {  	s10 =	sadd.s32 s2, s29;
	s2 =	sadd.s32 s1, s4;
	s17 =	sadd.s32 s5, s29  }
0xa3: {  	s5 =	sshrl.u32 s18, $0x7;
	s6 =	sadd.s32 s1, s10;
	s4 =	sadd.s32 s1, s17  }
0xa4: {  	s10 =	sshrl.u32 s16, $0x2;
	s5 =	sand.u32 $0x78, s5;
	s9 =	sshrl.u32 s9, $0x2  }
0xa5: {  	s16 =	sadd.s32 $0x30, s7;
	s10 =	sadd.s32 s10, s29;
	s19 =	smul.u32 $0x204, s5  }
0xa6: {  	s9 =	sadd.s32 s9, s29;
	s5 =	sadd.s32 s1, s10;
	s10 =	sand.u32 $0x78, s8  }
0xa7: {  	s8 =	sadd.s32 $0x50, s7;
	s7 =	sadd.s32 $0x70, s7;
	s11 =	sshrl.u32 s19, $0x2  }
0xa8: {  	s10 =	smul.u32 $0x204, s10;
	s7 =	sand.u32 $0x78, s7;
	s11 =	sadd.s32 s11, s29  }
0xa9: {  	s7 =	smul.u32 $0x204, s7;
	s18 =	sadd.s32 s1, s11;
	s11 =	sand.u32 $0x78, s12  }
0xaa: {  	s10 =	sshrl.u32 s10, $0x2;
	s12 =	sand.u32 $0x78, s8;
	s11 =	smul.u32 $0x204, s11  }
0xab: {  	s17 =	sadd.s32 s1, s9;
	s10 =	sadd.s32 s10, s29;
	s12 =	smul.u32 $0x204, s12  }
0xac: {  	s19 =	sadd.s32 s1, s10;
	s10 =	smul.u32 $0x204, s15;
	s11 =	sshrl.u32 s11, $0x2  }
0xad: {  	s9 =	sadd.s32 s11, s29;
	s11 =	sand.u32 $0x78, s16;
	s16 =	smul.u32 $0x204, s14  }
0xae: {  	v1 =	vld.idx.msk [tilespmem:v0+s13+$0x0 ss:$0x1], $0xffff;
	s11 =	smul.u32 $0x204, s11  }
0xaf: {  	s7 =	sshrl.u32 s7, $0x2;
	s12 =	sshrl.u32 s12, $0x2;
	s10 =	sshrl.u32 s10, $0x2  }
0xb0: {  	s10 =	sadd.s32 s10, s29;
	s16 =	sshrl.u32 s16, $0x2;
	s11 =	sshrl.u32 s11, $0x2  }
0xb1: {  	s14 =	sadd.s32 s1, s10;
	s10 =	sadd.s32 s16, s29;
	s15 =	sadd.s32 s11, s29  }
0xb2: {  	s11 =	sadd.s32 s1, s9;
	s9 =	sadd.s32 s12, s29;
	s12 =	sadd.s32 $0xFFFFFC00, s30  }
0xb3: {  	[tilespmem:s2+$0x0 ss:$0x81] =	vst.msk $0xffff, v1;
	v1 =	vld.idx.msk [tilespmem:v0+s13+$0x20 ss:$0x1], $0xffff;
	s8 =	sadd.s32 s7, s29;
	s7 =	sadd.s32 s1, s10;
	s10 =	sand.u32 $0x3C00, s12  }
0xb4: {  	v2 =	vld.idx.msk [tilespmem:v0+s10+$0x70 ss:$0x1], $0xffff  }
0xb5: {  	v3 =	vld.idx.msk [tilespmem:v0+s10+$0x0 ss:$0x1], $0xffff  }
0xb6: {  	v4 =	vld.idx.msk [tilespmem:v0+s10+$0x10 ss:$0x1], $0xffff  }
0xb7: {  	v5 =	vld.idx.msk [tilespmem:v0+s10+$0x20 ss:$0x1], $0xffff  }
0xb8: {  	s3 =	sxor.u32 $0x40, s3;
	v6 =	vld.idx.msk [tilespmem:v0+s10+$0x30 ss:$0x1], $0xffff  }
0xb9: {  	s3 =	smul.u32 $0x204, s3;
	v7 =	vld.idx.msk [tilespmem:v0+s10+$0x40 ss:$0x1], $0xffff;
	[tilespmem:s17+$0x0 ss:$0x81] =	vst.msk $0xffff, v2  }
0xba: {  	v8 =	vld.idx.msk [tilespmem:v0+s10+$0x50 ss:$0x1], $0xffff;
	[tilespmem:s2+$0x0 ss:$0x81] =	vst.msk $0xffff, v3  }
0xbb: {  	p2 =	sgt.s32 s24, $0x100;
	s3 =	sshrl.u32 s3, $0x2;
	v9 =	vld.idx.msk [tilespmem:v0+s10+$0x60 ss:$0x1], $0xffff;
	[tilespmem:s6+$0x0 ss:$0x81] =	vst.msk $0xffff, v4  }
.Ltmp9:
0xbc: {  	s3 =	sadd.s32 s3, s29;
	v4 =	vld.idx.msk [tilespmem:v0+s13+$0x10 ss:$0x1], $0xffff;
	[tilespmem:s4+$0x0 ss:$0x81] =	vst.msk $0xffff, v5;
	(pc) =	sbr.rel @!p2 .LBB1_8-.Ltmp9, $4  }
0xbd: {  	s3 =	sadd.s32 s1, s3;
	[tilespmem:s5+$0x0 ss:$0x81] =	vst.msk $0xffff, v6;
	v2 =	vld.idx.msk [tilespmem:v0+s13+$0x30 ss:$0x1], $0xffff  }
0xbe: {  	[tilespmem:s3+$0x0 ss:$0x81] =	vst.msk $0xffff, v7;
	v3 =	vld.idx.msk [tilespmem:v0+s13+$0x40 ss:$0x1], $0xffff  }
0xbf: {  	s15 =	sadd.s32 s1, s15;
	s16 =	sadd.s32 s1, s9;
	[tilespmem:s18+$0x0 ss:$0x81] =	vst.msk $0xffff, v8;
	v5 =	vld.idx.msk [tilespmem:v0+s13+$0x50 ss:$0x1], $0xffff  }
0xc0: {  	s9 =	sadd.s32 s1, s8;
	s12 =	sadd.s32 $0x800, s30;
	s10 =	simm.s32 $0x100;
	[tilespmem:s19+$0x0 ss:$0x81] =	vst.msk $0xffff, v9;
	v6 =	vld.idx.msk [tilespmem:v0+s13+$0x60 ss:$0x1], $0xffff  }
.LBB1_7:
0xc1: {  	s8 =	sadd.s32 $0xFFFFFC00, s12;
	s10 =	sadd.s32 $0x100, s10;
	[tilespmem:s11+$0x0 ss:$0x81] =	vst.msk $0xffff, v4;
	v4 =	vld.idx.msk [tilespmem:v0+s13+$0x70 ss:$0x1], $0xffff;
	s13 =	sand.u32 $0x3C00, s12  }
0xc2: {  	s8 =	sand.u32 $0x3C00, s8;
	v7 =	vld.idx.msk [tilespmem:v0+s13+$0x0 ss:$0x1], $0xffff;
	p2 =	slt.s32 s10, s24;
	[tilespmem:s14+$0x0 ss:$0x81] =	vst.msk $0xffff, v1  }
0xc3: {  	v1 =	vld.idx.msk [tilespmem:v0+s8+$0x70 ss:$0x1], $0xffff;
	[tilespmem:s15+$0x0 ss:$0x81] =	vst.msk $0xffff, v2  }
0xc4: {  	v2 =	vld.idx.msk [tilespmem:v0+s8+$0x0 ss:$0x1], $0xffff;
	[tilespmem:s3+$0x0 ss:$0x81] =	vst.msk $0xffff, v3  }
0xc5: {  	v3 =	vld.idx.msk [tilespmem:v0+s8+$0x10 ss:$0x1], $0xffff;
	[tilespmem:s16+$0x0 ss:$0x81] =	vst.msk $0xffff, v5  }
0xc6: {  	v5 =	vld.idx.msk [tilespmem:v0+s8+$0x20 ss:$0x1], $0xffff;
	[tilespmem:s7+$0x0 ss:$0x81] =	vst.msk $0xffff, v6  }
0xc7: {  	v6 =	vld.idx.msk [tilespmem:v0+s8+$0x30 ss:$0x1], $0xffff;
	[tilespmem:s9+$0x0 ss:$0x81] =	vst.msk $0xffff, v4  }
0xc8: {  	v8 =	vld.idx.msk [tilespmem:v0+s8+$0x40 ss:$0x1], $0xffff;
	[tilespmem:s2+$0x0 ss:$0x81] =	vst.msk $0xffff, v7  }
0xc9: {  	v7 =	vld.idx.msk [tilespmem:v0+s8+$0x50 ss:$0x1], $0xffff;
	[tilespmem:s17+$0x0 ss:$0x81] =	vst.msk $0xffff, v1  }
0xca: {  	[tilespmem:s2+$0x0 ss:$0x81] =	vst.msk $0xffff, v2;
	v9 =	vld.idx.msk [tilespmem:v0+s8+$0x60 ss:$0x1], $0xffff  }
0xcb: {  	[tilespmem:s6+$0x0 ss:$0x81] =	vst.msk $0xffff, v3;
	v4 =	vld.idx.msk [tilespmem:v0+s13+$0x10 ss:$0x1], $0xffff  }
.Ltmp10:
0xcc: {  	[tilespmem:s4+$0x0 ss:$0x81] =	vst.msk $0xffff, v5;
	v1 =	vld.idx.msk [tilespmem:v0+s13+$0x20 ss:$0x1], $0xffff;
	(pc) =	sbr.rel @p2 .LBB1_7-.Ltmp10, $4  }
0xcd: {  	[tilespmem:s5+$0x0 ss:$0x81] =	vst.msk $0xffff, v6;
	v2 =	vld.idx.msk [tilespmem:v0+s13+$0x30 ss:$0x1], $0xffff  }
0xce: {  	[tilespmem:s3+$0x0 ss:$0x81] =	vst.msk $0xffff, v8;
	v3 =	vld.idx.msk [tilespmem:v0+s13+$0x40 ss:$0x1], $0xffff  }
0xcf: {  	[tilespmem:s18+$0x0 ss:$0x81] =	vst.msk $0xffff, v7;
	v5 =	vld.idx.msk [tilespmem:v0+s13+$0x50 ss:$0x1], $0xffff  }
0xd0: {  	s12 =	sadd.s32 $0x800, s12;
	[tilespmem:s19+$0x0 ss:$0x81] =	vst.msk $0xffff, v9;
	v6 =	vld.idx.msk [tilespmem:v0+s13+$0x60 ss:$0x1], $0xffff  }
.LBB1_8:
0xd1: {  	_ =	sdelay $0x2  }
0xd2: {  	[tilespmem:s11+$0x0 ss:$0x81] =	vst.msk $0xffff, v4  }
0xd3: {  	v0 =	vld.idx.msk [tilespmem:v0+s13+$0x70 ss:$0x1], $0xffff;
	[tilespmem:s14+$0x0 ss:$0x81] =	vst.msk $0xffff, v1  }
0xd4: {  	[tilespmem:s15+$0x0 ss:$0x81] =	vst.msk $0xffff, v2  }
0xd5: {  	[tilespmem:s3+$0x0 ss:$0x81] =	vst.msk $0xffff, v3  }
0xd6: {  	[tilespmem:s16+$0x0 ss:$0x81] =	vst.msk $0xffff, v5  }
0xd7: {  	[tilespmem:s7+$0x0 ss:$0x81] =	vst.msk $0xffff, v6  }
0xd8: {  	[tilespmem:s9+$0x0 ss:$0x81] =	vst.msk $0xffff, v0  }
.LBB1_9:
.Ltmp11:
0xd9: {  	(pc) =	sbr.rel @p1 .LBB1_12-.Ltmp11, $1  }
0xda: {  	_ =	sdelay $0x3  }
0xdb: {  	s3 =	sand.u32 $0x380, s0;
	s2 =	sshrl.u32 s31, $0x4;
	s1 =	sadd.s32 s1, s29  }
0xdc: {  	s4 =	smov.u32 s26;
	s5 =	smov.u32 s24;
	s3 =	sadd.s32 s3, s28  }
.LBB1_11:
0xdd: {  	s6 =	sand.u32 $0x3C00, s4  }
0xde: {  	s6 =	sadd.s32 s0, s6  }
0xdf: {  	s6 =	sand.u32 $0x3C00, s6  }
0xe0: {  	s7 =	sand.u32 $0x70, s5;
	s18 =	sadd.s32 s5, s2;
	s6 =	sadd.s32 s6, s3  }
0xe1: {  	s5 =	sadd.s32 $0x10, s5;
	s19 =	sand.u32 $0x78, s18;
	s6 =	sadd.s32 s7, s6  }
0xe2: {  	p2 =	slt.s32 s5, s23;
	v0 =	vld [tilespmem:s6+$0x0];
	s6 =	smul.u32 $0x204, s19  }
.Ltmp12:
0xe3: {  	_ = 	snop;
	(pc) =	sbr.rel @p2 .LBB1_11-.Ltmp12, $4  }
0xe4: {  	_ = 	snop  }
0xe5: {  	s6 =	sshrl.u32 s6, $0x2  }
0xe6: {  	s6 =	sadd.s32 s6, s1  }
0xe7: {  	s4 =	sadd.s32 $0x80, s4;
	[tilespmem:s6+$0x0 ss:$0x81] =	vst.msk $0xffff, v0  }
.Ltmp13:
0xe8: {  	_ = 	snop;
	(pc) =	sbr.rel .LBB1_12-.Ltmp13, $1  }
0xe9: {  	_ =	sdelay $0x3  }
.LBB1_16:
0xea: {  	_ =	sfence.sel $0x180000  }
0xeb: {  	s0 =	simm.s32 $0x1;
	[bflag:$0x0] =	sbarrier.arrive $0xFFFF  }
0xec: {  	s30 =	simm.s32 $0x2;
	[sflag:s0] =	ssyncpa.u1 $0x1  }
0xed: {  	[sflag:s30] =	ssyncpa.u1 $0x1  }
0xee: {  	_ =	strace $0x9000004A  }
0xef: {  	s31 =	stileid.u32;
	[bflag:$0x2] =	sbarrier.arrive $0xFFFF  }
0xf0: {  	p0 =	sne.s32 s31, $0x0;
	s0 =	rddreg [dreg:$0x2]  }
0xf1: {  	s0 =	sadd.s32 @!p0 $0x100000, s0  }
0xf2: {  	[sflag:s0] =	ssyncadd.tile.s32 @!p0 $0x1;
	_ =	shalt  }
.Lfunc_end1:
_tile_overlayer_lowered:
.L_overlay_start_2:
0xf3: {  	(tag) =	ssettag $0x2  }
0xf4: {  	s0 =	rddreg [dreg:$0x0];
	s2 =	stileid.u32  }
0xf5: {  	s1 =	rddreg [dreg:$0x1];
	p0 =	sne.s32 s2, $0x0  }
0xf6: {  	s3 =	rddreg [dreg:$0x2];
	[bflag:$0x3] =	sbarrier.arrive $0xFFFF;
	s2 =	simm.s32 @!p0 $0x1C01  }
0xf7: {  	[timem:s3], [sflag:s2] =	dma.local @!p0 [hbm:s0], s1  }
0xf8: {  	s0 =	simm.s32 @!p0 $0x1  }
0xf9: {  	_ =	swait.ge @!p0 [sflag:s0], s1  }
0xfa: {  	s1 =	ssub.s32 @!p0 $0x0, s1;
	[sflag:s0] =	ssyncset.done @!p0 $0x0  }
0xfb: {  	[sflag:s0] =	ssyncadd.s32 @!p0 s1  }
0xfc: {  	[bflag:$0x3] =	sbarrier.arrive $0xFFFF  }
0xfd: {  	_ =	shalt  }

</sc_bundles>
